<compile_context>
chip_gen: v7x
topology: tpu7x:2x2x1
jax: 0.10.2.dev20260603
libtpu: 0.0.44.dev20260713+nightly
codegen_flags: <defaults>
</compile_context>

<pallas_src>
import functools

import jax
import jax.numpy as jnp
from jax import lax
from jax.experimental import pallas as pl
from jax.experimental.pallas import tpu as pltpu
from jax.experimental.pallas import tpu_sc as plsc

N_NEIGHBORS = 16
NEIGHBOR_LIMIT = 20
N_BINS = 5

_KNN_R = 32
_HIST_R = 512


def _knn_body(ct_ref, c_ref, nd_ref, idx_ref, rsum_ref):
    n = ct_ref.shape[2]
    b = pl.program_id(1)
    xc = ct_ref[0, 0:1, :]
    yc = ct_ref[0, 1:2, :]
    zc = ct_ref[0, 2:3, :]
    xr = c_ref[0, :, 0:1]
    yr = c_ref[0, :, 1:2]
    zr = c_ref[0, :, 2:3]
    dx = xr - xc
    dy = yr - yc
    dz = zr - zc
    d2 = dx * dx + dy * dy + dz * dz
    work = jnp.sqrt(d2 + 1e-12)
    iota = lax.broadcasted_iota(jnp.int32, work.shape, 1)
    s17 = None
    for k in range(NEIGHBOR_LIMIT):
        m = jnp.min(work, axis=1, keepdims=True)
        eq = work == m
        cand = jnp.where(eq, iota, n)
        am = jnp.min(cand, axis=1, keepdims=True)
        nd_ref[0, :, k] = m[:, 0]
        idx_ref[0, :, k] = am[:, 0]
        if k == N_NEIGHBORS:
            s17 = jnp.sum(m) * (1.0 / n)
        if k < NEIGHBOR_LIMIT - 1:
            work = jnp.where(iota == am, jnp.float32(1e30), work)
    part = jnp.full((1, 1), s17, dtype=jnp.float32)
    prev = jnp.where(b == 0, jnp.zeros_like(part), rsum_ref[0])
    rsum_ref[0] = prev + part


def _knn_call(coords):
    bsz, n, _ = coords.shape
    ct = jnp.transpose(coords, (0, 2, 1))
    grid = (bsz, n // _KNN_R)
    return pl.pallas_call(
        _knn_body,
        grid=grid,
        in_specs=[
            pl.BlockSpec((1, 3, n), lambda s, b: (s, 0, 0)),
            pl.BlockSpec((1, _KNN_R, 3), lambda s, b: (s, b, 0)),
        ],
        out_specs=[
            pl.BlockSpec((1, _KNN_R, NEIGHBOR_LIMIT), lambda s, b: (s, b, 0)),
            pl.BlockSpec((1, _KNN_R, NEIGHBOR_LIMIT), lambda s, b: (s, b, 0)),
            pl.BlockSpec((1, 1, 1), lambda s, b: (s, 0, 0)),
        ],
        out_shape=[
            jax.ShapeDtypeStruct((bsz, n, NEIGHBOR_LIMIT), jnp.float32),
            jax.ShapeDtypeStruct((bsz, n, NEIGHBOR_LIMIT), jnp.int32),
            jax.ShapeDtypeStruct((bsz, 1, 1), jnp.float32),
        ],
    )(ct, coords)


def _sc_gather(cflat, iflat):
    bsz, e = iflat.shape
    nc3 = cflat.shape[1]
    info = plsc.get_sparse_core_info()
    ncores = info.num_cores
    nw = ncores * info.num_subcores
    epw = e // nw
    mesh = plsc.VectorSubcoreMesh(core_axis_name="c", subcore_axis_name="s")

    @functools.partial(
        pl.kernel,
        mesh=mesh,
        compiler_params=pltpu.CompilerParams(needs_layout_passes=False),
        out_type=[jax.ShapeDtypeStruct((bsz, e), jnp.float32)] * 3,
        scratch_types=[
            pltpu.VMEM((nc3,), jnp.float32),
            pltpu.VMEM((epw,), jnp.int32),
            pltpu.VMEM((epw,), jnp.float32),
            pltpu.VMEM((epw,), jnp.float32),
            pltpu.VMEM((epw,), jnp.float32),
        ],
    )
    def gk(c_hbm, i_hbm, ox_hbm, oy_hbm, oz_hbm, cv, iv, bx, by, bz):
        wid = lax.axis_index("s") * ncores + lax.axis_index("c")
        base = wid * epw
        for s in range(bsz):
            pltpu.sync_copy(c_hbm.at[s], cv)
            pltpu.sync_copy(i_hbm.at[s, pl.ds(base, epw)], iv)

            def body(i, _):
                off = i * 16
                ii = iv[pl.ds(off, 16)] * 3
                bx[pl.ds(off, 16)] = plsc.load_gather(cv, [ii])
                by[pl.ds(off, 16)] = plsc.load_gather(cv, [ii + 1])
                bz[pl.ds(off, 16)] = plsc.load_gather(cv, [ii + 2])
                return 0

            lax.fori_loop(0, epw // 16, body, 0)
            pltpu.sync_copy(bx, ox_hbm.at[s, pl.ds(base, epw)])
            pltpu.sync_copy(by, oy_hbm.at[s, pl.ds(base, epw)])
            pltpu.sync_copy(bz, oz_hbm.at[s, pl.ds(base, epw)])

    return gk(cflat, iflat)


def _cross(ax, ay, az, bx, by, bz):
    return (ay * bz - az * by, az * bx - ax * bz, ax * by - ay * bx)


def _rp(x):
    u = jax.lax.bitcast_convert_type(x, jnp.int32)
    r = u + jnp.int32(0x7FFF) + jnp.bitwise_and(
        jax.lax.shift_right_arithmetic(u, jnp.int32(16)), jnp.int32(1))
    r = jnp.bitwise_and(r, jnp.int32(-65536))
    return jax.lax.bitcast_convert_type(r, jnp.float32)


def _neigh_parts(nd_ref, gx_ref, gy_ref, gz_ref, c_ref, radius):
    nd = nd_ref[0]
    cx = c_ref[0, :, 0:1]
    cy = c_ref[0, :, 1:2]
    cz = c_ref[0, :, 2:3]
    mask = nd <= radius
    fl = 2.0 * radius
    nx = jnp.where(mask, gx_ref[0] - cx, fl)
    ny = jnp.where(mask, gy_ref[0] - cy, fl)
    nz = jnp.where(mask, gz_ref[0] - cz, fl)
    return nx, ny, nz


def _cov_body(nd_ref, gx_ref, gy_ref, gz_ref, c_ref, rs_ref, cov_ref):
    radius = rs_ref[0]
    nx, ny, nz = _neigh_parts(nd_ref, gx_ref, gy_ref, gz_ref, c_ref, radius)
    d = jnp.sqrt(nx * nx + ny * ny + nz * nz + 1e-12)
    w = jnp.maximum(radius - d, 0.0)
    denom = jnp.sum(w, axis=1, keepdims=True) + 1e-12
    wnx = _rp(w * nx)
    wny = _rp(w * ny)
    wnz = _rp(w * nz)
    rnx = _rp(nx)
    rny = _rp(ny)
    rnz = _rp(nz)

    def s(p, q):
        return jnp.sum(p * q, axis=1, keepdims=True) / denom

    a = s(wnx, rnx)
    b = s(wny, rny)
    c = s(wnz, rnz)
    dxy = (s(wnx, rny) + s(wny, rnx)) * 0.5
    dxz = (s(wnx, rnz) + s(wnz, rnx)) * 0.5
    dyz = (s(wny, rnz) + s(wnz, rny)) * 0.5
    zero = jnp.zeros_like(a)
    cov_ref[0] = jnp.concatenate([a, b, c, dxy, dxz, dyz, zero, zero], axis=1)


def _cov_call(nd, gx, gy, gz, coords, rsum):
    bsz, n, _ = coords.shape
    grid = (bsz, n // _HIST_R)
    blk20 = pl.BlockSpec((1, _HIST_R, NEIGHBOR_LIMIT), lambda s, b: (s, b, 0))
    return pl.pallas_call(
        _cov_body,
        grid=grid,
        in_specs=[
            blk20, blk20, blk20, blk20,
            pl.BlockSpec((1, _HIST_R, 3), lambda s, b: (s, b, 0)),
            pl.BlockSpec((1, 1, 1), lambda s, b: (s, 0, 0)),
        ],
        out_specs=pl.BlockSpec((1, _HIST_R, 8), lambda s, b: (s, b, 0)),
        out_shape=jax.ShapeDtypeStruct((bsz, n, 8), jnp.float32),
    )(nd, gx, gy, gz, coords, rsum)


def _eigvec(lam, a, b, c, dd, ee, ff, fbx, fby, fbz):
    m00 = a - lam
    m11 = b - lam
    m22 = c - lam
    c01 = _cross(m00, dd, ee, dd, m11, ff)
    c12 = _cross(dd, m11, ff, ee, ff, m22)
    c20 = _cross(ee, ff, m22, m00, dd, ee)
    n01 = c01[0] * c01[0] + c01[1] * c01[1] + c01[2] * c01[2]
    n12 = c12[0] * c12[0] + c12[1] * c12[1] + c12[2] * c12[2]
    n20 = c20[0] * c20[0] + c20[1] * c20[1] + c20[2] * c20[2]
    use12 = jnp.logical_and(n12 >= n01, n12 >= n20)
    use01 = jnp.logical_and(jnp.logical_not(use12), n01 >= n20)
    vx = jnp.where(use12, c12[0], jnp.where(use01, c01[0], c20[0]))
    vy = jnp.where(use12, c12[1], jnp.where(use01, c01[1], c20[1]))
    vz = jnp.where(use12, c12[2], jnp.where(use01, c01[2], c20[2]))
    nn = vx * vx + vy * vy + vz * vz
    good = nn > 1e-30
    inv = lax.rsqrt(jnp.where(good, nn, 1.0))
    vx = jnp.where(good, vx * inv, fbx)
    vy = jnp.where(good, vy * inv, fby)
    vz = jnp.where(good, vz * inv, fbz)
    return vx, vy, vz


def _hist_body(nd_ref, gx_ref, gy_ref, gz_ref, c_ref, rs_ref, xa_ref, za_ref,
               out_ref):
    radius = rs_ref[0]
    nx, ny, nz = _neigh_parts(nd_ref, gx_ref, gy_ref, gz_ref, c_ref, radius)
    xax = xa_ref[0, :, 0:1]
    xay = xa_ref[0, :, 1:2]
    xaz = xa_ref[0, :, 2:3]
    zax = za_ref[0, :, 0:1]
    zay = za_ref[0, :, 1:2]
    zaz = za_ref[0, :, 2:3]

    def disamb(ux, uy, uz):
        s = jnp.sum(nx * ux + ny * uy + nz * uz, axis=1, keepdims=True)
        s = jnp.sign(s)
        s = jnp.where(s == 0, 1.0, s)
        return ux * s, uy * s, uz * s

    xax, xay, xaz = disamb(xax, xay, xaz)
    zax, zay, zaz = disamb(zax, zay, zaz)
    yax, yay, yaz = _cross(zax, zay, zaz, xax, xay, xaz)
    rnx, rny, rnz = _rp(nx), _rp(ny), _rp(nz)
    lx = _rp(xax) * rnx + _rp(xay) * rny + _rp(xaz) * rnz
    ly = _rp(yax) * rnx + _rp(yay) * rny + _rp(yaz) * rnz
    lz = _rp(zax) * rnx + _rp(zay) * rny + _rp(zaz) * rnz
    r3 = jnp.sqrt(lx * lx + ly * ly + lz * lz + 1e-12)
    r2 = jnp.sqrt(lx * lx + ly * ly + 1e-12)
    sc = r3 / (r2 + 1e-12)
    px = lx * sc
    py = ly * sc
    step = 2.0 * radius * (1.0 / N_BINS)
    bxf = jnp.floor((px + radius) / step)
    byf = jnp.floor((py + radius) / step)
    valid = ((bxf >= 0) & (bxf < N_BINS) & (byf >= 0) & (byf < N_BINS))
    vm = valid.astype(jnp.float32)
    bx = jnp.clip(bxf, 0, N_BINS - 1).astype(jnp.int32)
    by = jnp.clip(byf, 0, N_BINS - 1).astype(jnp.int32)
    bix = by * N_BINS + bx
    cols = []
    ssq = None
    for j in range(N_BINS * N_BINS):
        jy, jx = divmod(j, N_BINS)
        cpx = -radius + jx * step + step * 0.5
        cpy = -radius + jy * step + step * 0.5
        wt = radius - jnp.sqrt(cpx * cpx + cpy * cpy + 1e-12)
        h = jnp.sum(vm * (bix == j).astype(jnp.float32), axis=1,
                    keepdims=True) * wt
        cols.append(h)
        ssq = h * h if ssq is None else ssq + h * h
    hnorm = 1.0 / jnp.sqrt(ssq + 1e-12)
    out_ref[0] = jnp.concatenate(cols, axis=1) * hnorm


def _hist_call(nd, gx, gy, gz, coords, rsum, xa, za):
    bsz, n, _ = coords.shape
    grid = (bsz, n // _HIST_R)
    blk20 = pl.BlockSpec((1, _HIST_R, NEIGHBOR_LIMIT), lambda s, b: (s, b, 0))
    blk3 = pl.BlockSpec((1, _HIST_R, 3), lambda s, b: (s, b, 0))
    return pl.pallas_call(
        _hist_body,
        grid=grid,
        in_specs=[
            blk20, blk20, blk20, blk20, blk3,
            pl.BlockSpec((1, 1, 1), lambda s, b: (s, 0, 0)),
            blk3, blk3,
        ],
        out_specs=pl.BlockSpec((1, _HIST_R, N_BINS * N_BINS),
                               lambda s, b: (s, b, 0)),
        out_shape=jax.ShapeDtypeStruct((bsz, n, N_BINS * N_BINS),
                                       jnp.float32),
    )(nd, gx, gy, gz, coords, rsum, xa, za)


def _eigh_axes(cov8):
    a, b, c = cov8[..., 0], cov8[..., 1], cov8[..., 2]
    dxy, dxz, dyz = cov8[..., 3], cov8[..., 4], cov8[..., 5]
    r0 = jnp.stack([a, dxy, dxz], axis=-1)
    r1 = jnp.stack([dxy, b, dyz], axis=-1)
    r2 = jnp.stack([dxz, dyz, c], axis=-1)
    cov = jnp.stack([r0, r1, r2], axis=-2)

    def f(m):
        evals, evecs = jnp.linalg.eigh(m)
        return evecs[:, :, 2], evecs[:, :, 0]

    return jax.lax.map(f, cov)


def kernel(batched_coordinates):
    coords = batched_coordinates
    bsz, n, _ = coords.shape
    nd, idx, rsum = _knn_call(coords)
    cflat = coords.reshape(bsz, n * 3)
    iflat = idx.reshape(bsz, n * NEIGHBOR_LIMIT)
    gx, gy, gz = _sc_gather(cflat, iflat)
    shp = (bsz, n, NEIGHBOR_LIMIT)
    gx, gy, gz = gx.reshape(shp), gy.reshape(shp), gz.reshape(shp)
    del rsum
    rsum = jnp.mean(nd[:, :, N_NEIGHBORS], axis=1).reshape(bsz, 1, 1)
    cov8 = _cov_call(nd, gx, gy, gz, coords, rsum)
    xa, za = _eigh_axes(cov8)
    return _hist_call(nd, gx, gy, gz, coords, rsum, xa, za)

# --- scband reference (transcript-rebuilt; emitter-appended) ---
"""Pipeline reference for scband-tangent-projections-36086315221234 (READ-ONLY COPY).

The authoritative reference and input builder live on the scoring server;
editing this copy changes nothing except your own understanding.
"""

import jax, jax.numpy as jnp
import numpy as np

N_NEIGHBORS = 16
NEIGHBOR_LIMIT = 20
N_BINS = 5


def safe_norm(x, axis=-1):
    return jnp.sqrt(jnp.sum(x * x, axis=axis) + 1e-12)


def compute_distance_matrix(coords):
    d2 = jnp.sum((coords[:, None, :] - coords[None, :, :]) ** 2, axis=-1)
    return jnp.sqrt(d2 + 1e-12)


def group_neighborhoods(coords, radius, neighbor_limit, dm, fill_len):
    idx = jnp.argsort(dm, axis=-1)[:, :neighbor_limit]
    nd = jnp.take_along_axis(dm, idx, axis=-1)
    neigh = coords[idx] - coords[:, None, :]
    mask = (nd <= radius)[..., None]
    fill = jnp.full((3,), fill_len, dtype=coords.dtype)
    neigh = jnp.where(mask, neigh, fill)
    return neigh, idx


def shot_lrf(neigh, radius):
    d = safe_norm(neigh)
    w = jnp.maximum(radius - d, 0.0)
    cov = jnp.einsum('nk,nki,nkj->nij', w, neigh, neigh) / (jnp.sum(w, axis=-1)[:, None, None] + 1e-12)
    evals, evecs = jnp.linalg.eigh(cov)
    x_axis = evecs[:, :, 2]
    z_axis = evecs[:, :, 0]

    def disamb(axis):
        s = jnp.sign(jnp.sum(jnp.einsum('nki,ni->nk', neigh, axis), axis=-1))
        s = jnp.where(s == 0, 1.0, s)
        return axis * s[:, None]

    x_axis = disamb(x_axis)
    z_axis = disamb(z_axis)
    y_axis = jnp.cross(z_axis, x_axis)
    return jnp.stack([x_axis, y_axis, z_axis], axis=1)


def logarithmic_map(lrfs, neigh):
    local = jnp.einsum('nij,nkj->nki', lrfs, neigh)
    xy = local[..., :2]
    r3 = safe_norm(local)
    r2 = safe_norm(xy)
    return xy * (r3 / (r2 + 1e-12))[..., None]


def call_helper(coords):
    dm = compute_distance_matrix(coords)
    sorted_dm = jnp.sort(dm, axis=-1)
    radius = jnp.mean(sorted_dm[:, N_NEIGHBORS])
    neigh, _ = group_neighborhoods(coords, radius, NEIGHBOR_LIMIT, dm, radius * 2.0)
    lrfs = shot_lrf(neigh, radius)
    proj = logarithmic_map(lrfs, neigh)
    step = 2.0 * radius / N_BINS
    grid_axes = jnp.linspace(-radius, radius, N_BINS + 1)
    cp = grid_axes[:-1] + step / 2.0
    cpts = jnp.stack(jnp.meshgrid(cp, cp), axis=-1)
    weights = radius - safe_norm(cpts)

    def to_hist(p):
        bins = jnp.floor((p + radius) / step)
        valid = jnp.all((bins >= 0) & (bins < N_BINS), axis=-1)
        bx = jnp.clip(bins[:, 0], 0, N_BINS - 1).astype(jnp.int32)
        by = jnp.clip(bins[:, 1], 0, N_BINS - 1).astype(jnp.int32)
        h = jnp.zeros((N_BINS, N_BINS), dtype=jnp.float32).at[by, bx].add(valid.astype(jnp.float32))
        h = h * weights
        return h / jnp.sqrt(jnp.sum(h * h) + 1e-12)

    hists = jax.vmap(to_hist)(proj)
    return hists.reshape(coords.shape[0], N_BINS * N_BINS)


def setup_inputs(seed: int = 0) -> dict:
    key = jax.random.key(seed)
    batched_coordinates = jax.random.uniform(key, (4, 4096, 3), dtype=jnp.float32)
    return {"batched_coordinates": batched_coordinates}


def reference(batched_coordinates):
    return jax.lax.map(call_helper, batched_coordinates)

if __name__ == "__main__":
    import jax
    _d = setup_inputs()
    print(jax.jit(kernel)(*tuple(_d.values())))

</pallas_src>

<mosaic_0001>
#map = affine_map<(d0, d1) -> (0, 0)>
module attributes {stable_mosaic.version = 14 : i64} {
  func.func @gk(%arg0: i32, %arg1: i32, %arg2: memref<4x12288xf32, #tpu.memory_space<hbm>>, %arg3: memref<4x81920xi32, #tpu.memory_space<hbm>>, %arg4: memref<4x81920xf32, #tpu.memory_space<hbm>>, %arg5: memref<4x81920xf32, #tpu.memory_space<hbm>>, %arg6: memref<4x81920xf32, #tpu.memory_space<hbm>>, %arg7: memref<12288xf32, #tpu.memory_space<vmem>>, %arg8: memref<2560xi32, #tpu.memory_space<vmem>>, %arg9: memref<2560xf32, #tpu.memory_space<vmem>>, %arg10: memref<2560xf32, #tpu.memory_space<vmem>>, %arg11: memref<2560xf32, #tpu.memory_space<vmem>>) attributes {dimension_semantics = [#tpu.dimension_semantics<core_parallel>, #tpu.dimension_semantics<subcore_parallel>], iteration_bounds = array<i64: 2, 16>, scalar_prefetch = 0 : i64, scratch_operands = 5 : i64, tpu.core_type = #tpu.core_type<sc_vector_subcore>, window_params = [{transform_indices = #map}, {transform_indices = #map}, {transform_indices = #map}, {transform_indices = #map}, {transform_indices = #map}]} {
    %mul3A = arith.constant 2 : i32
    %mul3A_0 = arith.muli %arg1, %mul3A : i32
    %add3A = arith.addi %mul3A_0, %arg0 : i32
    %mul3A_1 = arith.constant 2560 : i32
    %mul3A_2 = arith.muli %add3A, %mul3A_1 : i32
    %run_scoped3A = arith.constant 0 : i32
    "tpu.region"() ({
      %run_scoped3A_49 = tpu.sem_alloc : memref<!tpu.dma_semaphore, #tpu.memory_space<semaphore_mem>>
      %dma_start3A = arith.constant 0 : i32
      %dma_start3A_50 = tpu.memref_slice %arg2[%run_scoped3A, %dma_start3A] : memref<4x12288xf32, #tpu.memory_space<hbm>> -> memref<1x12288xf32, #tpu.memory_space<hbm>>
      %dma_start3A_51 = tpu.memref_squeeze %dma_start3A_50 : memref<1x12288xf32, #tpu.memory_space<hbm>> -> memref<12288xf32, #tpu.memory_space<hbm>>
      %dma_start3A_52 = arith.constant 0 : i32
      %dma_start3A_53 = tpu.memref_slice %arg2[%run_scoped3A, %dma_start3A_52] : memref<4x12288xf32, #tpu.memory_space<hbm>> -> memref<1x12288xf32, #tpu.memory_space<hbm>>
      %dma_start3A_54 = tpu.memref_squeeze %dma_start3A_53 : memref<1x12288xf32, #tpu.memory_space<hbm>> -> memref<12288xf32, #tpu.memory_space<hbm>>
      tpu.enqueue_dma source(%dma_start3A_54 : memref<12288xf32, #tpu.memory_space<hbm>>) target(%arg7 : memref<12288xf32, #tpu.memory_space<vmem>>) target_semaphore(%run_scoped3A_49 : memref<!tpu.dma_semaphore, #tpu.memory_space<semaphore_mem>>)
      %dma_wait3A = arith.constant 0 : i32
      %dma_wait3A_55 = tpu.memref_slice %arg2[%run_scoped3A, %dma_wait3A] : memref<4x12288xf32, #tpu.memory_space<hbm>> -> memref<1x12288xf32, #tpu.memory_space<hbm>>
      %dma_wait3A_56 = tpu.memref_squeeze %dma_wait3A_55 : memref<1x12288xf32, #tpu.memory_space<hbm>> -> memref<12288xf32, #tpu.memory_space<hbm>>
      %dma_wait3A_57 = arith.constant 0 : i32
      %dma_wait3A_58 = tpu.memref_slice %arg2[%run_scoped3A, %dma_wait3A_57] : memref<4x12288xf32, #tpu.memory_space<hbm>> -> memref<1x12288xf32, #tpu.memory_space<hbm>>
      %dma_wait3A_59 = tpu.memref_squeeze %dma_wait3A_58 : memref<1x12288xf32, #tpu.memory_space<hbm>> -> memref<12288xf32, #tpu.memory_space<hbm>>
      tpu.wait_dma2 semaphore(%run_scoped3A_49 : memref<!tpu.dma_semaphore, #tpu.memory_space<semaphore_mem>>) src(%dma_wait3A_59 : memref<12288xf32, #tpu.memory_space<hbm>>) dst(%arg7 : memref<12288xf32, #tpu.memory_space<vmem>>)
      tpu.yield
    }) : () -> ()
    %run_scoped3A_3 = arith.constant 0 : i32
    "tpu.region"() ({
      %run_scoped3A_49 = tpu.sem_alloc : memref<!tpu.dma_semaphore, #tpu.memory_space<semaphore_mem>>
      %dma_start3A = tpu.memref_slice %arg3[%run_scoped3A_3, %mul3A_2] : memref<4x81920xi32, #tpu.memory_space<hbm>> -> memref<1x2560xi32, #tpu.memory_space<hbm>>
      %dma_start3A_50 = tpu.memref_squeeze %dma_start3A : memref<1x2560xi32, #tpu.memory_space<hbm>> -> memref<2560xi32, #tpu.memory_space<hbm>>
      %dma_start3A_51 = tpu.memref_slice %arg3[%run_scoped3A_3, %mul3A_2] : memref<4x81920xi32, #tpu.memory_space<hbm>> -> memref<1x2560xi32, #tpu.memory_space<hbm>>
      %dma_start3A_52 = tpu.memref_squeeze %dma_start3A_51 : memref<1x2560xi32, #tpu.memory_space<hbm>> -> memref<2560xi32, #tpu.memory_space<hbm>>
      tpu.enqueue_dma source(%dma_start3A_52 : memref<2560xi32, #tpu.memory_space<hbm>>) target(%arg8 : memref<2560xi32, #tpu.memory_space<vmem>>) target_semaphore(%run_scoped3A_49 : memref<!tpu.dma_semaphore, #tpu.memory_space<semaphore_mem>>)
      %dma_wait3A = tpu.memref_slice %arg3[%run_scoped3A_3, %mul3A_2] : memref<4x81920xi32, #tpu.memory_space<hbm>> -> memref<1x2560xi32, #tpu.memory_space<hbm>>
      %dma_wait3A_53 = tpu.memref_squeeze %dma_wait3A : memref<1x2560xi32, #tpu.memory_space<hbm>> -> memref<2560xi32, #tpu.memory_space<hbm>>
      %dma_wait3A_54 = tpu.memref_slice %arg3[%run_scoped3A_3, %mul3A_2] : memref<4x81920xi32, #tpu.memory_space<hbm>> -> memref<1x2560xi32, #tpu.memory_space<hbm>>
      %dma_wait3A_55 = tpu.memref_squeeze %dma_wait3A_54 : memref<1x2560xi32, #tpu.memory_space<hbm>> -> memref<2560xi32, #tpu.memory_space<hbm>>
      tpu.wait_dma2 semaphore(%run_scoped3A_49 : memref<!tpu.dma_semaphore, #tpu.memory_space<semaphore_mem>>) src(%dma_wait3A_55 : memref<2560xi32, #tpu.memory_space<hbm>>) dst(%arg8 : memref<2560xi32, #tpu.memory_space<vmem>>)
      tpu.yield
    }) : () -> ()
    %scan3A = arith.constant 0 : i32
    %scan3A_4 = arith.constant 0 : i32
    %scan3A_5 = arith.constant 160 : i32
    %scan3A_6 = arith.addi %scan3A_4, %scan3A_5 : i32
    %scan3A_7 = arith.constant 1 : i32
    %scan3A_8 = scf.for %scan3A_49 = %scan3A_4 to %scan3A_6 step %scan3A_7 iter_args(%scan3A_50 = %scan3A) -> (i32)  : i32 {
      %mul3A_51 = arith.constant 16 : i32
      %mul3A_52 = arith.muli %scan3A_49, %mul3A_51 : i32
      %get3A = arith.index_cast %mul3A_52 : i32 to index
      %get3A_53 = tpu.vector_load %arg8[%get3A] {strides = array<i32>} : memref<2560xi32, #tpu.memory_space<vmem>>, vector<16xi32>,
      %mul3A_54 = arith.constant 3 : i32
      %mul3A_55 = vector.broadcast %mul3A_54 : i32 to vector<16xi32>
      %mul3A_56 = arith.muli %get3A_53, %mul3A_55 : vector<16xi32>
      %gather3A = tpu.vector_load_idx %arg7[%mul3A_56] : memref<12288xf32, #tpu.memory_space<vmem>>[vector<16xi32>], vector<16xf32>,
      %swap3A = arith.index_cast %mul3A_52 : i32 to index
      %swap3A_57 = tpu.vector_load %arg9[%swap3A] {strides = array<i32>} : memref<2560xf32, #tpu.memory_space<vmem>>, vector<16xf32>,
      tpu.vector_store %arg9[%swap3A], %gather3A {strides = array<i32>} : memref<2560xf32, #tpu.memory_space<vmem>>, vector<16xf32>,
      %add3A_58 = arith.constant 1 : i32
      %add3A_59 = vector.broadcast %add3A_58 : i32 to vector<16xi32>
      %add3A_60 = arith.addi %mul3A_56, %add3A_59 : vector<16xi32>
      %gather3A_61 = tpu.vector_load_idx %arg7[%add3A_60] : memref<12288xf32, #tpu.memory_space<vmem>>[vector<16xi32>], vector<16xf32>,
      %swap3A_62 = arith.index_cast %mul3A_52 : i32 to index
      %swap3A_63 = tpu.vector_load %arg10[%swap3A_62] {strides = array<i32>} : memref<2560xf32, #tpu.memory_space<vmem>>, vector<16xf32>,
      tpu.vector_store %arg10[%swap3A_62], %gather3A_61 {strides = array<i32>} : memref<2560xf32, #tpu.memory_space<vmem>>, vector<16xf32>,
      %add3A_64 = arith.constant 2 : i32
      %add3A_65 = vector.broadcast %add3A_64 : i32 to vector<16xi32>
      %add3A_66 = arith.addi %mul3A_56, %add3A_65 : vector<16xi32>
      %gather3A_67 = tpu.vector_load_idx %arg7[%add3A_66] : memref<12288xf32, #tpu.memory_space<vmem>>[vector<16xi32>], vector<16xf32>,
      %swap3A_68 = arith.index_cast %mul3A_52 : i32 to index
      %swap3A_69 = tpu.vector_load %arg11[%swap3A_68] {strides = array<i32>} : memref<2560xf32, #tpu.memory_space<vmem>>, vector<16xf32>,
      tpu.vector_store %arg11[%swap3A_68], %gather3A_67 {strides = array<i32>} : memref<2560xf32, #tpu.memory_space<vmem>>, vector<16xf32>,
      %scan3A_70 = arith.constant 0 : i32
      scf.yield %scan3A_70 : i32
    }
    %scan3A_9 = arith.constant 160 : i32
    %run_scoped3A_10 = arith.constant 0 : i32
    "tpu.region"() ({
      %run_scoped3A_49 = tpu.sem_alloc : memref<!tpu.dma_semaphore, #tpu.memory_space<semaphore_mem>>
      %dma_start3A = tpu.memref_slice %arg4[%run_scoped3A_10, %mul3A_2] : memref<4x81920xf32, #tpu.memory_space<hbm>> -> memref<1x2560xf32, #tpu.memory_space<hbm>>
      %dma_start3A_50 = tpu.memref_squeeze %dma_start3A : memref<1x2560xf32, #tpu.memory_space<hbm>> -> memref<2560xf32, #tpu.memory_space<hbm>>
      %dma_start3A_51 = tpu.memref_slice %arg4[%run_scoped3A_10, %mul3A_2] : memref<4x81920xf32, #tpu.memory_space<hbm>> -> memref<1x2560xf32, #tpu.memory_space<hbm>>
      %dma_start3A_52 = tpu.memref_squeeze %dma_start3A_51 : memref<1x2560xf32, #tpu.memory_space<hbm>> -> memref<2560xf32, #tpu.memory_space<hbm>>
      tpu.enqueue_dma source(%arg9 : memref<2560xf32, #tpu.memory_space<vmem>>) target(%dma_start3A_52 : memref<2560xf32, #tpu.memory_space<hbm>>) target_semaphore(%run_scoped3A_49 : memref<!tpu.dma_semaphore, #tpu.memory_space<semaphore_mem>>)
      %dma_wait3A = tpu.memref_slice %arg4[%run_scoped3A_10, %mul3A_2] : memref<4x81920xf32, #tpu.memory_space<hbm>> -> memref<1x2560xf32, #tpu.memory_space<hbm>>
      %dma_wait3A_53 = tpu.memref_squeeze %dma_wait3A : memref<1x2560xf32, #tpu.memory_space<hbm>> -> memref<2560xf32, #tpu.memory_space<hbm>>
      %dma_wait3A_54 = tpu.memref_slice %arg4[%run_scoped3A_10, %mul3A_2] : memref<4x81920xf32, #tpu.memory_space<hbm>> -> memref<1x2560xf32, #tpu.memory_space<hbm>>
      %dma_wait3A_55 = tpu.memref_squeeze %dma_wait3A_54 : memref<1x2560xf32, #tpu.memory_space<hbm>> -> memref<2560xf32, #tpu.memory_space<hbm>>
      tpu.wait_dma2 semaphore(%run_scoped3A_49 : memref<!tpu.dma_semaphore, #tpu.memory_space<semaphore_mem>>) src(%arg9 : memref<2560xf32, #tpu.memory_space<vmem>>) dst(%dma_wait3A_55 : memref<2560xf32, #tpu.memory_space<hbm>>)
      tpu.yield
    }) : () -> ()
    %run_scoped3A_11 = arith.constant 0 : i32
    "tpu.region"() ({
      %run_scoped3A_49 = tpu.sem_alloc : memref<!tpu.dma_semaphore, #tpu.memory_space<semaphore_mem>>
      %dma_start3A = tpu.memref_slice %arg5[%run_scoped3A_11, %mul3A_2] : memref<4x81920xf32, #tpu.memory_space<hbm>> -> memref<1x2560xf32, #tpu.memory_space<hbm>>
      %dma_start3A_50 = tpu.memref_squeeze %dma_start3A : memref<1x2560xf32, #tpu.memory_space<hbm>> -> memref<2560xf32, #tpu.memory_space<hbm>>
      %dma_start3A_51 = tpu.memref_slice %arg5[%run_scoped3A_11, %mul3A_2] : memref<4x81920xf32, #tpu.memory_space<hbm>> -> memref<1x2560xf32, #tpu.memory_space<hbm>>
      %dma_start3A_52 = tpu.memref_squeeze %dma_start3A_51 : memref<1x2560xf32, #tpu.memory_space<hbm>> -> memref<2560xf32, #tpu.memory_space<hbm>>
      tpu.enqueue_dma source(%arg10 : memref<2560xf32, #tpu.memory_space<vmem>>) target(%dma_start3A_52 : memref<2560xf32, #tpu.memory_space<hbm>>) target_semaphore(%run_scoped3A_49 : memref<!tpu.dma_semaphore, #tpu.memory_space<semaphore_mem>>)
      %dma_wait3A = tpu.memref_slice %arg5[%run_scoped3A_11, %mul3A_2] : memref<4x81920xf32, #tpu.memory_space<hbm>> -> memref<1x2560xf32, #tpu.memory_space<hbm>>
      %dma_wait3A_53 = tpu.memref_squeeze %dma_wait3A : memref<1x2560xf32, #tpu.memory_space<hbm>> -> memref<2560xf32, #tpu.memory_space<hbm>>
      %dma_wait3A_54 = tpu.memref_slice %arg5[%run_scoped3A_11, %mul3A_2] : memref<4x81920xf32, #tpu.memory_space<hbm>> -> memref<1x2560xf32, #tpu.memory_space<hbm>>
      %dma_wait3A_55 = tpu.memref_squeeze %dma_wait3A_54 : memref<1x2560xf32, #tpu.memory_space<hbm>> -> memref<2560xf32, #tpu.memory_space<hbm>>
      tpu.wait_dma2 semaphore(%run_scoped3A_49 : memref<!tpu.dma_semaphore, #tpu.memory_space<semaphore_mem>>) src(%arg10 : memref<2560xf32, #tpu.memory_space<vmem>>) dst(%dma_wait3A_55 : memref<2560xf32, #tpu.memory_space<hbm>>)
      tpu.yield
    }) : () -> ()
    %run_scoped3A_12 = arith.constant 0 : i32
    "tpu.region"() ({
      %run_scoped3A_49 = tpu.sem_alloc : memref<!tpu.dma_semaphore, #tpu.memory_space<semaphore_mem>>
      %dma_start3A = tpu.memref_slice %arg6[%run_scoped3A_12, %mul3A_2] : memref<4x81920xf32, #tpu.memory_space<hbm>> -> memref<1x2560xf32, #tpu.memory_space<hbm>>
      %dma_start3A_50 = tpu.memref_squeeze %dma_start3A : memref<1x2560xf32, #tpu.memory_space<hbm>> -> memref<2560xf32, #tpu.memory_space<hbm>>
      %dma_start3A_51 = tpu.memref_slice %arg6[%run_scoped3A_12, %mul3A_2] : memref<4x81920xf32, #tpu.memory_space<hbm>> -> memref<1x2560xf32, #tpu.memory_space<hbm>>
      %dma_start3A_52 = tpu.memref_squeeze %dma_start3A_51 : memref<1x2560xf32, #tpu.memory_space<hbm>> -> memref<2560xf32, #tpu.memory_space<hbm>>
      tpu.enqueue_dma source(%arg11 : memref<2560xf32, #tpu.memory_space<vmem>>) target(%dma_start3A_52 : memref<2560xf32, #tpu.memory_space<hbm>>) target_semaphore(%run_scoped3A_49 : memref<!tpu.dma_semaphore, #tpu.memory_space<semaphore_mem>>)
      %dma_wait3A = tpu.memref_slice %arg6[%run_scoped3A_12, %mul3A_2] : memref<4x81920xf32, #tpu.memory_space<hbm>> -> memref<1x2560xf32, #tpu.memory_space<hbm>>
      %dma_wait3A_53 = tpu.memref_squeeze %dma_wait3A : memref<1x2560xf32, #tpu.memory_space<hbm>> -> memref<2560xf32, #tpu.memory_space<hbm>>
      %dma_wait3A_54 = tpu.memref_slice %arg6[%run_scoped3A_12, %mul3A_2] : memref<4x81920xf32, #tpu.memory_space<hbm>> -> memref<1x2560xf32, #tpu.memory_space<hbm>>
      %dma_wait3A_55 = tpu.memref_squeeze %dma_wait3A_54 : memref<1x2560xf32, #tpu.memory_space<hbm>> -> memref<2560xf32, #tpu.memory_space<hbm>>
      tpu.wait_dma2 semaphore(%run_scoped3A_49 : memref<!tpu.dma_semaphore, #tpu.memory_space<semaphore_mem>>) src(%arg11 : memref<2560xf32, #tpu.memory_space<vmem>>) dst(%dma_wait3A_55 : memref<2560xf32, #tpu.memory_space<hbm>>)
      tpu.yield
    }) : () -> ()
    %run_scoped3A_13 = arith.constant 1 : i32
    "tpu.region"() ({
      %run_scoped3A_49 = tpu.sem_alloc : memref<!tpu.dma_semaphore, #tpu.memory_space<semaphore_mem>>
      %dma_start3A = arith.constant 0 : i32
      %dma_start3A_50 = tpu.memref_slice %arg2[%run_scoped3A_13, %dma_start3A] : memref<4x12288xf32, #tpu.memory_space<hbm>> -> memref<1x12288xf32, #tpu.memory_space<hbm>>
      %dma_start3A_51 = tpu.memref_squeeze %dma_start3A_50 : memref<1x12288xf32, #tpu.memory_space<hbm>> -> memref<12288xf32, #tpu.memory_space<hbm>>
      %dma_start3A_52 = arith.constant 0 : i32
      %dma_start3A_53 = tpu.memref_slice %arg2[%run_scoped3A_13, %dma_start3A_52] : memref<4x12288xf32, #tpu.memory_space<hbm>> -> memref<1x12288xf32, #tpu.memory_space<hbm>>
      %dma_start3A_54 = tpu.memref_squeeze %dma_start3A_53 : memref<1x12288xf32, #tpu.memory_space<hbm>> -> memref<12288xf32, #tpu.memory_space<hbm>>
      tpu.enqueue_dma source(%dma_start3A_54 : memref<12288xf32, #tpu.memory_space<hbm>>) target(%arg7 : memref<12288xf32, #tpu.memory_space<vmem>>) target_semaphore(%run_scoped3A_49 : memref<!tpu.dma_semaphore, #tpu.memory_space<semaphore_mem>>)
      %dma_wait3A = arith.constant 0 : i32
      %dma_wait3A_55 = tpu.memref_slice %arg2[%run_scoped3A_13, %dma_wait3A] : memref<4x12288xf32, #tpu.memory_space<hbm>> -> memref<1x12288xf32, #tpu.memory_space<hbm>>
      %dma_wait3A_56 = tpu.memref_squeeze %dma_wait3A_55 : memref<1x12288xf32, #tpu.memory_space<hbm>> -> memref<12288xf32, #tpu.memory_space<hbm>>
      %dma_wait3A_57 = arith.constant 0 : i32
      %dma_wait3A_58 = tpu.memref_slice %arg2[%run_scoped3A_13, %dma_wait3A_57] : memref<4x12288xf32, #tpu.memory_space<hbm>> -> memref<1x12288xf32, #tpu.memory_space<hbm>>
      %dma_wait3A_59 = tpu.memref_squeeze %dma_wait3A_58 : memref<1x12288xf32, #tpu.memory_space<hbm>> -> memref<12288xf32, #tpu.memory_space<hbm>>
      tpu.wait_dma2 semaphore(%run_scoped3A_49 : memref<!tpu.dma_semaphore, #tpu.memory_space<semaphore_mem>>) src(%dma_wait3A_59 : memref<12288xf32, #tpu.memory_space<hbm>>) dst(%arg7 : memref<12288xf32, #tpu.memory_space<vmem>>)
      tpu.yield
    }) : () -> ()
    %run_scoped3A_14 = arith.constant 1 : i32
    "tpu.region"() ({
      %run_scoped3A_49 = tpu.sem_alloc : memref<!tpu.dma_semaphore, #tpu.memory_space<semaphore_mem>>
      %dma_start3A = tpu.memref_slice %arg3[%run_scoped3A_14, %mul3A_2] : memref<4x81920xi32, #tpu.memory_space<hbm>> -> memref<1x2560xi32, #tpu.memory_space<hbm>>
      %dma_start3A_50 = tpu.memref_squeeze %dma_start3A : memref<1x2560xi32, #tpu.memory_space<hbm>> -> memref<2560xi32, #tpu.memory_space<hbm>>
      %dma_start3A_51 = tpu.memref_slice %arg3[%run_scoped3A_14, %mul3A_2] : memref<4x81920xi32, #tpu.memory_space<hbm>> -> memref<1x2560xi32, #tpu.memory_space<hbm>>
      %dma_start3A_52 = tpu.memref_squeeze %dma_start3A_51 : memref<1x2560xi32, #tpu.memory_space<hbm>> -> memref<2560xi32, #tpu.memory_space<hbm>>
      tpu.enqueue_dma source(%dma_start3A_52 : memref<2560xi32, #tpu.memory_space<hbm>>) target(%arg8 : memref<2560xi32, #tpu.memory_space<vmem>>) target_semaphore(%run_scoped3A_49 : memref<!tpu.dma_semaphore, #tpu.memory_space<semaphore_mem>>)
      %dma_wait3A = tpu.memref_slice %arg3[%run_scoped3A_14, %mul3A_2] : memref<4x81920xi32, #tpu.memory_space<hbm>> -> memref<1x2560xi32, #tpu.memory_space<hbm>>
      %dma_wait3A_53 = tpu.memref_squeeze %dma_wait3A : memref<1x2560xi32, #tpu.memory_space<hbm>> -> memref<2560xi32, #tpu.memory_space<hbm>>
      %dma_wait3A_54 = tpu.memref_slice %arg3[%run_scoped3A_14, %mul3A_2] : memref<4x81920xi32, #tpu.memory_space<hbm>> -> memref<1x2560xi32, #tpu.memory_space<hbm>>
      %dma_wait3A_55 = tpu.memref_squeeze %dma_wait3A_54 : memref<1x2560xi32, #tpu.memory_space<hbm>> -> memref<2560xi32, #tpu.memory_space<hbm>>
      tpu.wait_dma2 semaphore(%run_scoped3A_49 : memref<!tpu.dma_semaphore, #tpu.memory_space<semaphore_mem>>) src(%dma_wait3A_55 : memref<2560xi32, #tpu.memory_space<hbm>>) dst(%arg8 : memref<2560xi32, #tpu.memory_space<vmem>>)
      tpu.yield
    }) : () -> ()
    %scan3A_15 = arith.constant 0 : i32
    %scan3A_16 = arith.constant 0 : i32
    %scan3A_17 = arith.constant 160 : i32
    %scan3A_18 = arith.addi %scan3A_16, %scan3A_17 : i32
    %scan3A_19 = arith.constant 1 : i32
    %scan3A_20 = scf.for %scan3A_49 = %scan3A_16 to %scan3A_18 step %scan3A_19 iter_args(%scan3A_50 = %scan3A_15) -> (i32)  : i32 {
      %mul3A_51 = arith.constant 16 : i32
      %mul3A_52 = arith.muli %scan3A_49, %mul3A_51 : i32
      %get3A = arith.index_cast %mul3A_52 : i32 to index
      %get3A_53 = tpu.vector_load %arg8[%get3A] {strides = array<i32>} : memref<2560xi32, #tpu.memory_space<vmem>>, vector<16xi32>,
      %mul3A_54 = arith.constant 3 : i32
      %mul3A_55 = vector.broadcast %mul3A_54 : i32 to vector<16xi32>
      %mul3A_56 = arith.muli %get3A_53, %mul3A_55 : vector<16xi32>
      %gather3A = tpu.vector_load_idx %arg7[%mul3A_56] : memref<12288xf32, #tpu.memory_space<vmem>>[vector<16xi32>], vector<16xf32>,
      %swap3A = arith.index_cast %mul3A_52 : i32 to index
      %swap3A_57 = tpu.vector_load %arg9[%swap3A] {strides = array<i32>} : memref<2560xf32, #tpu.memory_space<vmem>>, vector<16xf32>,
      tpu.vector_store %arg9[%swap3A], %gather3A {strides = array<i32>} : memref<2560xf32, #tpu.memory_space<vmem>>, vector<16xf32>,
      %add3A_58 = arith.constant 1 : i32
      %add3A_59 = vector.broadcast %add3A_58 : i32 to vector<16xi32>
      %add3A_60 = arith.addi %mul3A_56, %add3A_59 : vector<16xi32>
      %gather3A_61 = tpu.vector_load_idx %arg7[%add3A_60] : memref<12288xf32, #tpu.memory_space<vmem>>[vector<16xi32>], vector<16xf32>,
      %swap3A_62 = arith.index_cast %mul3A_52 : i32 to index
      %swap3A_63 = tpu.vector_load %arg10[%swap3A_62] {strides = array<i32>} : memref<2560xf32, #tpu.memory_space<vmem>>, vector<16xf32>,
      tpu.vector_store %arg10[%swap3A_62], %gather3A_61 {strides = array<i32>} : memref<2560xf32, #tpu.memory_space<vmem>>, vector<16xf32>,
      %add3A_64 = arith.constant 2 : i32
      %add3A_65 = vector.broadcast %add3A_64 : i32 to vector<16xi32>
      %add3A_66 = arith.addi %mul3A_56, %add3A_65 : vector<16xi32>
      %gather3A_67 = tpu.vector_load_idx %arg7[%add3A_66] : memref<12288xf32, #tpu.memory_space<vmem>>[vector<16xi32>], vector<16xf32>,
      %swap3A_68 = arith.index_cast %mul3A_52 : i32 to index
      %swap3A_69 = tpu.vector_load %arg11[%swap3A_68] {strides = array<i32>} : memref<2560xf32, #tpu.memory_space<vmem>>, vector<16xf32>,
      tpu.vector_store %arg11[%swap3A_68], %gather3A_67 {strides = array<i32>} : memref<2560xf32, #tpu.memory_space<vmem>>, vector<16xf32>,
      %scan3A_70 = arith.constant 0 : i32
      scf.yield %scan3A_70 : i32
    }
    %scan3A_21 = arith.constant 160 : i32
    %run_scoped3A_22 = arith.constant 1 : i32
    "tpu.region"() ({
      %run_scoped3A_49 = tpu.sem_alloc : memref<!tpu.dma_semaphore, #tpu.memory_space<semaphore_mem>>
      %dma_start3A = tpu.memref_slice %arg4[%run_scoped3A_22, %mul3A_2] : memref<4x81920xf32, #tpu.memory_space<hbm>> -> memref<1x2560xf32, #tpu.memory_space<hbm>>
      %dma_start3A_50 = tpu.memref_squeeze %dma_start3A : memref<1x2560xf32, #tpu.memory_space<hbm>> -> memref<2560xf32, #tpu.memory_space<hbm>>
      %dma_start3A_51 = tpu.memref_slice %arg4[%run_scoped3A_22, %mul3A_2] : memref<4x81920xf32, #tpu.memory_space<hbm>> -> memref<1x2560xf32, #tpu.memory_space<hbm>>
      %dma_start3A_52 = tpu.memref_squeeze %dma_start3A_51 : memref<1x2560xf32, #tpu.memory_space<hbm>> -> memref<2560xf32, #tpu.memory_space<hbm>>
      tpu.enqueue_dma source(%arg9 : memref<2560xf32, #tpu.memory_space<vmem>>) target(%dma_start3A_52 : memref<2560xf32, #tpu.memory_space<hbm>>) target_semaphore(%run_scoped3A_49 : memref<!tpu.dma_semaphore, #tpu.memory_space<semaphore_mem>>)
      %dma_wait3A = tpu.memref_slice %arg4[%run_scoped3A_22, %mul3A_2] : memref<4x81920xf32, #tpu.memory_space<hbm>> -> memref<1x2560xf32, #tpu.memory_space<hbm>>
      %dma_wait3A_53 = tpu.memref_squeeze %dma_wait3A : memref<1x2560xf32, #tpu.memory_space<hbm>> -> memref<2560xf32, #tpu.memory_space<hbm>>
      %dma_wait3A_54 = tpu.memref_slice %arg4[%run_scoped3A_22, %mul3A_2] : memref<4x81920xf32, #tpu.memory_space<hbm>> -> memref<1x2560xf32, #tpu.memory_space<hbm>>
      %dma_wait3A_55 = tpu.memref_squeeze %dma_wait3A_54 : memref<1x2560xf32, #tpu.memory_space<hbm>> -> memref<2560xf32, #tpu.memory_space<hbm>>
      tpu.wait_dma2 semaphore(%run_scoped3A_49 : memref<!tpu.dma_semaphore, #tpu.memory_space<semaphore_mem>>) src(%arg9 : memref<2560xf32, #tpu.memory_space<vmem>>) dst(%dma_wait3A_55 : memref<2560xf32, #tpu.memory_space<hbm>>)
      tpu.yield
    }) : () -> ()
    %run_scoped3A_23 = arith.constant 1 : i32
    "tpu.region"() ({
      %run_scoped3A_49 = tpu.sem_alloc : memref<!tpu.dma_semaphore, #tpu.memory_space<semaphore_mem>>
      %dma_start3A = tpu.memref_slice %arg5[%run_scoped3A_23, %mul3A_2] : memref<4x81920xf32, #tpu.memory_space<hbm>> -> memref<1x2560xf32, #tpu.memory_space<hbm>>
      %dma_start3A_50 = tpu.memref_squeeze %dma_start3A : memref<1x2560xf32, #tpu.memory_space<hbm>> -> memref<2560xf32, #tpu.memory_space<hbm>>
      %dma_start3A_51 = tpu.memref_slice %arg5[%run_scoped3A_23, %mul3A_2] : memref<4x81920xf32, #tpu.memory_space<hbm>> -> memref<1x2560xf32, #tpu.memory_space<hbm>>
      %dma_start3A_52 = tpu.memref_squeeze %dma_start3A_51 : memref<1x2560xf32, #tpu.memory_space<hbm>> -> memref<2560xf32, #tpu.memory_space<hbm>>
      tpu.enqueue_dma source(%arg10 : memref<2560xf32, #tpu.memory_space<vmem>>) target(%dma_start3A_52 : memref<2560xf32, #tpu.memory_space<hbm>>) target_semaphore(%run_scoped3A_49 : memref<!tpu.dma_semaphore, #tpu.memory_space<semaphore_mem>>)
      %dma_wait3A = tpu.memref_slice %arg5[%run_scoped3A_23, %mul3A_2] : memref<4x81920xf32, #tpu.memory_space<hbm>> -> memref<1x2560xf32, #tpu.memory_space<hbm>>
      %dma_wait3A_53 = tpu.memref_squeeze %dma_wait3A : memref<1x2560xf32, #tpu.memory_space<hbm>> -> memref<2560xf32, #tpu.memory_space<hbm>>
      %dma_wait3A_54 = tpu.memref_slice %arg5[%run_scoped3A_23, %mul3A_2] : memref<4x81920xf32, #tpu.memory_space<hbm>> -> memref<1x2560xf32, #tpu.memory_space<hbm>>
      %dma_wait3A_55 = tpu.memref_squeeze %dma_wait3A_54 : memref<1x2560xf32, #tpu.memory_space<hbm>> -> memref<2560xf32, #tpu.memory_space<hbm>>
      tpu.wait_dma2 semaphore(%run_scoped3A_49 : memref<!tpu.dma_semaphore, #tpu.memory_space<semaphore_mem>>) src(%arg10 : memref<2560xf32, #tpu.memory_space<vmem>>) dst(%dma_wait3A_55 : memref<2560xf32, #tpu.memory_space<hbm>>)
      tpu.yield
    }) : () -> ()
    %run_scoped3A_24 = arith.constant 1 : i32
    "tpu.region"() ({
      %run_scoped3A_49 = tpu.sem_alloc : memref<!tpu.dma_semaphore, #tpu.memory_space<semaphore_mem>>
      %dma_start3A = tpu.memref_slice %arg6[%run_scoped3A_24, %mul3A_2] : memref<4x81920xf32, #tpu.memory_space<hbm>> -> memref<1x2560xf32, #tpu.memory_space<hbm>>
      %dma_start3A_50 = tpu.memref_squeeze %dma_start3A : memref<1x2560xf32, #tpu.memory_space<hbm>> -> memref<2560xf32, #tpu.memory_space<hbm>>
      %dma_start3A_51 = tpu.memref_slice %arg6[%run_scoped3A_24, %mul3A_2] : memref<4x81920xf32, #tpu.memory_space<hbm>> -> memref<1x2560xf32, #tpu.memory_space<hbm>>
      %dma_start3A_52 = tpu.memref_squeeze %dma_start3A_51 : memref<1x2560xf32, #tpu.memory_space<hbm>> -> memref<2560xf32, #tpu.memory_space<hbm>>
      tpu.enqueue_dma source(%arg11 : memref<2560xf32, #tpu.memory_space<vmem>>) target(%dma_start3A_52 : memref<2560xf32, #tpu.memory_space<hbm>>) target_semaphore(%run_scoped3A_49 : memref<!tpu.dma_semaphore, #tpu.memory_space<semaphore_mem>>)
      %dma_wait3A = tpu.memref_slice %arg6[%run_scoped3A_24, %mul3A_2] : memref<4x81920xf32, #tpu.memory_space<hbm>> -> memref<1x2560xf32, #tpu.memory_space<hbm>>
      %dma_wait3A_53 = tpu.memref_squeeze %dma_wait3A : memref<1x2560xf32, #tpu.memory_space<hbm>> -> memref<2560xf32, #tpu.memory_space<hbm>>
      %dma_wait3A_54 = tpu.memref_slice %arg6[%run_scoped3A_24, %mul3A_2] : memref<4x81920xf32, #tpu.memory_space<hbm>> -> memref<1x2560xf32, #tpu.memory_space<hbm>>
      %dma_wait3A_55 = tpu.memref_squeeze %dma_wait3A_54 : memref<1x2560xf32, #tpu.memory_space<hbm>> -> memref<2560xf32, #tpu.memory_space<hbm>>
      tpu.wait_dma2 semaphore(%run_scoped3A_49 : memref<!tpu.dma_semaphore, #tpu.memory_space<semaphore_mem>>) src(%arg11 : memref<2560xf32, #tpu.memory_space<vmem>>) dst(%dma_wait3A_55 : memref<2560xf32, #tpu.memory_space<hbm>>)
      tpu.yield
    }) : () -> ()
    %run_scoped3A_25 = arith.constant 2 : i32
    "tpu.region"() ({
      %run_scoped3A_49 = tpu.sem_alloc : memref<!tpu.dma_semaphore, #tpu.memory_space<semaphore_mem>>
      %dma_start3A = arith.constant 0 : i32
      %dma_start3A_50 = tpu.memref_slice %arg2[%run_scoped3A_25, %dma_start3A] : memref<4x12288xf32, #tpu.memory_space<hbm>> -> memref<1x12288xf32, #tpu.memory_space<hbm>>
      %dma_start3A_51 = tpu.memref_squeeze %dma_start3A_50 : memref<1x12288xf32, #tpu.memory_space<hbm>> -> memref<12288xf32, #tpu.memory_space<hbm>>
      %dma_start3A_52 = arith.constant 0 : i32
      %dma_start3A_53 = tpu.memref_slice %arg2[%run_scoped3A_25, %dma_start3A_52] : memref<4x12288xf32, #tpu.memory_space<hbm>> -> memref<1x12288xf32, #tpu.memory_space<hbm>>
      %dma_start3A_54 = tpu.memref_squeeze %dma_start3A_53 : memref<1x12288xf32, #tpu.memory_space<hbm>> -> memref<12288xf32, #tpu.memory_space<hbm>>
      tpu.enqueue_dma source(%dma_start3A_54 : memref<12288xf32, #tpu.memory_space<hbm>>) target(%arg7 : memref<12288xf32, #tpu.memory_space<vmem>>) target_semaphore(%run_scoped3A_49 : memref<!tpu.dma_semaphore, #tpu.memory_space<semaphore_mem>>)
      %dma_wait3A = arith.constant 0 : i32
      %dma_wait3A_55 = tpu.memref_slice %arg2[%run_scoped3A_25, %dma_wait3A] : memref<4x12288xf32, #tpu.memory_space<hbm>> -> memref<1x12288xf32, #tpu.memory_space<hbm>>
      %dma_wait3A_56 = tpu.memref_squeeze %dma_wait3A_55 : memref<1x12288xf32, #tpu.memory_space<hbm>> -> memref<12288xf32, #tpu.memory_space<hbm>>
      %dma_wait3A_57 = arith.constant 0 : i32
      %dma_wait3A_58 = tpu.memref_slice %arg2[%run_scoped3A_25, %dma_wait3A_57] : memref<4x12288xf32, #tpu.memory_space<hbm>> -> memref<1x12288xf32, #tpu.memory_space<hbm>>
      %dma_wait3A_59 = tpu.memref_squeeze %dma_wait3A_58 : memref<1x12288xf32, #tpu.memory_space<hbm>> -> memref<12288xf32, #tpu.memory_space<hbm>>
      tpu.wait_dma2 semaphore(%run_scoped3A_49 : memref<!tpu.dma_semaphore, #tpu.memory_space<semaphore_mem>>) src(%dma_wait3A_59 : memref<12288xf32, #tpu.memory_space<hbm>>) dst(%arg7 : memref<12288xf32, #tpu.memory_space<vmem>>)
      tpu.yield
    }) : () -> ()
    %run_scoped3A_26 = arith.constant 2 : i32
    "tpu.region"() ({
      %run_scoped3A_49 = tpu.sem_alloc : memref<!tpu.dma_semaphore, #tpu.memory_space<semaphore_mem>>
      %dma_start3A = tpu.memref_slice %arg3[%run_scoped3A_26, %mul3A_2] : memref<4x81920xi32, #tpu.memory_space<hbm>> -> memref<1x2560xi32, #tpu.memory_space<hbm>>
      %dma_start3A_50 = tpu.memref_squeeze %dma_start3A : memref<1x2560xi32, #tpu.memory_space<hbm>> -> memref<2560xi32, #tpu.memory_space<hbm>>
      %dma_start3A_51 = tpu.memref_slice %arg3[%run_scoped3A_26, %mul3A_2] : memref<4x81920xi32, #tpu.memory_space<hbm>> -> memref<1x2560xi32, #tpu.memory_space<hbm>>
      %dma_start3A_52 = tpu.memref_squeeze %dma_start3A_51 : memref<1x2560xi32, #tpu.memory_space<hbm>> -> memref<2560xi32, #tpu.memory_space<hbm>>
      tpu.enqueue_dma source(%dma_start3A_52 : memref<2560xi32, #tpu.memory_space<hbm>>) target(%arg8 : memref<2560xi32, #tpu.memory_space<vmem>>) target_semaphore(%run_scoped3A_49 : memref<!tpu.dma_semaphore, #tpu.memory_space<semaphore_mem>>)
      %dma_wait3A = tpu.memref_slice %arg3[%run_scoped3A_26, %mul3A_2] : memref<4x81920xi32, #tpu.memory_space<hbm>> -> memref<1x2560xi32, #tpu.memory_space<hbm>>
      %dma_wait3A_53 = tpu.memref_squeeze %dma_wait3A : memref<1x2560xi32, #tpu.memory_space<hbm>> -> memref<2560xi32, #tpu.memory_space<hbm>>
      %dma_wait3A_54 = tpu.memref_slice %arg3[%run_scoped3A_26, %mul3A_2] : memref<4x81920xi32, #tpu.memory_space<hbm>> -> memref<1x2560xi32, #tpu.memory_space<hbm>>
      %dma_wait3A_55 = tpu.memref_squeeze %dma_wait3A_54 : memref<1x2560xi32, #tpu.memory_space<hbm>> -> memref<2560xi32, #tpu.memory_space<hbm>>
      tpu.wait_dma2 semaphore(%run_scoped3A_49 : memref<!tpu.dma_semaphore, #tpu.memory_space<semaphore_mem>>) src(%dma_wait3A_55 : memref<2560xi32, #tpu.memory_space<hbm>>) dst(%arg8 : memref<2560xi32, #tpu.memory_space<vmem>>)
      tpu.yield
    }) : () -> ()
    %scan3A_27 = arith.constant 0 : i32
    %scan3A_28 = arith.constant 0 : i32
    %scan3A_29 = arith.constant 160 : i32
    %scan3A_30 = arith.addi %scan3A_28, %scan3A_29 : i32
    %scan3A_31 = arith.constant 1 : i32
    %scan3A_32 = scf.for %scan3A_49 = %scan3A_28 to %scan3A_30 step %scan3A_31 iter_args(%scan3A_50 = %scan3A_27) -> (i32)  : i32 {
      %mul3A_51 = arith.constant 16 : i32
      %mul3A_52 = arith.muli %scan3A_49, %mul3A_51 : i32
      %get3A = arith.index_cast %mul3A_52 : i32 to index
      %get3A_53 = tpu.vector_load %arg8[%get3A] {strides = array<i32>} : memref<2560xi32, #tpu.memory_space<vmem>>, vector<16xi32>,
      %mul3A_54 = arith.constant 3 : i32
      %mul3A_55 = vector.broadcast %mul3A_54 : i32 to vector<16xi32>
      %mul3A_56 = arith.muli %get3A_53, %mul3A_55 : vector<16xi32>
      %gather3A = tpu.vector_load_idx %arg7[%mul3A_56] : memref<12288xf32, #tpu.memory_space<vmem>>[vector<16xi32>], vector<16xf32>,
      %swap3A = arith.index_cast %mul3A_52 : i32 to index
      %swap3A_57 = tpu.vector_load %arg9[%swap3A] {strides = array<i32>} : memref<2560xf32, #tpu.memory_space<vmem>>, vector<16xf32>,
      tpu.vector_store %arg9[%swap3A], %gather3A {strides = array<i32>} : memref<2560xf32, #tpu.memory_space<vmem>>, vector<16xf32>,
      %add3A_58 = arith.constant 1 : i32
      %add3A_59 = vector.broadcast %add3A_58 : i32 to vector<16xi32>
      %add3A_60 = arith.addi %mul3A_56, %add3A_59 : vector<16xi32>
      %gather3A_61 = tpu.vector_load_idx %arg7[%add3A_60] : memref<12288xf32, #tpu.memory_space<vmem>>[vector<16xi32>], vector<16xf32>,
      %swap3A_62 = arith.index_cast %mul3A_52 : i32 to index
      %swap3A_63 = tpu.vector_load %arg10[%swap3A_62] {strides = array<i32>} : memref<2560xf32, #tpu.memory_space<vmem>>, vector<16xf32>,
      tpu.vector_store %arg10[%swap3A_62], %gather3A_61 {strides = array<i32>} : memref<2560xf32, #tpu.memory_space<vmem>>, vector<16xf32>,
      %add3A_64 = arith.constant 2 : i32
      %add3A_65 = vector.broadcast %add3A_64 : i32 to vector<16xi32>
      %add3A_66 = arith.addi %mul3A_56, %add3A_65 : vector<16xi32>
      %gather3A_67 = tpu.vector_load_idx %arg7[%add3A_66] : memref<12288xf32, #tpu.memory_space<vmem>>[vector<16xi32>], vector<16xf32>,
      %swap3A_68 = arith.index_cast %mul3A_52 : i32 to index
      %swap3A_69 = tpu.vector_load %arg11[%swap3A_68] {strides = array<i32>} : memref<2560xf32, #tpu.memory_space<vmem>>, vector<16xf32>,
      tpu.vector_store %arg11[%swap3A_68], %gather3A_67 {strides = array<i32>} : memref<2560xf32, #tpu.memory_space<vmem>>, vector<16xf32>,
      %scan3A_70 = arith.constant 0 : i32
      scf.yield %scan3A_70 : i32
    }
    %scan3A_33 = arith.constant 160 : i32
    %run_scoped3A_34 = arith.constant 2 : i32
    "tpu.region"() ({
      %run_scoped3A_49 = tpu.sem_alloc : memref<!tpu.dma_semaphore, #tpu.memory_space<semaphore_mem>>
      %dma_start3A = tpu.memref_slice %arg4[%run_scoped3A_34, %mul3A_2] : memref<4x81920xf32, #tpu.memory_space<hbm>> -> memref<1x2560xf32, #tpu.memory_space<hbm>>
      %dma_start3A_50 = tpu.memref_squeeze %dma_start3A : memref<1x2560xf32, #tpu.memory_space<hbm>> -> memref<2560xf32, #tpu.memory_space<hbm>>
      %dma_start3A_51 = tpu.memref_slice %arg4[%run_scoped3A_34, %mul3A_2] : memref<4x81920xf32, #tpu.memory_space<hbm>> -> memref<1x2560xf32, #tpu.memory_space<hbm>>
      %dma_start3A_52 = tpu.memref_squeeze %dma_start3A_51 : memref<1x2560xf32, #tpu.memory_space<hbm>> -> memref<2560xf32, #tpu.memory_space<hbm>>
      tpu.enqueue_dma source(%arg9 : memref<2560xf32, #tpu.memory_space<vmem>>) target(%dma_start3A_52 : memref<2560xf32, #tpu.memory_space<hbm>>) target_semaphore(%run_scoped3A_49 : memref<!tpu.dma_semaphore, #tpu.memory_space<semaphore_mem>>)
      %dma_wait3A = tpu.memref_slice %arg4[%run_scoped3A_34, %mul3A_2] : memref<4x81920xf32, #tpu.memory_space<hbm>> -> memref<1x2560xf32, #tpu.memory_space<hbm>>
      %dma_wait3A_53 = tpu.memref_squeeze %dma_wait3A : memref<1x2560xf32, #tpu.memory_space<hbm>> -> memref<2560xf32, #tpu.memory_space<hbm>>
      %dma_wait3A_54 = tpu.memref_slice %arg4[%run_scoped3A_34, %mul3A_2] : memref<4x81920xf32, #tpu.memory_space<hbm>> -> memref<1x2560xf32, #tpu.memory_space<hbm>>
      %dma_wait3A_55 = tpu.memref_squeeze %dma_wait3A_54 : memref<1x2560xf32, #tpu.memory_space<hbm>> -> memref<2560xf32, #tpu.memory_space<hbm>>
      tpu.wait_dma2 semaphore(%run_scoped3A_49 : memref<!tpu.dma_semaphore, #tpu.memory_space<semaphore_mem>>) src(%arg9 : memref<2560xf32, #tpu.memory_space<vmem>>) dst(%dma_wait3A_55 : memref<2560xf32, #tpu.memory_space<hbm>>)
      tpu.yield
    }) : () -> ()
    %run_scoped3A_35 = arith.constant 2 : i32
    "tpu.region"() ({
      %run_scoped3A_49 = tpu.sem_alloc : memref<!tpu.dma_semaphore, #tpu.memory_space<semaphore_mem>>
      %dma_start3A = tpu.memref_slice %arg5[%run_scoped3A_35, %mul3A_2] : memref<4x81920xf32, #tpu.memory_space<hbm>> -> memref<1x2560xf32, #tpu.memory_space<hbm>>
      %dma_start3A_50 = tpu.memref_squeeze %dma_start3A : memref<1x2560xf32, #tpu.memory_space<hbm>> -> memref<2560xf32, #tpu.memory_space<hbm>>
      %dma_start3A_51 = tpu.memref_slice %arg5[%run_scoped3A_35, %mul3A_2] : memref<4x81920xf32, #tpu.memory_space<hbm>> -> memref<1x2560xf32, #tpu.memory_space<hbm>>
      %dma_start3A_52 = tpu.memref_squeeze %dma_start3A_51 : memref<1x2560xf32, #tpu.memory_space<hbm>> -> memref<2560xf32, #tpu.memory_space<hbm>>
      tpu.enqueue_dma source(%arg10 : memref<2560xf32, #tpu.memory_space<vmem>>) target(%dma_start3A_52 : memref<2560xf32, #tpu.memory_space<hbm>>) target_semaphore(%run_scoped3A_49 : memref<!tpu.dma_semaphore, #tpu.memory_space<semaphore_mem>>)
      %dma_wait3A = tpu.memref_slice %arg5[%run_scoped3A_35, %mul3A_2] : memref<4x81920xf32, #tpu.memory_space<hbm>> -> memref<1x2560xf32, #tpu.memory_space<hbm>>
      %dma_wait3A_53 = tpu.memref_squeeze %dma_wait3A : memref<1x2560xf32, #tpu.memory_space<hbm>> -> memref<2560xf32, #tpu.memory_space<hbm>>
      %dma_wait3A_54 = tpu.memref_slice %arg5[%run_scoped3A_35, %mul3A_2] : memref<4x81920xf32, #tpu.memory_space<hbm>> -> memref<1x2560xf32, #tpu.memory_space<hbm>>
      %dma_wait3A_55 = tpu.memref_squeeze %dma_wait3A_54 : memref<1x2560xf32, #tpu.memory_space<hbm>> -> memref<2560xf32, #tpu.memory_space<hbm>>
      tpu.wait_dma2 semaphore(%run_scoped3A_49 : memref<!tpu.dma_semaphore, #tpu.memory_space<semaphore_mem>>) src(%arg10 : memref<2560xf32, #tpu.memory_space<vmem>>) dst(%dma_wait3A_55 : memref<2560xf32, #tpu.memory_space<hbm>>)
      tpu.yield
    }) : () -> ()
    %run_scoped3A_36 = arith.constant 2 : i32
    "tpu.region"() ({
      %run_scoped3A_49 = tpu.sem_alloc : memref<!tpu.dma_semaphore, #tpu.memory_space<semaphore_mem>>
      %dma_start3A = tpu.memref_slice %arg6[%run_scoped3A_36, %mul3A_2] : memref<4x81920xf32, #tpu.memory_space<hbm>> -> memref<1x2560xf32, #tpu.memory_space<hbm>>
      %dma_start3A_50 = tpu.memref_squeeze %dma_start3A : memref<1x2560xf32, #tpu.memory_space<hbm>> -> memref<2560xf32, #tpu.memory_space<hbm>>
      %dma_start3A_51 = tpu.memref_slice %arg6[%run_scoped3A_36, %mul3A_2] : memref<4x81920xf32, #tpu.memory_space<hbm>> -> memref<1x2560xf32, #tpu.memory_space<hbm>>
      %dma_start3A_52 = tpu.memref_squeeze %dma_start3A_51 : memref<1x2560xf32, #tpu.memory_space<hbm>> -> memref<2560xf32, #tpu.memory_space<hbm>>
      tpu.enqueue_dma source(%arg11 : memref<2560xf32, #tpu.memory_space<vmem>>) target(%dma_start3A_52 : memref<2560xf32, #tpu.memory_space<hbm>>) target_semaphore(%run_scoped3A_49 : memref<!tpu.dma_semaphore, #tpu.memory_space<semaphore_mem>>)
      %dma_wait3A = tpu.memref_slice %arg6[%run_scoped3A_36, %mul3A_2] : memref<4x81920xf32, #tpu.memory_space<hbm>> -> memref<1x2560xf32, #tpu.memory_space<hbm>>
      %dma_wait3A_53 = tpu.memref_squeeze %dma_wait3A : memref<1x2560xf32, #tpu.memory_space<hbm>> -> memref<2560xf32, #tpu.memory_space<hbm>>
      %dma_wait3A_54 = tpu.memref_slice %arg6[%run_scoped3A_36, %mul3A_2] : memref<4x81920xf32, #tpu.memory_space<hbm>> -> memref<1x2560xf32, #tpu.memory_space<hbm>>
      %dma_wait3A_55 = tpu.memref_squeeze %dma_wait3A_54 : memref<1x2560xf32, #tpu.memory_space<hbm>> -> memref<2560xf32, #tpu.memory_space<hbm>>
      tpu.wait_dma2 semaphore(%run_scoped3A_49 : memref<!tpu.dma_semaphore, #tpu.memory_space<semaphore_mem>>) src(%arg11 : memref<2560xf32, #tpu.memory_space<vmem>>) dst(%dma_wait3A_55 : memref<2560xf32, #tpu.memory_space<hbm>>)
      tpu.yield
    }) : () -> ()
    %run_scoped3A_37 = arith.constant 3 : i32
    "tpu.region"() ({
      %run_scoped3A_49 = tpu.sem_alloc : memref<!tpu.dma_semaphore, #tpu.memory_space<semaphore_mem>>
      %dma_start3A = arith.constant 0 : i32
      %dma_start3A_50 = tpu.memref_slice %arg2[%run_scoped3A_37, %dma_start3A] : memref<4x12288xf32, #tpu.memory_space<hbm>> -> memref<1x12288xf32, #tpu.memory_space<hbm>>
      %dma_start3A_51 = tpu.memref_squeeze %dma_start3A_50 : memref<1x12288xf32, #tpu.memory_space<hbm>> -> memref<12288xf32, #tpu.memory_space<hbm>>
      %dma_start3A_52 = arith.constant 0 : i32
      %dma_start3A_53 = tpu.memref_slice %arg2[%run_scoped3A_37, %dma_start3A_52] : memref<4x12288xf32, #tpu.memory_space<hbm>> -> memref<1x12288xf32, #tpu.memory_space<hbm>>
      %dma_start3A_54 = tpu.memref_squeeze %dma_start3A_53 : memref<1x12288xf32, #tpu.memory_space<hbm>> -> memref<12288xf32, #tpu.memory_space<hbm>>
      tpu.enqueue_dma source(%dma_start3A_54 : memref<12288xf32, #tpu.memory_space<hbm>>) target(%arg7 : memref<12288xf32, #tpu.memory_space<vmem>>) target_semaphore(%run_scoped3A_49 : memref<!tpu.dma_semaphore, #tpu.memory_space<semaphore_mem>>)
      %dma_wait3A = arith.constant 0 : i32
      %dma_wait3A_55 = tpu.memref_slice %arg2[%run_scoped3A_37, %dma_wait3A] : memref<4x12288xf32, #tpu.memory_space<hbm>> -> memref<1x12288xf32, #tpu.memory_space<hbm>>
      %dma_wait3A_56 = tpu.memref_squeeze %dma_wait3A_55 : memref<1x12288xf32, #tpu.memory_space<hbm>> -> memref<12288xf32, #tpu.memory_space<hbm>>
      %dma_wait3A_57 = arith.constant 0 : i32
      %dma_wait3A_58 = tpu.memref_slice %arg2[%run_scoped3A_37, %dma_wait3A_57] : memref<4x12288xf32, #tpu.memory_space<hbm>> -> memref<1x12288xf32, #tpu.memory_space<hbm>>
      %dma_wait3A_59 = tpu.memref_squeeze %dma_wait3A_58 : memref<1x12288xf32, #tpu.memory_space<hbm>> -> memref<12288xf32, #tpu.memory_space<hbm>>
      tpu.wait_dma2 semaphore(%run_scoped3A_49 : memref<!tpu.dma_semaphore, #tpu.memory_space<semaphore_mem>>) src(%dma_wait3A_59 : memref<12288xf32, #tpu.memory_space<hbm>>) dst(%arg7 : memref<12288xf32, #tpu.memory_space<vmem>>)
      tpu.yield
    }) : () -> ()
    %run_scoped3A_38 = arith.constant 3 : i32
    "tpu.region"() ({
      %run_scoped3A_49 = tpu.sem_alloc : memref<!tpu.dma_semaphore, #tpu.memory_space<semaphore_mem>>
      %dma_start3A = tpu.memref_slice %arg3[%run_scoped3A_38, %mul3A_2] : memref<4x81920xi32, #tpu.memory_space<hbm>> -> memref<1x2560xi32, #tpu.memory_space<hbm>>
      %dma_start3A_50 = tpu.memref_squeeze %dma_start3A : memref<1x2560xi32, #tpu.memory_space<hbm>> -> memref<2560xi32, #tpu.memory_space<hbm>>
      %dma_start3A_51 = tpu.memref_slice %arg3[%run_scoped3A_38, %mul3A_2] : memref<4x81920xi32, #tpu.memory_space<hbm>> -> memref<1x2560xi32, #tpu.memory_space<hbm>>
      %dma_start3A_52 = tpu.memref_squeeze %dma_start3A_51 : memref<1x2560xi32, #tpu.memory_space<hbm>> -> memref<2560xi32, #tpu.memory_space<hbm>>
      tpu.enqueue_dma source(%dma_start3A_52 : memref<2560xi32, #tpu.memory_space<hbm>>) target(%arg8 : memref<2560xi32, #tpu.memory_space<vmem>>) target_semaphore(%run_scoped3A_49 : memref<!tpu.dma_semaphore, #tpu.memory_space<semaphore_mem>>)
      %dma_wait3A = tpu.memref_slice %arg3[%run_scoped3A_38, %mul3A_2] : memref<4x81920xi32, #tpu.memory_space<hbm>> -> memref<1x2560xi32, #tpu.memory_space<hbm>>
      %dma_wait3A_53 = tpu.memref_squeeze %dma_wait3A : memref<1x2560xi32, #tpu.memory_space<hbm>> -> memref<2560xi32, #tpu.memory_space<hbm>>
      %dma_wait3A_54 = tpu.memref_slice %arg3[%run_scoped3A_38, %mul3A_2] : memref<4x81920xi32, #tpu.memory_space<hbm>> -> memref<1x2560xi32, #tpu.memory_space<hbm>>
      %dma_wait3A_55 = tpu.memref_squeeze %dma_wait3A_54 : memref<1x2560xi32, #tpu.memory_space<hbm>> -> memref<2560xi32, #tpu.memory_space<hbm>>
      tpu.wait_dma2 semaphore(%run_scoped3A_49 : memref<!tpu.dma_semaphore, #tpu.memory_space<semaphore_mem>>) src(%dma_wait3A_55 : memref<2560xi32, #tpu.memory_space<hbm>>) dst(%arg8 : memref<2560xi32, #tpu.memory_space<vmem>>)
      tpu.yield
    }) : () -> ()
    %scan3A_39 = arith.constant 0 : i32
    %scan3A_40 = arith.constant 0 : i32
    %scan3A_41 = arith.constant 160 : i32
    %scan3A_42 = arith.addi %scan3A_40, %scan3A_41 : i32
    %scan3A_43 = arith.constant 1 : i32
    %scan3A_44 = scf.for %scan3A_49 = %scan3A_40 to %scan3A_42 step %scan3A_43 iter_args(%scan3A_50 = %scan3A_39) -> (i32)  : i32 {
      %mul3A_51 = arith.constant 16 : i32
      %mul3A_52 = arith.muli %scan3A_49, %mul3A_51 : i32
      %get3A = arith.index_cast %mul3A_52 : i32 to index
      %get3A_53 = tpu.vector_load %arg8[%get3A] {strides = array<i32>} : memref<2560xi32, #tpu.memory_space<vmem>>, vector<16xi32>,
      %mul3A_54 = arith.constant 3 : i32
      %mul3A_55 = vector.broadcast %mul3A_54 : i32 to vector<16xi32>
      %mul3A_56 = arith.muli %get3A_53, %mul3A_55 : vector<16xi32>
      %gather3A = tpu.vector_load_idx %arg7[%mul3A_56] : memref<12288xf32, #tpu.memory_space<vmem>>[vector<16xi32>], vector<16xf32>,
      %swap3A = arith.index_cast %mul3A_52 : i32 to index
      %swap3A_57 = tpu.vector_load %arg9[%swap3A] {strides = array<i32>} : memref<2560xf32, #tpu.memory_space<vmem>>, vector<16xf32>,
      tpu.vector_store %arg9[%swap3A], %gather3A {strides = array<i32>} : memref<2560xf32, #tpu.memory_space<vmem>>, vector<16xf32>,
      %add3A_58 = arith.constant 1 : i32
      %add3A_59 = vector.broadcast %add3A_58 : i32 to vector<16xi32>
      %add3A_60 = arith.addi %mul3A_56, %add3A_59 : vector<16xi32>
      %gather3A_61 = tpu.vector_load_idx %arg7[%add3A_60] : memref<12288xf32, #tpu.memory_space<vmem>>[vector<16xi32>], vector<16xf32>,
      %swap3A_62 = arith.index_cast %mul3A_52 : i32 to index
      %swap3A_63 = tpu.vector_load %arg10[%swap3A_62] {strides = array<i32>} : memref<2560xf32, #tpu.memory_space<vmem>>, vector<16xf32>,
      tpu.vector_store %arg10[%swap3A_62], %gather3A_61 {strides = array<i32>} : memref<2560xf32, #tpu.memory_space<vmem>>, vector<16xf32>,
      %add3A_64 = arith.constant 2 : i32
      %add3A_65 = vector.broadcast %add3A_64 : i32 to vector<16xi32>
      %add3A_66 = arith.addi %mul3A_56, %add3A_65 : vector<16xi32>
      %gather3A_67 = tpu.vector_load_idx %arg7[%add3A_66] : memref<12288xf32, #tpu.memory_space<vmem>>[vector<16xi32>], vector<16xf32>,
      %swap3A_68 = arith.index_cast %mul3A_52 : i32 to index
      %swap3A_69 = tpu.vector_load %arg11[%swap3A_68] {strides = array<i32>} : memref<2560xf32, #tpu.memory_space<vmem>>, vector<16xf32>,
      tpu.vector_store %arg11[%swap3A_68], %gather3A_67 {strides = array<i32>} : memref<2560xf32, #tpu.memory_space<vmem>>, vector<16xf32>,
      %scan3A_70 = arith.constant 0 : i32
      scf.yield %scan3A_70 : i32
    }
    %scan3A_45 = arith.constant 160 : i32
    %run_scoped3A_46 = arith.constant 3 : i32
    "tpu.region"() ({
      %run_scoped3A_49 = tpu.sem_alloc : memref<!tpu.dma_semaphore, #tpu.memory_space<semaphore_mem>>
      %dma_start3A = tpu.memref_slice %arg4[%run_scoped3A_46, %mul3A_2] : memref<4x81920xf32, #tpu.memory_space<hbm>> -> memref<1x2560xf32, #tpu.memory_space<hbm>>
      %dma_start3A_50 = tpu.memref_squeeze %dma_start3A : memref<1x2560xf32, #tpu.memory_space<hbm>> -> memref<2560xf32, #tpu.memory_space<hbm>>
      %dma_start3A_51 = tpu.memref_slice %arg4[%run_scoped3A_46, %mul3A_2] : memref<4x81920xf32, #tpu.memory_space<hbm>> -> memref<1x2560xf32, #tpu.memory_space<hbm>>
      %dma_start3A_52 = tpu.memref_squeeze %dma_start3A_51 : memref<1x2560xf32, #tpu.memory_space<hbm>> -> memref<2560xf32, #tpu.memory_space<hbm>>
      tpu.enqueue_dma source(%arg9 : memref<2560xf32, #tpu.memory_space<vmem>>) target(%dma_start3A_52 : memref<2560xf32, #tpu.memory_space<hbm>>) target_semaphore(%run_scoped3A_49 : memref<!tpu.dma_semaphore, #tpu.memory_space<semaphore_mem>>)
      %dma_wait3A = tpu.memref_slice %arg4[%run_scoped3A_46, %mul3A_2] : memref<4x81920xf32, #tpu.memory_space<hbm>> -> memref<1x2560xf32, #tpu.memory_space<hbm>>
      %dma_wait3A_53 = tpu.memref_squeeze %dma_wait3A : memref<1x2560xf32, #tpu.memory_space<hbm>> -> memref<2560xf32, #tpu.memory_space<hbm>>
      %dma_wait3A_54 = tpu.memref_slice %arg4[%run_scoped3A_46, %mul3A_2] : memref<4x81920xf32, #tpu.memory_space<hbm>> -> memref<1x2560xf32, #tpu.memory_space<hbm>>
      %dma_wait3A_55 = tpu.memref_squeeze %dma_wait3A_54 : memref<1x2560xf32, #tpu.memory_space<hbm>> -> memref<2560xf32, #tpu.memory_space<hbm>>
      tpu.wait_dma2 semaphore(%run_scoped3A_49 : memref<!tpu.dma_semaphore, #tpu.memory_space<semaphore_mem>>) src(%arg9 : memref<2560xf32, #tpu.memory_space<vmem>>) dst(%dma_wait3A_55 : memref<2560xf32, #tpu.memory_space<hbm>>)
      tpu.yield
    }) : () -> ()
    %run_scoped3A_47 = arith.constant 3 : i32
    "tpu.region"() ({
      %run_scoped3A_49 = tpu.sem_alloc : memref<!tpu.dma_semaphore, #tpu.memory_space<semaphore_mem>>
      %dma_start3A = tpu.memref_slice %arg5[%run_scoped3A_47, %mul3A_2] : memref<4x81920xf32, #tpu.memory_space<hbm>> -> memref<1x2560xf32, #tpu.memory_space<hbm>>
      %dma_start3A_50 = tpu.memref_squeeze %dma_start3A : memref<1x2560xf32, #tpu.memory_space<hbm>> -> memref<2560xf32, #tpu.memory_space<hbm>>
      %dma_start3A_51 = tpu.memref_slice %arg5[%run_scoped3A_47, %mul3A_2] : memref<4x81920xf32, #tpu.memory_space<hbm>> -> memref<1x2560xf32, #tpu.memory_space<hbm>>
      %dma_start3A_52 = tpu.memref_squeeze %dma_start3A_51 : memref<1x2560xf32, #tpu.memory_space<hbm>> -> memref<2560xf32, #tpu.memory_space<hbm>>
      tpu.enqueue_dma source(%arg10 : memref<2560xf32, #tpu.memory_space<vmem>>) target(%dma_start3A_52 : memref<2560xf32, #tpu.memory_space<hbm>>) target_semaphore(%run_scoped3A_49 : memref<!tpu.dma_semaphore, #tpu.memory_space<semaphore_mem>>)
      %dma_wait3A = tpu.memref_slice %arg5[%run_scoped3A_47, %mul3A_2] : memref<4x81920xf32, #tpu.memory_space<hbm>> -> memref<1x2560xf32, #tpu.memory_space<hbm>>
      %dma_wait3A_53 = tpu.memref_squeeze %dma_wait3A : memref<1x2560xf32, #tpu.memory_space<hbm>> -> memref<2560xf32, #tpu.memory_space<hbm>>
      %dma_wait3A_54 = tpu.memref_slice %arg5[%run_scoped3A_47, %mul3A_2] : memref<4x81920xf32, #tpu.memory_space<hbm>> -> memref<1x2560xf32, #tpu.memory_space<hbm>>
      %dma_wait3A_55 = tpu.memref_squeeze %dma_wait3A_54 : memref<1x2560xf32, #tpu.memory_space<hbm>> -> memref<2560xf32, #tpu.memory_space<hbm>>
      tpu.wait_dma2 semaphore(%run_scoped3A_49 : memref<!tpu.dma_semaphore, #tpu.memory_space<semaphore_mem>>) src(%arg10 : memref<2560xf32, #tpu.memory_space<vmem>>) dst(%dma_wait3A_55 : memref<2560xf32, #tpu.memory_space<hbm>>)
      tpu.yield
    }) : () -> ()
    %run_scoped3A_48 = arith.constant 3 : i32
    "tpu.region"() ({
      %run_scoped3A_49 = tpu.sem_alloc : memref<!tpu.dma_semaphore, #tpu.memory_space<semaphore_mem>>
      %dma_start3A = tpu.memref_slice %arg6[%run_scoped3A_48, %mul3A_2] : memref<4x81920xf32, #tpu.memory_space<hbm>> -> memref<1x2560xf32, #tpu.memory_space<hbm>>
      %dma_start3A_50 = tpu.memref_squeeze %dma_start3A : memref<1x2560xf32, #tpu.memory_space<hbm>> -> memref<2560xf32, #tpu.memory_space<hbm>>
      %dma_start3A_51 = tpu.memref_slice %arg6[%run_scoped3A_48, %mul3A_2] : memref<4x81920xf32, #tpu.memory_space<hbm>> -> memref<1x2560xf32, #tpu.memory_space<hbm>>
      %dma_start3A_52 = tpu.memref_squeeze %dma_start3A_51 : memref<1x2560xf32, #tpu.memory_space<hbm>> -> memref<2560xf32, #tpu.memory_space<hbm>>
      tpu.enqueue_dma source(%arg11 : memref<2560xf32, #tpu.memory_space<vmem>>) target(%dma_start3A_52 : memref<2560xf32, #tpu.memory_space<hbm>>) target_semaphore(%run_scoped3A_49 : memref<!tpu.dma_semaphore, #tpu.memory_space<semaphore_mem>>)
      %dma_wait3A = tpu.memref_slice %arg6[%run_scoped3A_48, %mul3A_2] : memref<4x81920xf32, #tpu.memory_space<hbm>> -> memref<1x2560xf32, #tpu.memory_space<hbm>>
      %dma_wait3A_53 = tpu.memref_squeeze %dma_wait3A : memref<1x2560xf32, #tpu.memory_space<hbm>> -> memref<2560xf32, #tpu.memory_space<hbm>>
      %dma_wait3A_54 = tpu.memref_slice %arg6[%run_scoped3A_48, %mul3A_2] : memref<4x81920xf32, #tpu.memory_space<hbm>> -> memref<1x2560xf32, #tpu.memory_space<hbm>>
      %dma_wait3A_55 = tpu.memref_squeeze %dma_wait3A_54 : memref<1x2560xf32, #tpu.memory_space<hbm>> -> memref<2560xf32, #tpu.memory_space<hbm>>
      tpu.wait_dma2 semaphore(%run_scoped3A_49 : memref<!tpu.dma_semaphore, #tpu.memory_space<semaphore_mem>>) src(%arg11 : memref<2560xf32, #tpu.memory_space<vmem>>) dst(%dma_wait3A_55 : memref<2560xf32, #tpu.memory_space<hbm>>)
      tpu.yield
    }) : () -> ()
    return
  }
}

module attributes {stable_mosaic.version = 14 : i64} {
  func.func @_knn_body(%arg0: i32, %arg1: i32, %arg2: memref<1x3x4096xf32, #tpu.memory_space<vmem>>, %arg3: memref<1x32x3xf32, #tpu.memory_space<vmem>>, %arg4: memref<1x32x20xf32, #tpu.memory_space<vmem>>, %arg5: memref<1x32x20xi32, #tpu.memory_space<vmem>>, %arg6: memref<1x1x1xf32, #tpu.memory_space<vmem>>) attributes {dimension_semantics = [#tpu.dimension_semantics<arbitrary>, #tpu.dimension_semantics<arbitrary>], iteration_bounds = array<i64: 4, 128>, scalar_prefetch = 0 : i64, scratch_operands = 0 : i64, tpu.core_type = #tpu.core_type<tc>, window_params = [{transform_indices = @transform_0, window_bounds = array<i64: 1, 3, 4096>}, {transform_indices = @transform_1, window_bounds = array<i64: 1, 32, 3>}, {transform_indices = @transform_2, window_bounds = array<i64: 1, 32, 20>}, {transform_indices = @transform_3, window_bounds = array<i64: 1, 32, 20>}, {transform_indices = @transform_4, window_bounds = array<i64: 1, 1, 1>}]} {
    %get3A = arith.constant 0 : index
    %get3A_0 = arith.constant 0 : index
    %get3A_1 = arith.constant 0 : index
    %get3A_2 = vector.load %arg2[%get3A, %get3A_0, %get3A_1] : memref<1x3x4096xf32, #tpu.memory_space<vmem>>, vector<1x1x4096xf32>
    %get3A_3 = vector.shape_cast %get3A_2 : vector<1x1x4096xf32> to vector<1x4096xf32>
    %get3A_4 = arith.constant 0 : index
    %get3A_5 = arith.constant 1 : index
    %get3A_6 = arith.constant 0 : index
    %get3A_7 = vector.load %arg2[%get3A_4, %get3A_5, %get3A_6] : memref<1x3x4096xf32, #tpu.memory_space<vmem>>, vector<1x1x4096xf32>
    %get3A_8 = vector.shape_cast %get3A_7 : vector<1x1x4096xf32> to vector<1x4096xf32>
    %get3A_9 = arith.constant 0 : index
    %get3A_10 = arith.constant 2 : index
    %get3A_11 = arith.constant 0 : index
    %get3A_12 = vector.load %arg2[%get3A_9, %get3A_10, %get3A_11] : memref<1x3x4096xf32, #tpu.memory_space<vmem>>, vector<1x1x4096xf32>
    %get3A_13 = vector.shape_cast %get3A_12 : vector<1x1x4096xf32> to vector<1x4096xf32>
    %get3A_14 = arith.constant 0 : index
    %get3A_15 = arith.constant 0 : index
    %get3A_16 = arith.constant 0 : index
    %get3A_17 = vector.load %arg3[%get3A_14, %get3A_15, %get3A_16] : memref<1x32x3xf32, #tpu.memory_space<vmem>>, vector<1x32x1xf32>
    %get3A_18 = vector.shape_cast %get3A_17 : vector<1x32x1xf32> to vector<32x1xf32>
    %get3A_19 = arith.constant 0 : index
    %get3A_20 = arith.constant 0 : index
    %get3A_21 = arith.constant 1 : index
    %get3A_22 = vector.load %arg3[%get3A_19, %get3A_20, %get3A_21] : memref<1x32x3xf32, #tpu.memory_space<vmem>>, vector<1x32x1xf32>
    %get3A_23 = vector.shape_cast %get3A_22 : vector<1x32x1xf32> to vector<32x1xf32>
    %get3A_24 = arith.constant 0 : index
    %get3A_25 = arith.constant 0 : index
    %get3A_26 = arith.constant 2 : index
    %get3A_27 = vector.load %arg3[%get3A_24, %get3A_25, %get3A_26] : memref<1x32x3xf32, #tpu.memory_space<vmem>>, vector<1x32x1xf32>
    %get3A_28 = vector.shape_cast %get3A_27 : vector<1x32x1xf32> to vector<32x1xf32>
    %sub3A = vector.broadcast %get3A_18 : vector<32x1xf32> to vector<32x4096xf32>
    %sub3A_29 = vector.broadcast %get3A_3 : vector<1x4096xf32> to vector<32x4096xf32>
    %sub3A_30 = arith.subf %sub3A, %sub3A_29 : vector<32x4096xf32>
    %sub3A_31 = vector.broadcast %get3A_23 : vector<32x1xf32> to vector<32x4096xf32>
    %sub3A_32 = vector.broadcast %get3A_8 : vector<1x4096xf32> to vector<32x4096xf32>
    %sub3A_33 = arith.subf %sub3A_31, %sub3A_32 : vector<32x4096xf32>
    %sub3A_34 = vector.broadcast %get3A_28 : vector<32x1xf32> to vector<32x4096xf32>
    %sub3A_35 = vector.broadcast %get3A_13 : vector<1x4096xf32> to vector<32x4096xf32>
    %sub3A_36 = arith.subf %sub3A_34, %sub3A_35 : vector<32x4096xf32>
    %mul3A = arith.mulf %sub3A_30, %sub3A_30 : vector<32x4096xf32>
    %mul3A_37 = arith.mulf %sub3A_33, %sub3A_33 : vector<32x4096xf32>
    %add3A = arith.addf %mul3A, %mul3A_37 : vector<32x4096xf32>
    %mul3A_38 = arith.mulf %sub3A_36, %sub3A_36 : vector<32x4096xf32>
    %add3A_39 = arith.addf %add3A, %mul3A_38 : vector<32x4096xf32>
    %add3A_40 = arith.constant 9.99999996E-13 : f32
    %add3A_41 = vector.broadcast %add3A_40 : f32 to vector<32x4096xf32>
    %add3A_42 = arith.addf %add3A_39, %add3A_41 : vector<32x4096xf32>
    %sqrt3A = math.sqrt %add3A_42 : vector<32x4096xf32>
    %iota3A = tpu.iota {dimensions = array<i32: 1>} : vector<32x4096xi32>
    %reduce_min3A = arith.constant dense<0x7F800000> : vector<32xf32>
    %reduce_min3A_43 = vector.multi_reduction <minimumf>, %sqrt3A, %reduce_min3A [1] : vector<32x4096xf32> to vector<32xf32>
    %broadcast_in_dim3A = vector.shape_cast %reduce_min3A_43 : vector<32xf32> to vector<32x1xf32>
    %eq3A = vector.broadcast %broadcast_in_dim3A : vector<32x1xf32> to vector<32x4096xf32>
    %eq3A_44 = arith.cmpf oeq, %sqrt3A, %eq3A : vector<32x4096xf32>
    %jit3A = arith.constant 4096 : i32
    %broadcast_in_dim3A_45 = vector.broadcast %jit3A : i32 to vector<32x4096xi32>
    %select_n3A = arith.select %eq3A_44, %iota3A, %broadcast_in_dim3A_45 : vector<32x4096xi1>, vector<32x4096xi32>
    %reduce_min3A_46 = arith.constant dense<2147483647> : vector<32xi32>
    %reduce_min3A_47 = vector.multi_reduction <minsi>, %select_n3A, %reduce_min3A_46 [1] : vector<32x4096xi32> to vector<32xi32>
    %broadcast_in_dim3A_48 = vector.shape_cast %reduce_min3A_47 : vector<32xi32> to vector<32x1xi32>
    %squeeze3A = vector.shape_cast %broadcast_in_dim3A : vector<32x1xf32> to vector<32xf32>
    %swap3A = arith.constant 0 : index
    %swap3A_49 = arith.constant 0 : index
    %swap3A_50 = arith.constant 0 : index
    %swap3A_51 = vector.load %arg4[%swap3A, %swap3A_49, %swap3A_50] : memref<1x32x20xf32, #tpu.memory_space<vmem>>, vector<1x32x1xf32>
    %swap3A_52 = vector.shape_cast %swap3A_51 : vector<1x32x1xf32> to vector<32xf32>
    %swap3A_53 = vector.shape_cast %squeeze3A : vector<32xf32> to vector<1x32x1xf32>
    tpu.vector_store %arg4[%swap3A, %swap3A_49, %swap3A_50], %swap3A_53 {strides = array<i32>} : memref<1x32x20xf32, #tpu.memory_space<vmem>>, vector<1x32x1xf32>,
    %squeeze3A_54 = vector.shape_cast %broadcast_in_dim3A_48 : vector<32x1xi32> to vector<32xi32>
    %swap3A_55 = arith.constant 0 : index
    %swap3A_56 = arith.constant 0 : index
    %swap3A_57 = arith.constant 0 : index
    %swap3A_58 = vector.load %arg5[%swap3A_55, %swap3A_56, %swap3A_57] : memref<1x32x20xi32, #tpu.memory_space<vmem>>, vector<1x32x1xi32>
    %swap3A_59 = vector.shape_cast %swap3A_58 : vector<1x32x1xi32> to vector<32xi32>
    %swap3A_60 = vector.shape_cast %squeeze3A_54 : vector<32xi32> to vector<1x32x1xi32>
    tpu.vector_store %arg5[%swap3A_55, %swap3A_56, %swap3A_57], %swap3A_60 {strides = array<i32>} : memref<1x32x20xi32, #tpu.memory_space<vmem>>, vector<1x32x1xi32>,
    %eq3A_61 = vector.broadcast %broadcast_in_dim3A_48 : vector<32x1xi32> to vector<32x4096xi32>
    %eq3A_62 = arith.cmpi eq, %iota3A, %eq3A_61 : vector<32x4096xi32>
    %jit3A_63 = arith.constant 1.000000e+30 : f32
    %broadcast_in_dim3A_64 = vector.broadcast %jit3A_63 : f32 to vector<32x4096xf32>
    %select_n3A_65 = arith.select %eq3A_62, %broadcast_in_dim3A_64, %sqrt3A : vector<32x4096xi1>, vector<32x4096xf32>
    %reduce_min3A_66 = arith.constant dense<0x7F800000> : vector<32xf32>
    %reduce_min3A_67 = vector.multi_reduction <minimumf>, %select_n3A_65, %reduce_min3A_66 [1] : vector<32x4096xf32> to vector<32xf32>
    %broadcast_in_dim3A_68 = vector.shape_cast %reduce_min3A_67 : vector<32xf32> to vector<32x1xf32>
    %eq3A_69 = vector.broadcast %broadcast_in_dim3A_68 : vector<32x1xf32> to vector<32x4096xf32>
    %eq3A_70 = arith.cmpf oeq, %select_n3A_65, %eq3A_69 : vector<32x4096xf32>
    %jit3A_71 = arith.constant 4096 : i32
    %broadcast_in_dim3A_72 = vector.broadcast %jit3A_71 : i32 to vector<32x4096xi32>
    %select_n3A_73 = arith.select %eq3A_70, %iota3A, %broadcast_in_dim3A_72 : vector<32x4096xi1>, vector<32x4096xi32>
    %reduce_min3A_74 = arith.constant dense<2147483647> : vector<32xi32>
    %reduce_min3A_75 = vector.multi_reduction <minsi>, %select_n3A_73, %reduce_min3A_74 [1] : vector<32x4096xi32> to vector<32xi32>
    %broadcast_in_dim3A_76 = vector.shape_cast %reduce_min3A_75 : vector<32xi32> to vector<32x1xi32>
    %squeeze3A_77 = vector.shape_cast %broadcast_in_dim3A_68 : vector<32x1xf32> to vector<32xf32>
    %swap3A_78 = arith.constant 0 : index
    %swap3A_79 = arith.constant 0 : index
    %swap3A_80 = arith.constant 1 : index
    %swap3A_81 = vector.load %arg4[%swap3A_78, %swap3A_79, %swap3A_80] : memref<1x32x20xf32, #tpu.memory_space<vmem>>, vector<1x32x1xf32>
    %swap3A_82 = vector.shape_cast %swap3A_81 : vector<1x32x1xf32> to vector<32xf32>
    %swap3A_83 = vector.shape_cast %squeeze3A_77 : vector<32xf32> to vector<1x32x1xf32>
    tpu.vector_store %arg4[%swap3A_78, %swap3A_79, %swap3A_80], %swap3A_83 {strides = array<i32>} : memref<1x32x20xf32, #tpu.memory_space<vmem>>, vector<1x32x1xf32>,
    %squeeze3A_84 = vector.shape_cast %broadcast_in_dim3A_76 : vector<32x1xi32> to vector<32xi32>
    %swap3A_85 = arith.constant 0 : index
    %swap3A_86 = arith.constant 0 : index
    %swap3A_87 = arith.constant 1 : index
    %swap3A_88 = vector.load %arg5[%swap3A_85, %swap3A_86, %swap3A_87] : memref<1x32x20xi32, #tpu.memory_space<vmem>>, vector<1x32x1xi32>
    %swap3A_89 = vector.shape_cast %swap3A_88 : vector<1x32x1xi32> to vector<32xi32>
    %swap3A_90 = vector.shape_cast %squeeze3A_84 : vector<32xi32> to vector<1x32x1xi32>
    tpu.vector_store %arg5[%swap3A_85, %swap3A_86, %swap3A_87], %swap3A_90 {strides = array<i32>} : memref<1x32x20xi32, #tpu.memory_space<vmem>>, vector<1x32x1xi32>,
    %eq3A_91 = vector.broadcast %broadcast_in_dim3A_76 : vector<32x1xi32> to vector<32x4096xi32>
    %eq3A_92 = arith.cmpi eq, %iota3A, %eq3A_91 : vector<32x4096xi32>
    %jit3A_93 = arith.constant 1.000000e+30 : f32
    %broadcast_in_dim3A_94 = vector.broadcast %jit3A_93 : f32 to vector<32x4096xf32>
    %select_n3A_95 = arith.select %eq3A_92, %broadcast_in_dim3A_94, %select_n3A_65 : vector<32x4096xi1>, vector<32x4096xf32>
    %reduce_min3A_96 = arith.constant dense<0x7F800000> : vector<32xf32>
    %reduce_min3A_97 = vector.multi_reduction <minimumf>, %select_n3A_95, %reduce_min3A_96 [1] : vector<32x4096xf32> to vector<32xf32>
    %broadcast_in_dim3A_98 = vector.shape_cast %reduce_min3A_97 : vector<32xf32> to vector<32x1xf32>
    %eq3A_99 = vector.broadcast %broadcast_in_dim3A_98 : vector<32x1xf32> to vector<32x4096xf32>
    %eq3A_100 = arith.cmpf oeq, %select_n3A_95, %eq3A_99 : vector<32x4096xf32>
    %jit3A_101 = arith.constant 4096 : i32
    %broadcast_in_dim3A_102 = vector.broadcast %jit3A_101 : i32 to vector<32x4096xi32>
    %select_n3A_103 = arith.select %eq3A_100, %iota3A, %broadcast_in_dim3A_102 : vector<32x4096xi1>, vector<32x4096xi32>
    %reduce_min3A_104 = arith.constant dense<2147483647> : vector<32xi32>
    %reduce_min3A_105 = vector.multi_reduction <minsi>, %select_n3A_103, %reduce_min3A_104 [1] : vector<32x4096xi32> to vector<32xi32>
    %broadcast_in_dim3A_106 = vector.shape_cast %reduce_min3A_105 : vector<32xi32> to vector<32x1xi32>
    %squeeze3A_107 = vector.shape_cast %broadcast_in_dim3A_98 : vector<32x1xf32> to vector<32xf32>
    %swap3A_108 = arith.constant 0 : index
    %swap3A_109 = arith.constant 0 : index
    %swap3A_110 = arith.constant 2 : index
    %swap3A_111 = vector.load %arg4[%swap3A_108, %swap3A_109, %swap3A_110] : memref<1x32x20xf32, #tpu.memory_space<vmem>>, vector<1x32x1xf32>
    %swap3A_112 = vector.shape_cast %swap3A_111 : vector<1x32x1xf32> to vector<32xf32>
    %swap3A_113 = vector.shape_cast %squeeze3A_107 : vector<32xf32> to vector<1x32x1xf32>
    tpu.vector_store %arg4[%swap3A_108, %swap3A_109, %swap3A_110], %swap3A_113 {strides = array<i32>} : memref<1x32x20xf32, #tpu.memory_space<vmem>>, vector<1x32x1xf32>,
    %squeeze3A_114 = vector.shape_cast %broadcast_in_dim3A_106 : vector<32x1xi32> to vector<32xi32>
    %swap3A_115 = arith.constant 0 : index
    %swap3A_116 = arith.constant 0 : index
    %swap3A_117 = arith.constant 2 : index
    %swap3A_118 = vector.load %arg5[%swap3A_115, %swap3A_116, %swap3A_117] : memref<1x32x20xi32, #tpu.memory_space<vmem>>, vector<1x32x1xi32>
    %swap3A_119 = vector.shape_cast %swap3A_118 : vector<1x32x1xi32> to vector<32xi32>
    %swap3A_120 = vector.shape_cast %squeeze3A_114 : vector<32xi32> to vector<1x32x1xi32>
    tpu.vector_store %arg5[%swap3A_115, %swap3A_116, %swap3A_117], %swap3A_120 {strides = array<i32>} : memref<1x32x20xi32, #tpu.memory_space<vmem>>, vector<1x32x1xi32>,
    %eq3A_121 = vector.broadcast %broadcast_in_dim3A_106 : vector<32x1xi32> to vector<32x4096xi32>
    %eq3A_122 = arith.cmpi eq, %iota3A, %eq3A_121 : vector<32x4096xi32>
    %jit3A_123 = arith.constant 1.000000e+30 : f32
    %broadcast_in_dim3A_124 = vector.broadcast %jit3A_123 : f32 to vector<32x4096xf32>
    %select_n3A_125 = arith.select %eq3A_122, %broadcast_in_dim3A_124, %select_n3A_95 : vector<32x4096xi1>, vector<32x4096xf32>
    %reduce_min3A_126 = arith.constant dense<0x7F800000> : vector<32xf32>
    %reduce_min3A_127 = vector.multi_reduction <minimumf>, %select_n3A_125, %reduce_min3A_126 [1] : vector<32x4096xf32> to vector<32xf32>
    %broadcast_in_dim3A_128 = vector.shape_cast %reduce_min3A_127 : vector<32xf32> to vector<32x1xf32>
    %eq3A_129 = vector.broadcast %broadcast_in_dim3A_128 : vector<32x1xf32> to vector<32x4096xf32>
    %eq3A_130 = arith.cmpf oeq, %select_n3A_125, %eq3A_129 : vector<32x4096xf32>
    %jit3A_131 = arith.constant 4096 : i32
    %broadcast_in_dim3A_132 = vector.broadcast %jit3A_131 : i32 to vector<32x4096xi32>
    %select_n3A_133 = arith.select %eq3A_130, %iota3A, %broadcast_in_dim3A_132 : vector<32x4096xi1>, vector<32x4096xi32>
    %reduce_min3A_134 = arith.constant dense<2147483647> : vector<32xi32>
    %reduce_min3A_135 = vector.multi_reduction <minsi>, %select_n3A_133, %reduce_min3A_134 [1] : vector<32x4096xi32> to vector<32xi32>
    %broadcast_in_dim3A_136 = vector.shape_cast %reduce_min3A_135 : vector<32xi32> to vector<32x1xi32>
    %squeeze3A_137 = vector.shape_cast %broadcast_in_dim3A_128 : vector<32x1xf32> to vector<32xf32>
    %swap3A_138 = arith.constant 0 : index
    %swap3A_139 = arith.constant 0 : index
    %swap3A_140 = arith.constant 3 : index
    %swap3A_141 = vector.load %arg4[%swap3A_138, %swap3A_139, %swap3A_140] : memref<1x32x20xf32, #tpu.memory_space<vmem>>, vector<1x32x1xf32>
    %swap3A_142 = vector.shape_cast %swap3A_141 : vector<1x32x1xf32> to vector<32xf32>
    %swap3A_143 = vector.shape_cast %squeeze3A_137 : vector<32xf32> to vector<1x32x1xf32>
    tpu.vector_store %arg4[%swap3A_138, %swap3A_139, %swap3A_140], %swap3A_143 {strides = array<i32>} : memref<1x32x20xf32, #tpu.memory_space<vmem>>, vector<1x32x1xf32>,
    %squeeze3A_144 = vector.shape_cast %broadcast_in_dim3A_136 : vector<32x1xi32> to vector<32xi32>
    %swap3A_145 = arith.constant 0 : index
    %swap3A_146 = arith.constant 0 : index
    %swap3A_147 = arith.constant 3 : index
    %swap3A_148 = vector.load %arg5[%swap3A_145, %swap3A_146, %swap3A_147] : memref<1x32x20xi32, #tpu.memory_space<vmem>>, vector<1x32x1xi32>
    %swap3A_149 = vector.shape_cast %swap3A_148 : vector<1x32x1xi32> to vector<32xi32>
    %swap3A_150 = vector.shape_cast %squeeze3A_144 : vector<32xi32> to vector<1x32x1xi32>
    tpu.vector_store %arg5[%swap3A_145, %swap3A_146, %swap3A_147], %swap3A_150 {strides = array<i32>} : memref<1x32x20xi32, #tpu.memory_space<vmem>>, vector<1x32x1xi32>,
    %eq3A_151 = vector.broadcast %broadcast_in_dim3A_136 : vector<32x1xi32> to vector<32x4096xi32>
    %eq3A_152 = arith.cmpi eq, %iota3A, %eq3A_151 : vector<32x4096xi32>
    %jit3A_153 = arith.constant 1.000000e+30 : f32
    %broadcast_in_dim3A_154 = vector.broadcast %jit3A_153 : f32 to vector<32x4096xf32>
    %select_n3A_155 = arith.select %eq3A_152, %broadcast_in_dim3A_154, %select_n3A_125 : vector<32x4096xi1>, vector<32x4096xf32>
    %reduce_min3A_156 = arith.constant dense<0x7F800000> : vector<32xf32>
    %reduce_min3A_157 = vector.multi_reduction <minimumf>, %select_n3A_155, %reduce_min3A_156 [1] : vector<32x4096xf32> to vector<32xf32>
    %broadcast_in_dim3A_158 = vector.shape_cast %reduce_min3A_157 : vector<32xf32> to vector<32x1xf32>
    %eq3A_159 = vector.broadcast %broadcast_in_dim3A_158 : vector<32x1xf32> to vector<32x4096xf32>
    %eq3A_160 = arith.cmpf oeq, %select_n3A_155, %eq3A_159 : vector<32x4096xf32>
    %jit3A_161 = arith.constant 4096 : i32
    %broadcast_in_dim3A_162 = vector.broadcast %jit3A_161 : i32 to vector<32x4096xi32>
    %select_n3A_163 = arith.select %eq3A_160, %iota3A, %broadcast_in_dim3A_162 : vector<32x4096xi1>, vector<32x4096xi32>
    %reduce_min3A_164 = arith.constant dense<2147483647> : vector<32xi32>
    %reduce_min3A_165 = vector.multi_reduction <minsi>, %select_n3A_163, %reduce_min3A_164 [1] : vector<32x4096xi32> to vector<32xi32>
    %broadcast_in_dim3A_166 = vector.shape_cast %reduce_min3A_165 : vector<32xi32> to vector<32x1xi32>
    %squeeze3A_167 = vector.shape_cast %broadcast_in_dim3A_158 : vector<32x1xf32> to vector<32xf32>
    %swap3A_168 = arith.constant 0 : index
    %swap3A_169 = arith.constant 0 : index
    %swap3A_170 = arith.constant 4 : index
    %swap3A_171 = vector.load %arg4[%swap3A_168, %swap3A_169, %swap3A_170] : memref<1x32x20xf32, #tpu.memory_space<vmem>>, vector<1x32x1xf32>
    %swap3A_172 = vector.shape_cast %swap3A_171 : vector<1x32x1xf32> to vector<32xf32>
    %swap3A_173 = vector.shape_cast %squeeze3A_167 : vector<32xf32> to vector<1x32x1xf32>
    tpu.vector_store %arg4[%swap3A_168, %swap3A_169, %swap3A_170], %swap3A_173 {strides = array<i32>} : memref<1x32x20xf32, #tpu.memory_space<vmem>>, vector<1x32x1xf32>,
    %squeeze3A_174 = vector.shape_cast %broadcast_in_dim3A_166 : vector<32x1xi32> to vector<32xi32>
    %swap3A_175 = arith.constant 0 : index
    %swap3A_176 = arith.constant 0 : index
    %swap3A_177 = arith.constant 4 : index
    %swap3A_178 = vector.load %arg5[%swap3A_175, %swap3A_176, %swap3A_177] : memref<1x32x20xi32, #tpu.memory_space<vmem>>, vector<1x32x1xi32>
    %swap3A_179 = vector.shape_cast %swap3A_178 : vector<1x32x1xi32> to vector<32xi32>
    %swap3A_180 = vector.shape_cast %squeeze3A_174 : vector<32xi32> to vector<1x32x1xi32>
    tpu.vector_store %arg5[%swap3A_175, %swap3A_176, %swap3A_177], %swap3A_180 {strides = array<i32>} : memref<1x32x20xi32, #tpu.memory_space<vmem>>, vector<1x32x1xi32>,
    %eq3A_181 = vector.broadcast %broadcast_in_dim3A_166 : vector<32x1xi32> to vector<32x4096xi32>
    %eq3A_182 = arith.cmpi eq, %iota3A, %eq3A_181 : vector<32x4096xi32>
    %jit3A_183 = arith.constant 1.000000e+30 : f32
    %broadcast_in_dim3A_184 = vector.broadcast %jit3A_183 : f32 to vector<32x4096xf32>
    %select_n3A_185 = arith.select %eq3A_182, %broadcast_in_dim3A_184, %select_n3A_155 : vector<32x4096xi1>, vector<32x4096xf32>
    %reduce_min3A_186 = arith.constant dense<0x7F800000> : vector<32xf32>
    %reduce_min3A_187 = vector.multi_reduction <minimumf>, %select_n3A_185, %reduce_min3A_186 [1] : vector<32x4096xf32> to vector<32xf32>
    %broadcast_in_dim3A_188 = vector.shape_cast %reduce_min3A_187 : vector<32xf32> to vector<32x1xf32>
    %eq3A_189 = vector.broadcast %broadcast_in_dim3A_188 : vector<32x1xf32> to vector<32x4096xf32>
    %eq3A_190 = arith.cmpf oeq, %select_n3A_185, %eq3A_189 : vector<32x4096xf32>
    %jit3A_191 = arith.constant 4096 : i32
    %broadcast_in_dim3A_192 = vector.broadcast %jit3A_191 : i32 to vector<32x4096xi32>
    %select_n3A_193 = arith.select %eq3A_190, %iota3A, %broadcast_in_dim3A_192 : vector<32x4096xi1>, vector<32x4096xi32>
    %reduce_min3A_194 = arith.constant dense<2147483647> : vector<32xi32>
    %reduce_min3A_195 = vector.multi_reduction <minsi>, %select_n3A_193, %reduce_min3A_194 [1] : vector<32x4096xi32> to vector<32xi32>
    %broadcast_in_dim3A_196 = vector.shape_cast %reduce_min3A_195 : vector<32xi32> to vector<32x1xi32>
    %squeeze3A_197 = vector.shape_cast %broadcast_in_dim3A_188 : vector<32x1xf32> to vector<32xf32>
    %swap3A_198 = arith.constant 0 : index
    %swap3A_199 = arith.constant 0 : index
    %swap3A_200 = arith.constant 5 : index
    %swap3A_201 = vector.load %arg4[%swap3A_198, %swap3A_199, %swap3A_200] : memref<1x32x20xf32, #tpu.memory_space<vmem>>, vector<1x32x1xf32>
    %swap3A_202 = vector.shape_cast %swap3A_201 : vector<1x32x1xf32> to vector<32xf32>
    %swap3A_203 = vector.shape_cast %squeeze3A_197 : vector<32xf32> to vector<1x32x1xf32>
    tpu.vector_store %arg4[%swap3A_198, %swap3A_199, %swap3A_200], %swap3A_203 {strides = array<i32>} : memref<1x32x20xf32, #tpu.memory_space<vmem>>, vector<1x32x1xf32>,
    %squeeze3A_204 = vector.shape_cast %broadcast_in_dim3A_196 : vector<32x1xi32> to vector<32xi32>
    %swap3A_205 = arith.constant 0 : index
    %swap3A_206 = arith.constant 0 : index
    %swap3A_207 = arith.constant 5 : index
    %swap3A_208 = vector.load %arg5[%swap3A_205, %swap3A_206, %swap3A_207] : memref<1x32x20xi32, #tpu.memory_space<vmem>>, vector<1x32x1xi32>
    %swap3A_209 = vector.shape_cast %swap3A_208 : vector<1x32x1xi32> to vector<32xi32>
    %swap3A_210 = vector.shape_cast %squeeze3A_204 : vector<32xi32> to vector<1x32x1xi32>
    tpu.vector_store %arg5[%swap3A_205, %swap3A_206, %swap3A_207], %swap3A_210 {strides = array<i32>} : memref<1x32x20xi32, #tpu.memory_space<vmem>>, vector<1x32x1xi32>,
    %eq3A_211 = vector.broadcast %broadcast_in_dim3A_196 : vector<32x1xi32> to vector<32x4096xi32>
    %eq3A_212 = arith.cmpi eq, %iota3A, %eq3A_211 : vector<32x4096xi32>
    %jit3A_213 = arith.constant 1.000000e+30 : f32
    %broadcast_in_dim3A_214 = vector.broadcast %jit3A_213 : f32 to vector<32x4096xf32>
    %select_n3A_215 = arith.select %eq3A_212, %broadcast_in_dim3A_214, %select_n3A_185 : vector<32x4096xi1>, vector<32x4096xf32>
    %reduce_min3A_216 = arith.constant dense<0x7F800000> : vector<32xf32>
    %reduce_min3A_217 = vector.multi_reduction <minimumf>, %select_n3A_215, %reduce_min3A_216 [1] : vector<32x4096xf32> to vector<32xf32>
    %broadcast_in_dim3A_218 = vector.shape_cast %reduce_min3A_217 : vector<32xf32> to vector<32x1xf32>
    %eq3A_219 = vector.broadcast %broadcast_in_dim3A_218 : vector<32x1xf32> to vector<32x4096xf32>
    %eq3A_220 = arith.cmpf oeq, %select_n3A_215, %eq3A_219 : vector<32x4096xf32>
    %jit3A_221 = arith.constant 4096 : i32
    %broadcast_in_dim3A_222 = vector.broadcast %jit3A_221 : i32 to vector<32x4096xi32>
    %select_n3A_223 = arith.select %eq3A_220, %iota3A, %broadcast_in_dim3A_222 : vector<32x4096xi1>, vector<32x4096xi32>
    %reduce_min3A_224 = arith.constant dense<2147483647> : vector<32xi32>
    %reduce_min3A_225 = vector.multi_reduction <minsi>, %select_n3A_223, %reduce_min3A_224 [1] : vector<32x4096xi32> to vector<32xi32>
    %broadcast_in_dim3A_226 = vector.shape_cast %reduce_min3A_225 : vector<32xi32> to vector<32x1xi32>
    %squeeze3A_227 = vector.shape_cast %broadcast_in_dim3A_218 : vector<32x1xf32> to vector<32xf32>
    %swap3A_228 = arith.constant 0 : index
    %swap3A_229 = arith.constant 0 : index
    %swap3A_230 = arith.constant 6 : index
    %swap3A_231 = vector.load %arg4[%swap3A_228, %swap3A_229, %swap3A_230] : memref<1x32x20xf32, #tpu.memory_space<vmem>>, vector<1x32x1xf32>
    %swap3A_232 = vector.shape_cast %swap3A_231 : vector<1x32x1xf32> to vector<32xf32>
    %swap3A_233 = vector.shape_cast %squeeze3A_227 : vector<32xf32> to vector<1x32x1xf32>
    tpu.vector_store %arg4[%swap3A_228, %swap3A_229, %swap3A_230], %swap3A_233 {strides = array<i32>} : memref<1x32x20xf32, #tpu.memory_space<vmem>>, vector<1x32x1xf32>,
    %squeeze3A_234 = vector.shape_cast %broadcast_in_dim3A_226 : vector<32x1xi32> to vector<32xi32>
    %swap3A_235 = arith.constant 0 : index
    %swap3A_236 = arith.constant 0 : index
    %swap3A_237 = arith.constant 6 : index
    %swap3A_238 = vector.load %arg5[%swap3A_235, %swap3A_236, %swap3A_237] : memref<1x32x20xi32, #tpu.memory_space<vmem>>, vector<1x32x1xi32>
    %swap3A_239 = vector.shape_cast %swap3A_238 : vector<1x32x1xi32> to vector<32xi32>
    %swap3A_240 = vector.shape_cast %squeeze3A_234 : vector<32xi32> to vector<1x32x1xi32>
    tpu.vector_store %arg5[%swap3A_235, %swap3A_236, %swap3A_237], %swap3A_240 {strides = array<i32>} : memref<1x32x20xi32, #tpu.memory_space<vmem>>, vector<1x32x1xi32>,
    %eq3A_241 = vector.broadcast %broadcast_in_dim3A_226 : vector<32x1xi32> to vector<32x4096xi32>
    %eq3A_242 = arith.cmpi eq, %iota3A, %eq3A_241 : vector<32x4096xi32>
    %jit3A_243 = arith.constant 1.000000e+30 : f32
    %broadcast_in_dim3A_244 = vector.broadcast %jit3A_243 : f32 to vector<32x4096xf32>
    %select_n3A_245 = arith.select %eq3A_242, %broadcast_in_dim3A_244, %select_n3A_215 : vector<32x4096xi1>, vector<32x4096xf32>
    %reduce_min3A_246 = arith.constant dense<0x7F800000> : vector<32xf32>
    %reduce_min3A_247 = vector.multi_reduction <minimumf>, %select_n3A_245, %reduce_min3A_246 [1] : vector<32x4096xf32> to vector<32xf32>
    %broadcast_in_dim3A_248 = vector.shape_cast %reduce_min3A_247 : vector<32xf32> to vector<32x1xf32>
    %eq3A_249 = vector.broadcast %broadcast_in_dim3A_248 : vector<32x1xf32> to vector<32x4096xf32>
    %eq3A_250 = arith.cmpf oeq, %select_n3A_245, %eq3A_249 : vector<32x4096xf32>
    %jit3A_251 = arith.constant 4096 : i32
    %broadcast_in_dim3A_252 = vector.broadcast %jit3A_251 : i32 to vector<32x4096xi32>
    %select_n3A_253 = arith.select %eq3A_250, %iota3A, %broadcast_in_dim3A_252 : vector<32x4096xi1>, vector<32x4096xi32>
    %reduce_min3A_254 = arith.constant dense<2147483647> : vector<32xi32>
    %reduce_min3A_255 = vector.multi_reduction <minsi>, %select_n3A_253, %reduce_min3A_254 [1] : vector<32x4096xi32> to vector<32xi32>
    %broadcast_in_dim3A_256 = vector.shape_cast %reduce_min3A_255 : vector<32xi32> to vector<32x1xi32>
    %squeeze3A_257 = vector.shape_cast %broadcast_in_dim3A_248 : vector<32x1xf32> to vector<32xf32>
    %swap3A_258 = arith.constant 0 : index
    %swap3A_259 = arith.constant 0 : index
    %swap3A_260 = arith.constant 7 : index
    %swap3A_261 = vector.load %arg4[%swap3A_258, %swap3A_259, %swap3A_260] : memref<1x32x20xf32, #tpu.memory_space<vmem>>, vector<1x32x1xf32>
    %swap3A_262 = vector.shape_cast %swap3A_261 : vector<1x32x1xf32> to vector<32xf32>
    %swap3A_263 = vector.shape_cast %squeeze3A_257 : vector<32xf32> to vector<1x32x1xf32>
    tpu.vector_store %arg4[%swap3A_258, %swap3A_259, %swap3A_260], %swap3A_263 {strides = array<i32>} : memref<1x32x20xf32, #tpu.memory_space<vmem>>, vector<1x32x1xf32>,
    %squeeze3A_264 = vector.shape_cast %broadcast_in_dim3A_256 : vector<32x1xi32> to vector<32xi32>
    %swap3A_265 = arith.constant 0 : index
    %swap3A_266 = arith.constant 0 : index
    %swap3A_267 = arith.constant 7 : index
    %swap3A_268 = vector.load %arg5[%swap3A_265, %swap3A_266, %swap3A_267] : memref<1x32x20xi32, #tpu.memory_space<vmem>>, vector<1x32x1xi32>
    %swap3A_269 = vector.shape_cast %swap3A_268 : vector<1x32x1xi32> to vector<32xi32>
    %swap3A_270 = vector.shape_cast %squeeze3A_264 : vector<32xi32> to vector<1x32x1xi32>
    tpu.vector_store %arg5[%swap3A_265, %swap3A_266, %swap3A_267], %swap3A_270 {strides = array<i32>} : memref<1x32x20xi32, #tpu.memory_space<vmem>>, vector<1x32x1xi32>,
    %eq3A_271 = vector.broadcast %broadcast_in_dim3A_256 : vector<32x1xi32> to vector<32x4096xi32>
    %eq3A_272 = arith.cmpi eq, %iota3A, %eq3A_271 : vector<32x4096xi32>
    %jit3A_273 = arith.constant 1.000000e+30 : f32
    %broadcast_in_dim3A_274 = vector.broadcast %jit3A_273 : f32 to vector<32x4096xf32>
    %select_n3A_275 = arith.select %eq3A_272, %broadcast_in_dim3A_274, %select_n3A_245 : vector<32x4096xi1>, vector<32x4096xf32>
    %reduce_min3A_276 = arith.constant dense<0x7F800000> : vector<32xf32>
    %reduce_min3A_277 = vector.multi_reduction <minimumf>, %select_n3A_275, %reduce_min3A_276 [1] : vector<32x4096xf32> to vector<32xf32>
    %broadcast_in_dim3A_278 = vector.shape_cast %reduce_min3A_277 : vector<32xf32> to vector<32x1xf32>
    %eq3A_279 = vector.broadcast %broadcast_in_dim3A_278 : vector<32x1xf32> to vector<32x4096xf32>
    %eq3A_280 = arith.cmpf oeq, %select_n3A_275, %eq3A_279 : vector<32x4096xf32>
    %jit3A_281 = arith.constant 4096 : i32
    %broadcast_in_dim3A_282 = vector.broadcast %jit3A_281 : i32 to vector<32x4096xi32>
    %select_n3A_283 = arith.select %eq3A_280, %iota3A, %broadcast_in_dim3A_282 : vector<32x4096xi1>, vector<32x4096xi32>
    %reduce_min3A_284 = arith.constant dense<2147483647> : vector<32xi32>
    %reduce_min3A_285 = vector.multi_reduction <minsi>, %select_n3A_283, %reduce_min3A_284 [1] : vector<32x4096xi32> to vector<32xi32>
    %broadcast_in_dim3A_286 = vector.shape_cast %reduce_min3A_285 : vector<32xi32> to vector<32x1xi32>
    %squeeze3A_287 = vector.shape_cast %broadcast_in_dim3A_278 : vector<32x1xf32> to vector<32xf32>
    %swap3A_288 = arith.constant 0 : index
    %swap3A_289 = arith.constant 0 : index
    %swap3A_290 = arith.constant 8 : index
    %swap3A_291 = vector.load %arg4[%swap3A_288, %swap3A_289, %swap3A_290] : memref<1x32x20xf32, #tpu.memory_space<vmem>>, vector<1x32x1xf32>
    %swap3A_292 = vector.shape_cast %swap3A_291 : vector<1x32x1xf32> to vector<32xf32>
    %swap3A_293 = vector.shape_cast %squeeze3A_287 : vector<32xf32> to vector<1x32x1xf32>
    tpu.vector_store %arg4[%swap3A_288, %swap3A_289, %swap3A_290], %swap3A_293 {strides = array<i32>} : memref<1x32x20xf32, #tpu.memory_space<vmem>>, vector<1x32x1xf32>,
    %squeeze3A_294 = vector.shape_cast %broadcast_in_dim3A_286 : vector<32x1xi32> to vector<32xi32>
    %swap3A_295 = arith.constant 0 : index
    %swap3A_296 = arith.constant 0 : index
    %swap3A_297 = arith.constant 8 : index
    %swap3A_298 = vector.load %arg5[%swap3A_295, %swap3A_296, %swap3A_297] : memref<1x32x20xi32, #tpu.memory_space<vmem>>, vector<1x32x1xi32>
    %swap3A_299 = vector.shape_cast %swap3A_298 : vector<1x32x1xi32> to vector<32xi32>
    %swap3A_300 = vector.shape_cast %squeeze3A_294 : vector<32xi32> to vector<1x32x1xi32>
    tpu.vector_store %arg5[%swap3A_295, %swap3A_296, %swap3A_297], %swap3A_300 {strides = array<i32>} : memref<1x32x20xi32, #tpu.memory_space<vmem>>, vector<1x32x1xi32>,
    %eq3A_301 = vector.broadcast %broadcast_in_dim3A_286 : vector<32x1xi32> to vector<32x4096xi32>
    %eq3A_302 = arith.cmpi eq, %iota3A, %eq3A_301 : vector<32x4096xi32>
    %jit3A_303 = arith.constant 1.000000e+30 : f32
    %broadcast_in_dim3A_304 = vector.broadcast %jit3A_303 : f32 to vector<32x4096xf32>
    %select_n3A_305 = arith.select %eq3A_302, %broadcast_in_dim3A_304, %select_n3A_275 : vector<32x4096xi1>, vector<32x4096xf32>
    %reduce_min3A_306 = arith.constant dense<0x7F800000> : vector<32xf32>
    %reduce_min3A_307 = vector.multi_reduction <minimumf>, %select_n3A_305, %reduce_min3A_306 [1] : vector<32x4096xf32> to vector<32xf32>
    %broadcast_in_dim3A_308 = vector.shape_cast %reduce_min3A_307 : vector<32xf32> to vector<32x1xf32>
    %eq3A_309 = vector.broadcast %broadcast_in_dim3A_308 : vector<32x1xf32> to vector<32x4096xf32>
    %eq3A_310 = arith.cmpf oeq, %select_n3A_305, %eq3A_309 : vector<32x4096xf32>
    %jit3A_311 = arith.constant 4096 : i32
    %broadcast_in_dim3A_312 = vector.broadcast %jit3A_311 : i32 to vector<32x4096xi32>
    %select_n3A_313 = arith.select %eq3A_310, %iota3A, %broadcast_in_dim3A_312 : vector<32x4096xi1>, vector<32x4096xi32>
    %reduce_min3A_314 = arith.constant dense<2147483647> : vector<32xi32>
    %reduce_min3A_315 = vector.multi_reduction <minsi>, %select_n3A_313, %reduce_min3A_314 [1] : vector<32x4096xi32> to vector<32xi32>
    %broadcast_in_dim3A_316 = vector.shape_cast %reduce_min3A_315 : vector<32xi32> to vector<32x1xi32>
    %squeeze3A_317 = vector.shape_cast %broadcast_in_dim3A_308 : vector<32x1xf32> to vector<32xf32>
    %swap3A_318 = arith.constant 0 : index
    %swap3A_319 = arith.constant 0 : index
    %swap3A_320 = arith.constant 9 : index
    %swap3A_321 = vector.load %arg4[%swap3A_318, %swap3A_319, %swap3A_320] : memref<1x32x20xf32, #tpu.memory_space<vmem>>, vector<1x32x1xf32>
    %swap3A_322 = vector.shape_cast %swap3A_321 : vector<1x32x1xf32> to vector<32xf32>
    %swap3A_323 = vector.shape_cast %squeeze3A_317 : vector<32xf32> to vector<1x32x1xf32>
    tpu.vector_store %arg4[%swap3A_318, %swap3A_319, %swap3A_320], %swap3A_323 {strides = array<i32>} : memref<1x32x20xf32, #tpu.memory_space<vmem>>, vector<1x32x1xf32>,
    %squeeze3A_324 = vector.shape_cast %broadcast_in_dim3A_316 : vector<32x1xi32> to vector<32xi32>
    %swap3A_325 = arith.constant 0 : index
    %swap3A_326 = arith.constant 0 : index
    %swap3A_327 = arith.constant 9 : index
    %swap3A_328 = vector.load %arg5[%swap3A_325, %swap3A_326, %swap3A_327] : memref<1x32x20xi32, #tpu.memory_space<vmem>>, vector<1x32x1xi32>
    %swap3A_329 = vector.shape_cast %swap3A_328 : vector<1x32x1xi32> to vector<32xi32>
    %swap3A_330 = vector.shape_cast %squeeze3A_324 : vector<32xi32> to vector<1x32x1xi32>
    tpu.vector_store %arg5[%swap3A_325, %swap3A_326, %swap3A_327], %swap3A_330 {strides = array<i32>} : memref<1x32x20xi32, #tpu.memory_space<vmem>>, vector<1x32x1xi32>,
    %eq3A_331 = vector.broadcast %broadcast_in_dim3A_316 : vector<32x1xi32> to vector<32x4096xi32>
    %eq3A_332 = arith.cmpi eq, %iota3A, %eq3A_331 : vector<32x4096xi32>
    %jit3A_333 = arith.constant 1.000000e+30 : f32
    %broadcast_in_dim3A_334 = vector.broadcast %jit3A_333 : f32 to vector<32x4096xf32>
    %select_n3A_335 = arith.select %eq3A_332, %broadcast_in_dim3A_334, %select_n3A_305 : vector<32x4096xi1>, vector<32x4096xf32>
    %reduce_min3A_336 = arith.constant dense<0x7F800000> : vector<32xf32>
    %reduce_min3A_337 = vector.multi_reduction <minimumf>, %select_n3A_335, %reduce_min3A_336 [1] : vector<32x4096xf32> to vector<32xf32>
    %broadcast_in_dim3A_338 = vector.shape_cast %reduce_min3A_337 : vector<32xf32> to vector<32x1xf32>
    %eq3A_339 = vector.broadcast %broadcast_in_dim3A_338 : vector<32x1xf32> to vector<32x4096xf32>
    %eq3A_340 = arith.cmpf oeq, %select_n3A_335, %eq3A_339 : vector<32x4096xf32>
    %jit3A_341 = arith.constant 4096 : i32
    %broadcast_in_dim3A_342 = vector.broadcast %jit3A_341 : i32 to vector<32x4096xi32>
    %select_n3A_343 = arith.select %eq3A_340, %iota3A, %broadcast_in_dim3A_342 : vector<32x4096xi1>, vector<32x4096xi32>
    %reduce_min3A_344 = arith.constant dense<2147483647> : vector<32xi32>
    %reduce_min3A_345 = vector.multi_reduction <minsi>, %select_n3A_343, %reduce_min3A_344 [1] : vector<32x4096xi32> to vector<32xi32>
    %broadcast_in_dim3A_346 = vector.shape_cast %reduce_min3A_345 : vector<32xi32> to vector<32x1xi32>
    %squeeze3A_347 = vector.shape_cast %broadcast_in_dim3A_338 : vector<32x1xf32> to vector<32xf32>
    %swap3A_348 = arith.constant 0 : index
    %swap3A_349 = arith.constant 0 : index
    %swap3A_350 = arith.constant 10 : index
    %swap3A_351 = vector.load %arg4[%swap3A_348, %swap3A_349, %swap3A_350] : memref<1x32x20xf32, #tpu.memory_space<vmem>>, vector<1x32x1xf32>
    %swap3A_352 = vector.shape_cast %swap3A_351 : vector<1x32x1xf32> to vector<32xf32>
    %swap3A_353 = vector.shape_cast %squeeze3A_347 : vector<32xf32> to vector<1x32x1xf32>
    tpu.vector_store %arg4[%swap3A_348, %swap3A_349, %swap3A_350], %swap3A_353 {strides = array<i32>} : memref<1x32x20xf32, #tpu.memory_space<vmem>>, vector<1x32x1xf32>,
    %squeeze3A_354 = vector.shape_cast %broadcast_in_dim3A_346 : vector<32x1xi32> to vector<32xi32>
    %swap3A_355 = arith.constant 0 : index
    %swap3A_356 = arith.constant 0 : index
    %swap3A_357 = arith.constant 10 : index
    %swap3A_358 = vector.load %arg5[%swap3A_355, %swap3A_356, %swap3A_357] : memref<1x32x20xi32, #tpu.memory_space<vmem>>, vector<1x32x1xi32>
    %swap3A_359 = vector.shape_cast %swap3A_358 : vector<1x32x1xi32> to vector<32xi32>
    %swap3A_360 = vector.shape_cast %squeeze3A_354 : vector<32xi32> to vector<1x32x1xi32>
    tpu.vector_store %arg5[%swap3A_355, %swap3A_356, %swap3A_357], %swap3A_360 {strides = array<i32>} : memref<1x32x20xi32, #tpu.memory_space<vmem>>, vector<1x32x1xi32>,
    %eq3A_361 = vector.broadcast %broadcast_in_dim3A_346 : vector<32x1xi32> to vector<32x4096xi32>
    %eq3A_362 = arith.cmpi eq, %iota3A, %eq3A_361 : vector<32x4096xi32>
    %jit3A_363 = arith.constant 1.000000e+30 : f32
    %broadcast_in_dim3A_364 = vector.broadcast %jit3A_363 : f32 to vector<32x4096xf32>
    %select_n3A_365 = arith.select %eq3A_362, %broadcast_in_dim3A_364, %select_n3A_335 : vector<32x4096xi1>, vector<32x4096xf32>
    %reduce_min3A_366 = arith.constant dense<0x7F800000> : vector<32xf32>
    %reduce_min3A_367 = vector.multi_reduction <minimumf>, %select_n3A_365, %reduce_min3A_366 [1] : vector<32x4096xf32> to vector<32xf32>
    %broadcast_in_dim3A_368 = vector.shape_cast %reduce_min3A_367 : vector<32xf32> to vector<32x1xf32>
    %eq3A_369 = vector.broadcast %broadcast_in_dim3A_368 : vector<32x1xf32> to vector<32x4096xf32>
    %eq3A_370 = arith.cmpf oeq, %select_n3A_365, %eq3A_369 : vector<32x4096xf32>
    %jit3A_371 = arith.constant 4096 : i32
    %broadcast_in_dim3A_372 = vector.broadcast %jit3A_371 : i32 to vector<32x4096xi32>
    %select_n3A_373 = arith.select %eq3A_370, %iota3A, %broadcast_in_dim3A_372 : vector<32x4096xi1>, vector<32x4096xi32>
    %reduce_min3A_374 = arith.constant dense<2147483647> : vector<32xi32>
    %reduce_min3A_375 = vector.multi_reduction <minsi>, %select_n3A_373, %reduce_min3A_374 [1] : vector<32x4096xi32> to vector<32xi32>
    %broadcast_in_dim3A_376 = vector.shape_cast %reduce_min3A_375 : vector<32xi32> to vector<32x1xi32>
    %squeeze3A_377 = vector.shape_cast %broadcast_in_dim3A_368 : vector<32x1xf32> to vector<32xf32>
    %swap3A_378 = arith.constant 0 : index
    %swap3A_379 = arith.constant 0 : index
    %swap3A_380 = arith.constant 11 : index
    %swap3A_381 = vector.load %arg4[%swap3A_378, %swap3A_379, %swap3A_380] : memref<1x32x20xf32, #tpu.memory_space<vmem>>, vector<1x32x1xf32>
    %swap3A_382 = vector.shape_cast %swap3A_381 : vector<1x32x1xf32> to vector<32xf32>
    %swap3A_383 = vector.shape_cast %squeeze3A_377 : vector<32xf32> to vector<1x32x1xf32>
    tpu.vector_store %arg4[%swap3A_378, %swap3A_379, %swap3A_380], %swap3A_383 {strides = array<i32>} : memref<1x32x20xf32, #tpu.memory_space<vmem>>, vector<1x32x1xf32>,
    %squeeze3A_384 = vector.shape_cast %broadcast_in_dim3A_376 : vector<32x1xi32> to vector<32xi32>
    %swap3A_385 = arith.constant 0 : index
    %swap3A_386 = arith.constant 0 : index
    %swap3A_387 = arith.constant 11 : index
    %swap3A_388 = vector.load %arg5[%swap3A_385, %swap3A_386, %swap3A_387] : memref<1x32x20xi32, #tpu.memory_space<vmem>>, vector<1x32x1xi32>
    %swap3A_389 = vector.shape_cast %swap3A_388 : vector<1x32x1xi32> to vector<32xi32>
    %swap3A_390 = vector.shape_cast %squeeze3A_384 : vector<32xi32> to vector<1x32x1xi32>
    tpu.vector_store %arg5[%swap3A_385, %swap3A_386, %swap3A_387], %swap3A_390 {strides = array<i32>} : memref<1x32x20xi32, #tpu.memory_space<vmem>>, vector<1x32x1xi32>,
    %eq3A_391 = vector.broadcast %broadcast_in_dim3A_376 : vector<32x1xi32> to vector<32x4096xi32>
    %eq3A_392 = arith.cmpi eq, %iota3A, %eq3A_391 : vector<32x4096xi32>
    %jit3A_393 = arith.constant 1.000000e+30 : f32
    %broadcast_in_dim3A_394 = vector.broadcast %jit3A_393 : f32 to vector<32x4096xf32>
    %select_n3A_395 = arith.select %eq3A_392, %broadcast_in_dim3A_394, %select_n3A_365 : vector<32x4096xi1>, vector<32x4096xf32>
    %reduce_min3A_396 = arith.constant dense<0x7F800000> : vector<32xf32>
    %reduce_min3A_397 = vector.multi_reduction <minimumf>, %select_n3A_395, %reduce_min3A_396 [1] : vector<32x4096xf32> to vector<32xf32>
    %broadcast_in_dim3A_398 = vector.shape_cast %reduce_min3A_397 : vector<32xf32> to vector<32x1xf32>
    %eq3A_399 = vector.broadcast %broadcast_in_dim3A_398 : vector<32x1xf32> to vector<32x4096xf32>
    %eq3A_400 = arith.cmpf oeq, %select_n3A_395, %eq3A_399 : vector<32x4096xf32>
    %jit3A_401 = arith.constant 4096 : i32
    %broadcast_in_dim3A_402 = vector.broadcast %jit3A_401 : i32 to vector<32x4096xi32>
    %select_n3A_403 = arith.select %eq3A_400, %iota3A, %broadcast_in_dim3A_402 : vector<32x4096xi1>, vector<32x4096xi32>
    %reduce_min3A_404 = arith.constant dense<2147483647> : vector<32xi32>
    %reduce_min3A_405 = vector.multi_reduction <minsi>, %select_n3A_403, %reduce_min3A_404 [1] : vector<32x4096xi32> to vector<32xi32>
    %broadcast_in_dim3A_406 = vector.shape_cast %reduce_min3A_405 : vector<32xi32> to vector<32x1xi32>
    %squeeze3A_407 = vector.shape_cast %broadcast_in_dim3A_398 : vector<32x1xf32> to vector<32xf32>
    %swap3A_408 = arith.constant 0 : index
    %swap3A_409 = arith.constant 0 : index
    %swap3A_410 = arith.constant 12 : index
    %swap3A_411 = vector.load %arg4[%swap3A_408, %swap3A_409, %swap3A_410] : memref<1x32x20xf32, #tpu.memory_space<vmem>>, vector<1x32x1xf32>
    %swap3A_412 = vector.shape_cast %swap3A_411 : vector<1x32x1xf32> to vector<32xf32>
    %swap3A_413 = vector.shape_cast %squeeze3A_407 : vector<32xf32> to vector<1x32x1xf32>
    tpu.vector_store %arg4[%swap3A_408, %swap3A_409, %swap3A_410], %swap3A_413 {strides = array<i32>} : memref<1x32x20xf32, #tpu.memory_space<vmem>>, vector<1x32x1xf32>,
    %squeeze3A_414 = vector.shape_cast %broadcast_in_dim3A_406 : vector<32x1xi32> to vector<32xi32>
    %swap3A_415 = arith.constant 0 : index
    %swap3A_416 = arith.constant 0 : index
    %swap3A_417 = arith.constant 12 : index
    %swap3A_418 = vector.load %arg5[%swap3A_415, %swap3A_416, %swap3A_417] : memref<1x32x20xi32, #tpu.memory_space<vmem>>, vector<1x32x1xi32>
    %swap3A_419 = vector.shape_cast %swap3A_418 : vector<1x32x1xi32> to vector<32xi32>
    %swap3A_420 = vector.shape_cast %squeeze3A_414 : vector<32xi32> to vector<1x32x1xi32>
    tpu.vector_store %arg5[%swap3A_415, %swap3A_416, %swap3A_417], %swap3A_420 {strides = array<i32>} : memref<1x32x20xi32, #tpu.memory_space<vmem>>, vector<1x32x1xi32>,
    %eq3A_421 = vector.broadcast %broadcast_in_dim3A_406 : vector<32x1xi32> to vector<32x4096xi32>
    %eq3A_422 = arith.cmpi eq, %iota3A, %eq3A_421 : vector<32x4096xi32>
    %jit3A_423 = arith.constant 1.000000e+30 : f32
    %broadcast_in_dim3A_424 = vector.broadcast %jit3A_423 : f32 to vector<32x4096xf32>
    %select_n3A_425 = arith.select %eq3A_422, %broadcast_in_dim3A_424, %select_n3A_395 : vector<32x4096xi1>, vector<32x4096xf32>
    %reduce_min3A_426 = arith.constant dense<0x7F800000> : vector<32xf32>
    %reduce_min3A_427 = vector.multi_reduction <minimumf>, %select_n3A_425, %reduce_min3A_426 [1] : vector<32x4096xf32> to vector<32xf32>
    %broadcast_in_dim3A_428 = vector.shape_cast %reduce_min3A_427 : vector<32xf32> to vector<32x1xf32>
    %eq3A_429 = vector.broadcast %broadcast_in_dim3A_428 : vector<32x1xf32> to vector<32x4096xf32>
    %eq3A_430 = arith.cmpf oeq, %select_n3A_425, %eq3A_429 : vector<32x4096xf32>
    %jit3A_431 = arith.constant 4096 : i32
    %broadcast_in_dim3A_432 = vector.broadcast %jit3A_431 : i32 to vector<32x4096xi32>
    %select_n3A_433 = arith.select %eq3A_430, %iota3A, %broadcast_in_dim3A_432 : vector<32x4096xi1>, vector<32x4096xi32>
    %reduce_min3A_434 = arith.constant dense<2147483647> : vector<32xi32>
    %reduce_min3A_435 = vector.multi_reduction <minsi>, %select_n3A_433, %reduce_min3A_434 [1] : vector<32x4096xi32> to vector<32xi32>
    %broadcast_in_dim3A_436 = vector.shape_cast %reduce_min3A_435 : vector<32xi32> to vector<32x1xi32>
    %squeeze3A_437 = vector.shape_cast %broadcast_in_dim3A_428 : vector<32x1xf32> to vector<32xf32>
    %swap3A_438 = arith.constant 0 : index
    %swap3A_439 = arith.constant 0 : index
    %swap3A_440 = arith.constant 13 : index
    %swap3A_441 = vector.load %arg4[%swap3A_438, %swap3A_439, %swap3A_440] : memref<1x32x20xf32, #tpu.memory_space<vmem>>, vector<1x32x1xf32>
    %swap3A_442 = vector.shape_cast %swap3A_441 : vector<1x32x1xf32> to vector<32xf32>
    %swap3A_443 = vector.shape_cast %squeeze3A_437 : vector<32xf32> to vector<1x32x1xf32>
    tpu.vector_store %arg4[%swap3A_438, %swap3A_439, %swap3A_440], %swap3A_443 {strides = array<i32>} : memref<1x32x20xf32, #tpu.memory_space<vmem>>, vector<1x32x1xf32>,
    %squeeze3A_444 = vector.shape_cast %broadcast_in_dim3A_436 : vector<32x1xi32> to vector<32xi32>
    %swap3A_445 = arith.constant 0 : index
    %swap3A_446 = arith.constant 0 : index
    %swap3A_447 = arith.constant 13 : index
    %swap3A_448 = vector.load %arg5[%swap3A_445, %swap3A_446, %swap3A_447] : memref<1x32x20xi32, #tpu.memory_space<vmem>>, vector<1x32x1xi32>
    %swap3A_449 = vector.shape_cast %swap3A_448 : vector<1x32x1xi32> to vector<32xi32>
    %swap3A_450 = vector.shape_cast %squeeze3A_444 : vector<32xi32> to vector<1x32x1xi32>
    tpu.vector_store %arg5[%swap3A_445, %swap3A_446, %swap3A_447], %swap3A_450 {strides = array<i32>} : memref<1x32x20xi32, #tpu.memory_space<vmem>>, vector<1x32x1xi32>,
    %eq3A_451 = vector.broadcast %broadcast_in_dim3A_436 : vector<32x1xi32> to vector<32x4096xi32>
    %eq3A_452 = arith.cmpi eq, %iota3A, %eq3A_451 : vector<32x4096xi32>
    %jit3A_453 = arith.constant 1.000000e+30 : f32
    %broadcast_in_dim3A_454 = vector.broadcast %jit3A_453 : f32 to vector<32x4096xf32>
    %select_n3A_455 = arith.select %eq3A_452, %broadcast_in_dim3A_454, %select_n3A_425 : vector<32x4096xi1>, vector<32x4096xf32>
    %reduce_min3A_456 = arith.constant dense<0x7F800000> : vector<32xf32>
    %reduce_min3A_457 = vector.multi_reduction <minimumf>, %select_n3A_455, %reduce_min3A_456 [1] : vector<32x4096xf32> to vector<32xf32>
    %broadcast_in_dim3A_458 = vector.shape_cast %reduce_min3A_457 : vector<32xf32> to vector<32x1xf32>
    %eq3A_459 = vector.broadcast %broadcast_in_dim3A_458 : vector<32x1xf32> to vector<32x4096xf32>
    %eq3A_460 = arith.cmpf oeq, %select_n3A_455, %eq3A_459 : vector<32x4096xf32>
    %jit3A_461 = arith.constant 4096 : i32
    %broadcast_in_dim3A_462 = vector.broadcast %jit3A_461 : i32 to vector<32x4096xi32>
    %select_n3A_463 = arith.select %eq3A_460, %iota3A, %broadcast_in_dim3A_462 : vector<32x4096xi1>, vector<32x4096xi32>
    %reduce_min3A_464 = arith.constant dense<2147483647> : vector<32xi32>
    %reduce_min3A_465 = vector.multi_reduction <minsi>, %select_n3A_463, %reduce_min3A_464 [1] : vector<32x4096xi32> to vector<32xi32>
    %broadcast_in_dim3A_466 = vector.shape_cast %reduce_min3A_465 : vector<32xi32> to vector<32x1xi32>
    %squeeze3A_467 = vector.shape_cast %broadcast_in_dim3A_458 : vector<32x1xf32> to vector<32xf32>
    %swap3A_468 = arith.constant 0 : index
    %swap3A_469 = arith.constant 0 : index
    %swap3A_470 = arith.constant 14 : index
    %swap3A_471 = vector.load %arg4[%swap3A_468, %swap3A_469, %swap3A_470] : memref<1x32x20xf32, #tpu.memory_space<vmem>>, vector<1x32x1xf32>
    %swap3A_472 = vector.shape_cast %swap3A_471 : vector<1x32x1xf32> to vector<32xf32>
    %swap3A_473 = vector.shape_cast %squeeze3A_467 : vector<32xf32> to vector<1x32x1xf32>
    tpu.vector_store %arg4[%swap3A_468, %swap3A_469, %swap3A_470], %swap3A_473 {strides = array<i32>} : memref<1x32x20xf32, #tpu.memory_space<vmem>>, vector<1x32x1xf32>,
    %squeeze3A_474 = vector.shape_cast %broadcast_in_dim3A_466 : vector<32x1xi32> to vector<32xi32>
    %swap3A_475 = arith.constant 0 : index
    %swap3A_476 = arith.constant 0 : index
    %swap3A_477 = arith.constant 14 : index
    %swap3A_478 = vector.load %arg5[%swap3A_475, %swap3A_476, %swap3A_477] : memref<1x32x20xi32, #tpu.memory_space<vmem>>, vector<1x32x1xi32>
    %swap3A_479 = vector.shape_cast %swap3A_478 : vector<1x32x1xi32> to vector<32xi32>
    %swap3A_480 = vector.shape_cast %squeeze3A_474 : vector<32xi32> to vector<1x32x1xi32>
    tpu.vector_store %arg5[%swap3A_475, %swap3A_476, %swap3A_477], %swap3A_480 {strides = array<i32>} : memref<1x32x20xi32, #tpu.memory_space<vmem>>, vector<1x32x1xi32>,
    %eq3A_481 = vector.broadcast %broadcast_in_dim3A_466 : vector<32x1xi32> to vector<32x4096xi32>
    %eq3A_482 = arith.cmpi eq, %iota3A, %eq3A_481 : vector<32x4096xi32>
    %jit3A_483 = arith.constant 1.000000e+30 : f32
    %broadcast_in_dim3A_484 = vector.broadcast %jit3A_483 : f32 to vector<32x4096xf32>
    %select_n3A_485 = arith.select %eq3A_482, %broadcast_in_dim3A_484, %select_n3A_455 : vector<32x4096xi1>, vector<32x4096xf32>
    %reduce_min3A_486 = arith.constant dense<0x7F800000> : vector<32xf32>
    %reduce_min3A_487 = vector.multi_reduction <minimumf>, %select_n3A_485, %reduce_min3A_486 [1] : vector<32x4096xf32> to vector<32xf32>
    %broadcast_in_dim3A_488 = vector.shape_cast %reduce_min3A_487 : vector<32xf32> to vector<32x1xf32>
    %eq3A_489 = vector.broadcast %broadcast_in_dim3A_488 : vector<32x1xf32> to vector<32x4096xf32>
    %eq3A_490 = arith.cmpf oeq, %select_n3A_485, %eq3A_489 : vector<32x4096xf32>
    %jit3A_491 = arith.constant 4096 : i32
    %broadcast_in_dim3A_492 = vector.broadcast %jit3A_491 : i32 to vector<32x4096xi32>
    %select_n3A_493 = arith.select %eq3A_490, %iota3A, %broadcast_in_dim3A_492 : vector<32x4096xi1>, vector<32x4096xi32>
    %reduce_min3A_494 = arith.constant dense<2147483647> : vector<32xi32>
    %reduce_min3A_495 = vector.multi_reduction <minsi>, %select_n3A_493, %reduce_min3A_494 [1] : vector<32x4096xi32> to vector<32xi32>
    %broadcast_in_dim3A_496 = vector.shape_cast %reduce_min3A_495 : vector<32xi32> to vector<32x1xi32>
    %squeeze3A_497 = vector.shape_cast %broadcast_in_dim3A_488 : vector<32x1xf32> to vector<32xf32>
    %swap3A_498 = arith.constant 0 : index
    %swap3A_499 = arith.constant 0 : index
    %swap3A_500 = arith.constant 15 : index
    %swap3A_501 = vector.load %arg4[%swap3A_498, %swap3A_499, %swap3A_500] : memref<1x32x20xf32, #tpu.memory_space<vmem>>, vector<1x32x1xf32>
    %swap3A_502 = vector.shape_cast %swap3A_501 : vector<1x32x1xf32> to vector<32xf32>
    %swap3A_503 = vector.shape_cast %squeeze3A_497 : vector<32xf32> to vector<1x32x1xf32>
    tpu.vector_store %arg4[%swap3A_498, %swap3A_499, %swap3A_500], %swap3A_503 {strides = array<i32>} : memref<1x32x20xf32, #tpu.memory_space<vmem>>, vector<1x32x1xf32>,
    %squeeze3A_504 = vector.shape_cast %broadcast_in_dim3A_496 : vector<32x1xi32> to vector<32xi32>
    %swap3A_505 = arith.constant 0 : index
    %swap3A_506 = arith.constant 0 : index
    %swap3A_507 = arith.constant 15 : index
    %swap3A_508 = vector.load %arg5[%swap3A_505, %swap3A_506, %swap3A_507] : memref<1x32x20xi32, #tpu.memory_space<vmem>>, vector<1x32x1xi32>
    %swap3A_509 = vector.shape_cast %swap3A_508 : vector<1x32x1xi32> to vector<32xi32>
    %swap3A_510 = vector.shape_cast %squeeze3A_504 : vector<32xi32> to vector<1x32x1xi32>
    tpu.vector_store %arg5[%swap3A_505, %swap3A_506, %swap3A_507], %swap3A_510 {strides = array<i32>} : memref<1x32x20xi32, #tpu.memory_space<vmem>>, vector<1x32x1xi32>,
    %eq3A_511 = vector.broadcast %broadcast_in_dim3A_496 : vector<32x1xi32> to vector<32x4096xi32>
    %eq3A_512 = arith.cmpi eq, %iota3A, %eq3A_511 : vector<32x4096xi32>
    %jit3A_513 = arith.constant 1.000000e+30 : f32
    %broadcast_in_dim3A_514 = vector.broadcast %jit3A_513 : f32 to vector<32x4096xf32>
    %select_n3A_515 = arith.select %eq3A_512, %broadcast_in_dim3A_514, %select_n3A_485 : vector<32x4096xi1>, vector<32x4096xf32>
    %reduce_min3A_516 = arith.constant dense<0x7F800000> : vector<32xf32>
    %reduce_min3A_517 = vector.multi_reduction <minimumf>, %select_n3A_515, %reduce_min3A_516 [1] : vector<32x4096xf32> to vector<32xf32>
    %broadcast_in_dim3A_518 = vector.shape_cast %reduce_min3A_517 : vector<32xf32> to vector<32x1xf32>
    %eq3A_519 = vector.broadcast %broadcast_in_dim3A_518 : vector<32x1xf32> to vector<32x4096xf32>
    %eq3A_520 = arith.cmpf oeq, %select_n3A_515, %eq3A_519 : vector<32x4096xf32>
    %jit3A_521 = arith.constant 4096 : i32
    %broadcast_in_dim3A_522 = vector.broadcast %jit3A_521 : i32 to vector<32x4096xi32>
    %select_n3A_523 = arith.select %eq3A_520, %iota3A, %broadcast_in_dim3A_522 : vector<32x4096xi1>, vector<32x4096xi32>
    %reduce_min3A_524 = arith.constant dense<2147483647> : vector<32xi32>
    %reduce_min3A_525 = vector.multi_reduction <minsi>, %select_n3A_523, %reduce_min3A_524 [1] : vector<32x4096xi32> to vector<32xi32>
    %broadcast_in_dim3A_526 = vector.shape_cast %reduce_min3A_525 : vector<32xi32> to vector<32x1xi32>
    %squeeze3A_527 = vector.shape_cast %broadcast_in_dim3A_518 : vector<32x1xf32> to vector<32xf32>
    %swap3A_528 = arith.constant 0 : index
    %swap3A_529 = arith.constant 0 : index
    %swap3A_530 = arith.constant 16 : index
    %swap3A_531 = vector.load %arg4[%swap3A_528, %swap3A_529, %swap3A_530] : memref<1x32x20xf32, #tpu.memory_space<vmem>>, vector<1x32x1xf32>
    %swap3A_532 = vector.shape_cast %swap3A_531 : vector<1x32x1xf32> to vector<32xf32>
    %swap3A_533 = vector.shape_cast %squeeze3A_527 : vector<32xf32> to vector<1x32x1xf32>
    tpu.vector_store %arg4[%swap3A_528, %swap3A_529, %swap3A_530], %swap3A_533 {strides = array<i32>} : memref<1x32x20xf32, #tpu.memory_space<vmem>>, vector<1x32x1xf32>,
    %squeeze3A_534 = vector.shape_cast %broadcast_in_dim3A_526 : vector<32x1xi32> to vector<32xi32>
    %swap3A_535 = arith.constant 0 : index
    %swap3A_536 = arith.constant 0 : index
    %swap3A_537 = arith.constant 16 : index
    %swap3A_538 = vector.load %arg5[%swap3A_535, %swap3A_536, %swap3A_537] : memref<1x32x20xi32, #tpu.memory_space<vmem>>, vector<1x32x1xi32>
    %swap3A_539 = vector.shape_cast %swap3A_538 : vector<1x32x1xi32> to vector<32xi32>
    %swap3A_540 = vector.shape_cast %squeeze3A_534 : vector<32xi32> to vector<1x32x1xi32>
    tpu.vector_store %arg5[%swap3A_535, %swap3A_536, %swap3A_537], %swap3A_540 {strides = array<i32>} : memref<1x32x20xi32, #tpu.memory_space<vmem>>, vector<1x32x1xi32>,
    %reduce_sum3A = vector.shape_cast %broadcast_in_dim3A_518 : vector<32x1xf32> to vector<1x32x1xf32>
    %reduce_sum3A_541 = arith.constant dense<0.000000e+00> : vector<1xf32>
    %reduce_sum3A_542 = vector.multi_reduction <add>, %reduce_sum3A, %reduce_sum3A_541 [1, 2] : vector<1x32x1xf32> to vector<1xf32>
    %reduce_sum3A_543 = vector.shape_cast %reduce_sum3A_542 : vector<1xf32> to vector<1x1x1xf32>
    %reduce_sum3A_544 = vector.extract %reduce_sum3A_543[0, 0, 0] : f32 from vector<1x1x1xf32>
    %mul3A_545 = arith.constant 2.44140625E-4 : f32
    %mul3A_546 = arith.mulf %reduce_sum3A_544, %mul3A_545 : f32
    %eq3A_547 = vector.broadcast %broadcast_in_dim3A_526 : vector<32x1xi32> to vector<32x4096xi32>
    %eq3A_548 = arith.cmpi eq, %iota3A, %eq3A_547 : vector<32x4096xi32>
    %jit3A_549 = arith.constant 1.000000e+30 : f32
    %broadcast_in_dim3A_550 = vector.broadcast %jit3A_549 : f32 to vector<32x4096xf32>
    %select_n3A_551 = arith.select %eq3A_548, %broadcast_in_dim3A_550, %select_n3A_515 : vector<32x4096xi1>, vector<32x4096xf32>
    %reduce_min3A_552 = arith.constant dense<0x7F800000> : vector<32xf32>
    %reduce_min3A_553 = vector.multi_reduction <minimumf>, %select_n3A_551, %reduce_min3A_552 [1] : vector<32x4096xf32> to vector<32xf32>
    %broadcast_in_dim3A_554 = vector.shape_cast %reduce_min3A_553 : vector<32xf32> to vector<32x1xf32>
    %eq3A_555 = vector.broadcast %broadcast_in_dim3A_554 : vector<32x1xf32> to vector<32x4096xf32>
    %eq3A_556 = arith.cmpf oeq, %select_n3A_551, %eq3A_555 : vector<32x4096xf32>
    %jit3A_557 = arith.constant 4096 : i32
    %broadcast_in_dim3A_558 = vector.broadcast %jit3A_557 : i32 to vector<32x4096xi32>
    %select_n3A_559 = arith.select %eq3A_556, %iota3A, %broadcast_in_dim3A_558 : vector<32x4096xi1>, vector<32x4096xi32>
    %reduce_min3A_560 = arith.constant dense<2147483647> : vector<32xi32>
    %reduce_min3A_561 = vector.multi_reduction <minsi>, %select_n3A_559, %reduce_min3A_560 [1] : vector<32x4096xi32> to vector<32xi32>
    %broadcast_in_dim3A_562 = vector.shape_cast %reduce_min3A_561 : vector<32xi32> to vector<32x1xi32>
    %squeeze3A_563 = vector.shape_cast %broadcast_in_dim3A_554 : vector<32x1xf32> to vector<32xf32>
    %swap3A_564 = arith.constant 0 : index
    %swap3A_565 = arith.constant 0 : index
    %swap3A_566 = arith.constant 17 : index
    %swap3A_567 = vector.load %arg4[%swap3A_564, %swap3A_565, %swap3A_566] : memref<1x32x20xf32, #tpu.memory_space<vmem>>, vector<1x32x1xf32>
    %swap3A_568 = vector.shape_cast %swap3A_567 : vector<1x32x1xf32> to vector<32xf32>
    %swap3A_569 = vector.shape_cast %squeeze3A_563 : vector<32xf32> to vector<1x32x1xf32>
    tpu.vector_store %arg4[%swap3A_564, %swap3A_565, %swap3A_566], %swap3A_569 {strides = array<i32>} : memref<1x32x20xf32, #tpu.memory_space<vmem>>, vector<1x32x1xf32>,
    %squeeze3A_570 = vector.shape_cast %broadcast_in_dim3A_562 : vector<32x1xi32> to vector<32xi32>
    %swap3A_571 = arith.constant 0 : index
    %swap3A_572 = arith.constant 0 : index
    %swap3A_573 = arith.constant 17 : index
    %swap3A_574 = vector.load %arg5[%swap3A_571, %swap3A_572, %swap3A_573] : memref<1x32x20xi32, #tpu.memory_space<vmem>>, vector<1x32x1xi32>
    %swap3A_575 = vector.shape_cast %swap3A_574 : vector<1x32x1xi32> to vector<32xi32>
    %swap3A_576 = vector.shape_cast %squeeze3A_570 : vector<32xi32> to vector<1x32x1xi32>
    tpu.vector_store %arg5[%swap3A_571, %swap3A_572, %swap3A_573], %swap3A_576 {strides = array<i32>} : memref<1x32x20xi32, #tpu.memory_space<vmem>>, vector<1x32x1xi32>,
    %eq3A_577 = vector.broadcast %broadcast_in_dim3A_562 : vector<32x1xi32> to vector<32x4096xi32>
    %eq3A_578 = arith.cmpi eq, %iota3A, %eq3A_577 : vector<32x4096xi32>
    %jit3A_579 = arith.constant 1.000000e+30 : f32
    %broadcast_in_dim3A_580 = vector.broadcast %jit3A_579 : f32 to vector<32x4096xf32>
    %select_n3A_581 = arith.select %eq3A_578, %broadcast_in_dim3A_580, %select_n3A_551 : vector<32x4096xi1>, vector<32x4096xf32>
    %reduce_min3A_582 = arith.constant dense<0x7F800000> : vector<32xf32>
    %reduce_min3A_583 = vector.multi_reduction <minimumf>, %select_n3A_581, %reduce_min3A_582 [1] : vector<32x4096xf32> to vector<32xf32>
    %broadcast_in_dim3A_584 = vector.shape_cast %reduce_min3A_583 : vector<32xf32> to vector<32x1xf32>
    %eq3A_585 = vector.broadcast %broadcast_in_dim3A_584 : vector<32x1xf32> to vector<32x4096xf32>
    %eq3A_586 = arith.cmpf oeq, %select_n3A_581, %eq3A_585 : vector<32x4096xf32>
    %jit3A_587 = arith.constant 4096 : i32
    %broadcast_in_dim3A_588 = vector.broadcast %jit3A_587 : i32 to vector<32x4096xi32>
    %select_n3A_589 = arith.select %eq3A_586, %iota3A, %broadcast_in_dim3A_588 : vector<32x4096xi1>, vector<32x4096xi32>
    %reduce_min3A_590 = arith.constant dense<2147483647> : vector<32xi32>
    %reduce_min3A_591 = vector.multi_reduction <minsi>, %select_n3A_589, %reduce_min3A_590 [1] : vector<32x4096xi32> to vector<32xi32>
    %broadcast_in_dim3A_592 = vector.shape_cast %reduce_min3A_591 : vector<32xi32> to vector<32x1xi32>
    %squeeze3A_593 = vector.shape_cast %broadcast_in_dim3A_584 : vector<32x1xf32> to vector<32xf32>
    %swap3A_594 = arith.constant 0 : index
    %swap3A_595 = arith.constant 0 : index
    %swap3A_596 = arith.constant 18 : index
    %swap3A_597 = vector.load %arg4[%swap3A_594, %swap3A_595, %swap3A_596] : memref<1x32x20xf32, #tpu.memory_space<vmem>>, vector<1x32x1xf32>
    %swap3A_598 = vector.shape_cast %swap3A_597 : vector<1x32x1xf32> to vector<32xf32>
    %swap3A_599 = vector.shape_cast %squeeze3A_593 : vector<32xf32> to vector<1x32x1xf32>
    tpu.vector_store %arg4[%swap3A_594, %swap3A_595, %swap3A_596], %swap3A_599 {strides = array<i32>} : memref<1x32x20xf32, #tpu.memory_space<vmem>>, vector<1x32x1xf32>,
    %squeeze3A_600 = vector.shape_cast %broadcast_in_dim3A_592 : vector<32x1xi32> to vector<32xi32>
    %swap3A_601 = arith.constant 0 : index
    %swap3A_602 = arith.constant 0 : index
    %swap3A_603 = arith.constant 18 : index
    %swap3A_604 = vector.load %arg5[%swap3A_601, %swap3A_602, %swap3A_603] : memref<1x32x20xi32, #tpu.memory_space<vmem>>, vector<1x32x1xi32>
    %swap3A_605 = vector.shape_cast %swap3A_604 : vector<1x32x1xi32> to vector<32xi32>
    %swap3A_606 = vector.shape_cast %squeeze3A_600 : vector<32xi32> to vector<1x32x1xi32>
    tpu.vector_store %arg5[%swap3A_601, %swap3A_602, %swap3A_603], %swap3A_606 {strides = array<i32>} : memref<1x32x20xi32, #tpu.memory_space<vmem>>, vector<1x32x1xi32>,
    %eq3A_607 = vector.broadcast %broadcast_in_dim3A_592 : vector<32x1xi32> to vector<32x4096xi32>
    %eq3A_608 = arith.cmpi eq, %iota3A, %eq3A_607 : vector<32x4096xi32>
    %jit3A_609 = arith.constant 1.000000e+30 : f32
    %broadcast_in_dim3A_610 = vector.broadcast %jit3A_609 : f32 to vector<32x4096xf32>
    %select_n3A_611 = arith.select %eq3A_608, %broadcast_in_dim3A_610, %select_n3A_581 : vector<32x4096xi1>, vector<32x4096xf32>
    %reduce_min3A_612 = arith.constant dense<0x7F800000> : vector<32xf32>
    %reduce_min3A_613 = vector.multi_reduction <minimumf>, %select_n3A_611, %reduce_min3A_612 [1] : vector<32x4096xf32> to vector<32xf32>
    %broadcast_in_dim3A_614 = vector.shape_cast %reduce_min3A_613 : vector<32xf32> to vector<32x1xf32>
    %eq3A_615 = vector.broadcast %broadcast_in_dim3A_614 : vector<32x1xf32> to vector<32x4096xf32>
    %eq3A_616 = arith.cmpf oeq, %select_n3A_611, %eq3A_615 : vector<32x4096xf32>
    %jit3A_617 = arith.constant 4096 : i32
    %broadcast_in_dim3A_618 = vector.broadcast %jit3A_617 : i32 to vector<32x4096xi32>
    %select_n3A_619 = arith.select %eq3A_616, %iota3A, %broadcast_in_dim3A_618 : vector<32x4096xi1>, vector<32x4096xi32>
    %reduce_min3A_620 = arith.constant dense<2147483647> : vector<32xi32>
    %reduce_min3A_621 = vector.multi_reduction <minsi>, %select_n3A_619, %reduce_min3A_620 [1] : vector<32x4096xi32> to vector<32xi32>
    %broadcast_in_dim3A_622 = vector.shape_cast %reduce_min3A_621 : vector<32xi32> to vector<32x1xi32>
    %squeeze3A_623 = vector.shape_cast %broadcast_in_dim3A_614 : vector<32x1xf32> to vector<32xf32>
    %swap3A_624 = arith.constant 0 : index
    %swap3A_625 = arith.constant 0 : index
    %swap3A_626 = arith.constant 19 : index
    %swap3A_627 = vector.load %arg4[%swap3A_624, %swap3A_625, %swap3A_626] : memref<1x32x20xf32, #tpu.memory_space<vmem>>, vector<1x32x1xf32>
    %swap3A_628 = vector.shape_cast %swap3A_627 : vector<1x32x1xf32> to vector<32xf32>
    %swap3A_629 = vector.shape_cast %squeeze3A_623 : vector<32xf32> to vector<1x32x1xf32>
    tpu.vector_store %arg4[%swap3A_624, %swap3A_625, %swap3A_626], %swap3A_629 {strides = array<i32>} : memref<1x32x20xf32, #tpu.memory_space<vmem>>, vector<1x32x1xf32>,
    %squeeze3A_630 = vector.shape_cast %broadcast_in_dim3A_622 : vector<32x1xi32> to vector<32xi32>
    %swap3A_631 = arith.constant 0 : index
    %swap3A_632 = arith.constant 0 : index
    %swap3A_633 = arith.constant 19 : index
    %swap3A_634 = vector.load %arg5[%swap3A_631, %swap3A_632, %swap3A_633] : memref<1x32x20xi32, #tpu.memory_space<vmem>>, vector<1x32x1xi32>
    %swap3A_635 = vector.shape_cast %swap3A_634 : vector<1x32x1xi32> to vector<32xi32>
    %swap3A_636 = vector.shape_cast %squeeze3A_630 : vector<32xi32> to vector<1x32x1xi32>
    tpu.vector_store %arg5[%swap3A_631, %swap3A_632, %swap3A_633], %swap3A_636 {strides = array<i32>} : memref<1x32x20xi32, #tpu.memory_space<vmem>>, vector<1x32x1xi32>,
    %broadcast_in_dim3A_637 = vector.broadcast %mul3A_546 : f32 to vector<1x1xf32>
    %eq3A_638 = arith.constant 0 : i32
    %eq3A_639 = arith.cmpi eq, %arg1, %eq3A_638 : i32
    %broadcast_in_dim3A_640 = arith.constant 0.000000e+00 : f32
    %broadcast_in_dim3A_641 = vector.broadcast %broadcast_in_dim3A_640 : f32 to vector<1x1xf32>
    %get3A_642 = arith.constant 0 : index
    %get3A_643 = arith.constant 0 : index
    %get3A_644 = arith.constant 0 : index
    %get3A_645 = vector.load %arg6[%get3A_642, %get3A_643, %get3A_644] : memref<1x1x1xf32, #tpu.memory_space<vmem>>, vector<1x1x1xf32>
    %get3A_646 = vector.shape_cast %get3A_645 : vector<1x1x1xf32> to vector<1x1xf32>
    %select_n3A_647 = arith.select %eq3A_639, %broadcast_in_dim3A_641, %get3A_646 : vector<1x1xf32>
    %add3A_648 = arith.addf %select_n3A_647, %broadcast_in_dim3A_637 : vector<1x1xf32>
    %swap3A_649 = arith.constant 0 : index
    %swap3A_650 = arith.constant 0 : index
    %swap3A_651 = arith.constant 0 : index
    %swap3A_652 = vector.load %arg6[%swap3A_649, %swap3A_650, %swap3A_651] : memref<1x1x1xf32, #tpu.memory_space<vmem>>, vector<1x1x1xf32>
    %swap3A_653 = vector.shape_cast %swap3A_652 : vector<1x1x1xf32> to vector<1x1xf32>
    %swap3A_654 = vector.shape_cast %add3A_648 : vector<1x1xf32> to vector<1x1x1xf32>
    tpu.vector_store %arg6[%swap3A_649, %swap3A_650, %swap3A_651], %swap3A_654 {strides = array<i32>} : memref<1x1x1xf32, #tpu.memory_space<vmem>>, vector<1x1x1xf32>,
    return
  }
  func.func @transform_0(%arg0: i32, %arg1: i32) -> (i32, i32, i32) {
    %c0_i32 = arith.constant 0 : i32
    %c0_i32_0 = arith.constant 0 : i32
    %c0_i32_1 = arith.constant 0 : i32
    return %arg0, %c0_i32, %c0_i32_0 : i32, i32, i32
  }
  func.func @transform_1(%arg0: i32, %arg1: i32) -> (i32, i32, i32) {
    %c0_i32 = arith.constant 0 : i32
    %c0_i32_0 = arith.constant 0 : i32
    return %arg0, %arg1, %c0_i32 : i32, i32, i32
  }
  func.func @transform_2(%arg0: i32, %arg1: i32) -> (i32, i32, i32) {
    %c0_i32 = arith.constant 0 : i32
    %c0_i32_0 = arith.constant 0 : i32
    return %arg0, %arg1, %c0_i32 : i32, i32, i32
  }
  func.func @transform_3(%arg0: i32, %arg1: i32) -> (i32, i32, i32) {
    %c0_i32 = arith.constant 0 : i32
    %c0_i32_0 = arith.constant 0 : i32
    return %arg0, %arg1, %c0_i32 : i32, i32, i32
  }
  func.func @transform_4(%arg0: i32, %arg1: i32) -> (i32, i32, i32) {
    %c0_i32 = arith.constant 0 : i32
    %c0_i32_0 = arith.constant 0 : i32
    %c0_i32_1 = arith.constant 0 : i32
    return %arg0, %c0_i32, %c0_i32_0 : i32, i32, i32
  }
}

module attributes {stable_mosaic.version = 14 : i64} {
  func.func @_cov_body(%arg0: i32, %arg1: i32, %arg2: memref<1x512x20xf32, #tpu.memory_space<vmem>>, %arg3: memref<1x512x20xf32, #tpu.memory_space<vmem>>, %arg4: memref<1x512x20xf32, #tpu.memory_space<vmem>>, %arg5: memref<1x512x20xf32, #tpu.memory_space<vmem>>, %arg6: memref<1x512x3xf32, #tpu.memory_space<vmem>>, %arg7: memref<1x1x1xf32, #tpu.memory_space<vmem>>, %arg8: memref<1x512x8xf32, #tpu.memory_space<vmem>>) attributes {dimension_semantics = [#tpu.dimension_semantics<arbitrary>, #tpu.dimension_semantics<arbitrary>], iteration_bounds = array<i64: 4, 8>, scalar_prefetch = 0 : i64, scratch_operands = 0 : i64, tpu.core_type = #tpu.core_type<tc>, window_params = [{transform_indices = @transform_0, window_bounds = array<i64: 1, 512, 20>}, {transform_indices = @transform_1, window_bounds = array<i64: 1, 512, 20>}, {transform_indices = @transform_2, window_bounds = array<i64: 1, 512, 20>}, {transform_indices = @transform_3, window_bounds = array<i64: 1, 512, 20>}, {transform_indices = @transform_4, window_bounds = array<i64: 1, 512, 3>}, {transform_indices = @transform_5, window_bounds = array<i64: 1, 1, 1>}, {transform_indices = @transform_6, window_bounds = array<i64: 1, 512, 8>}]} {
    %get3A = arith.constant 0 : index
    %get3A_0 = arith.constant 0 : index
    %get3A_1 = arith.constant 0 : index
    %get3A_2 = vector.load %arg7[%get3A, %get3A_0, %get3A_1] : memref<1x1x1xf32, #tpu.memory_space<vmem>>, vector<1x1x1xf32>
    %get3A_3 = vector.shape_cast %get3A_2 : vector<1x1x1xf32> to vector<1x1xf32>
    %get3A_4 = arith.constant 0 : index
    %get3A_5 = arith.constant 0 : index
    %get3A_6 = arith.constant 0 : index
    %get3A_7 = vector.load %arg2[%get3A_4, %get3A_5, %get3A_6] : memref<1x512x20xf32, #tpu.memory_space<vmem>>, vector<1x512x20xf32>
    %get3A_8 = vector.shape_cast %get3A_7 : vector<1x512x20xf32> to vector<512x20xf32>
    %get3A_9 = arith.constant 0 : index
    %get3A_10 = arith.constant 0 : index
    %get3A_11 = arith.constant 0 : index
    %get3A_12 = vector.load %arg6[%get3A_9, %get3A_10, %get3A_11] : memref<1x512x3xf32, #tpu.memory_space<vmem>>, vector<1x512x1xf32>
    %get3A_13 = vector.shape_cast %get3A_12 : vector<1x512x1xf32> to vector<512x1xf32>
    %get3A_14 = arith.constant 0 : index
    %get3A_15 = arith.constant 0 : index
    %get3A_16 = arith.constant 1 : index
    %get3A_17 = vector.load %arg6[%get3A_14, %get3A_15, %get3A_16] : memref<1x512x3xf32, #tpu.memory_space<vmem>>, vector<1x512x1xf32>
    %get3A_18 = vector.shape_cast %get3A_17 : vector<1x512x1xf32> to vector<512x1xf32>
    %get3A_19 = arith.constant 0 : index
    %get3A_20 = arith.constant 0 : index
    %get3A_21 = arith.constant 2 : index
    %get3A_22 = vector.load %arg6[%get3A_19, %get3A_20, %get3A_21] : memref<1x512x3xf32, #tpu.memory_space<vmem>>, vector<1x512x1xf32>
    %get3A_23 = vector.shape_cast %get3A_22 : vector<1x512x1xf32> to vector<512x1xf32>
    %le3A = vector.broadcast %get3A_3 : vector<1x1xf32> to vector<512x20xf32>
    %le3A_24 = arith.cmpf ole, %get3A_8, %le3A : vector<512x20xf32>
    %mul3A = arith.constant 2.000000e+00 : f32
    %mul3A_25 = vector.broadcast %mul3A : f32 to vector<1x1xf32>
    %mul3A_26 = arith.mulf %mul3A_25, %get3A_3 : vector<1x1xf32>
    %get3A_27 = arith.constant 0 : index
    %get3A_28 = arith.constant 0 : index
    %get3A_29 = arith.constant 0 : index
    %get3A_30 = vector.load %arg3[%get3A_27, %get3A_28, %get3A_29] : memref<1x512x20xf32, #tpu.memory_space<vmem>>, vector<1x512x20xf32>
    %get3A_31 = vector.shape_cast %get3A_30 : vector<1x512x20xf32> to vector<512x20xf32>
    %sub3A = vector.broadcast %get3A_13 : vector<512x1xf32> to vector<512x20xf32>
    %sub3A_32 = arith.subf %get3A_31, %sub3A : vector<512x20xf32>
    %broadcast_in_dim3A = vector.shape_cast %mul3A_26 : vector<1x1xf32> to vector<1x1xf32>
    %broadcast_in_dim3A_33 = vector.broadcast %broadcast_in_dim3A : vector<1x1xf32> to vector<512x20xf32>
    %select_n3A = arith.select %le3A_24, %sub3A_32, %broadcast_in_dim3A_33 : vector<512x20xi1>, vector<512x20xf32>
    %get3A_34 = arith.constant 0 : index
    %get3A_35 = arith.constant 0 : index
    %get3A_36 = arith.constant 0 : index
    %get3A_37 = vector.load %arg4[%get3A_34, %get3A_35, %get3A_36] : memref<1x512x20xf32, #tpu.memory_space<vmem>>, vector<1x512x20xf32>
    %get3A_38 = vector.shape_cast %get3A_37 : vector<1x512x20xf32> to vector<512x20xf32>
    %sub3A_39 = vector.broadcast %get3A_18 : vector<512x1xf32> to vector<512x20xf32>
    %sub3A_40 = arith.subf %get3A_38, %sub3A_39 : vector<512x20xf32>
    %broadcast_in_dim3A_41 = vector.shape_cast %mul3A_26 : vector<1x1xf32> to vector<1x1xf32>
    %broadcast_in_dim3A_42 = vector.broadcast %broadcast_in_dim3A_41 : vector<1x1xf32> to vector<512x20xf32>
    %select_n3A_43 = arith.select %le3A_24, %sub3A_40, %broadcast_in_dim3A_42 : vector<512x20xi1>, vector<512x20xf32>
    %get3A_44 = arith.constant 0 : index
    %get3A_45 = arith.constant 0 : index
    %get3A_46 = arith.constant 0 : index
    %get3A_47 = vector.load %arg5[%get3A_44, %get3A_45, %get3A_46] : memref<1x512x20xf32, #tpu.memory_space<vmem>>, vector<1x512x20xf32>
    %get3A_48 = vector.shape_cast %get3A_47 : vector<1x512x20xf32> to vector<512x20xf32>
    %sub3A_49 = vector.broadcast %get3A_23 : vector<512x1xf32> to vector<512x20xf32>
    %sub3A_50 = arith.subf %get3A_48, %sub3A_49 : vector<512x20xf32>
    %broadcast_in_dim3A_51 = vector.shape_cast %mul3A_26 : vector<1x1xf32> to vector<1x1xf32>
    %broadcast_in_dim3A_52 = vector.broadcast %broadcast_in_dim3A_51 : vector<1x1xf32> to vector<512x20xf32>
    %select_n3A_53 = arith.select %le3A_24, %sub3A_50, %broadcast_in_dim3A_52 : vector<512x20xi1>, vector<512x20xf32>
    %mul3A_54 = arith.mulf %select_n3A, %select_n3A : vector<512x20xf32>
    %mul3A_55 = arith.mulf %select_n3A_43, %select_n3A_43 : vector<512x20xf32>
    %add3A = arith.addf %mul3A_54, %mul3A_55 : vector<512x20xf32>
    %mul3A_56 = arith.mulf %select_n3A_53, %select_n3A_53 : vector<512x20xf32>
    %add3A_57 = arith.addf %add3A, %mul3A_56 : vector<512x20xf32>
    %add3A_58 = arith.constant 9.99999996E-13 : f32
    %add3A_59 = vector.broadcast %add3A_58 : f32 to vector<512x20xf32>
    %add3A_60 = arith.addf %add3A_57, %add3A_59 : vector<512x20xf32>
    %sqrt3A = math.sqrt %add3A_60 : vector<512x20xf32>
    %sub3A_61 = vector.broadcast %get3A_3 : vector<1x1xf32> to vector<512x20xf32>
    %sub3A_62 = arith.subf %sub3A_61, %sqrt3A : vector<512x20xf32>
    %max3A = arith.constant 0.000000e+00 : f32
    %max3A_63 = vector.broadcast %max3A : f32 to vector<512x20xf32>
    %max3A_64 = arith.maximumf %sub3A_62, %max3A_63 : vector<512x20xf32>
    %reduce_sum3A = arith.constant dense<0.000000e+00> : vector<512xf32>
    %reduce_sum3A_65 = vector.multi_reduction <add>, %max3A_64, %reduce_sum3A [1] : vector<512x20xf32> to vector<512xf32>
    %broadcast_in_dim3A_66 = vector.shape_cast %reduce_sum3A_65 : vector<512xf32> to vector<512x1xf32>
    %add3A_67 = arith.constant 9.99999996E-13 : f32
    %add3A_68 = vector.broadcast %add3A_67 : f32 to vector<512x1xf32>
    %add3A_69 = arith.addf %broadcast_in_dim3A_66, %add3A_68 : vector<512x1xf32>
    %mul3A_70 = arith.mulf %max3A_64, %select_n3A : vector<512x20xf32>
    %bitcast_convert_type3A = tpu.bitcast %mul3A_70 : vector<512x20xf32> -> vector<512x20xi32>
    %add3A_71 = arith.constant 32767 : i32
    %add3A_72 = vector.broadcast %add3A_71 : i32 to vector<512x20xi32>
    %add3A_73 = arith.addi %bitcast_convert_type3A, %add3A_72 : vector<512x20xi32>
    %shift_right_arithmetic3A = arith.constant 16 : i32
    %shift_right_arithmetic3A_74 = vector.broadcast %shift_right_arithmetic3A : i32 to vector<512x20xi32>
    %shift_right_arithmetic3A_75 = arith.shrsi %bitcast_convert_type3A, %shift_right_arithmetic3A_74 : vector<512x20xi32>
    %and3A = arith.constant 1 : i32
    %and3A_76 = vector.broadcast %and3A : i32 to vector<512x20xi32>
    %and3A_77 = arith.andi %shift_right_arithmetic3A_75, %and3A_76 : vector<512x20xi32>
    %add3A_78 = arith.addi %add3A_73, %and3A_77 : vector<512x20xi32>
    %and3A_79 = arith.constant -65536 : i32
    %and3A_80 = vector.broadcast %and3A_79 : i32 to vector<512x20xi32>
    %and3A_81 = arith.andi %add3A_78, %and3A_80 : vector<512x20xi32>
    %bitcast_convert_type3A_82 = tpu.bitcast %and3A_81 : vector<512x20xi32> -> vector<512x20xf32>
    %mul3A_83 = arith.mulf %max3A_64, %select_n3A_43 : vector<512x20xf32>
    %bitcast_convert_type3A_84 = tpu.bitcast %mul3A_83 : vector<512x20xf32> -> vector<512x20xi32>
    %add3A_85 = arith.constant 32767 : i32
    %add3A_86 = vector.broadcast %add3A_85 : i32 to vector<512x20xi32>
    %add3A_87 = arith.addi %bitcast_convert_type3A_84, %add3A_86 : vector<512x20xi32>
    %shift_right_arithmetic3A_88 = arith.constant 16 : i32
    %shift_right_arithmetic3A_89 = vector.broadcast %shift_right_arithmetic3A_88 : i32 to vector<512x20xi32>
    %shift_right_arithmetic3A_90 = arith.shrsi %bitcast_convert_type3A_84, %shift_right_arithmetic3A_89 : vector<512x20xi32>
    %and3A_91 = arith.constant 1 : i32
    %and3A_92 = vector.broadcast %and3A_91 : i32 to vector<512x20xi32>
    %and3A_93 = arith.andi %shift_right_arithmetic3A_90, %and3A_92 : vector<512x20xi32>
    %add3A_94 = arith.addi %add3A_87, %and3A_93 : vector<512x20xi32>
    %and3A_95 = arith.constant -65536 : i32
    %and3A_96 = vector.broadcast %and3A_95 : i32 to vector<512x20xi32>
    %and3A_97 = arith.andi %add3A_94, %and3A_96 : vector<512x20xi32>
    %bitcast_convert_type3A_98 = tpu.bitcast %and3A_97 : vector<512x20xi32> -> vector<512x20xf32>
    %mul3A_99 = arith.mulf %max3A_64, %select_n3A_53 : vector<512x20xf32>
    %bitcast_convert_type3A_100 = tpu.bitcast %mul3A_99 : vector<512x20xf32> -> vector<512x20xi32>
    %add3A_101 = arith.constant 32767 : i32
    %add3A_102 = vector.broadcast %add3A_101 : i32 to vector<512x20xi32>
    %add3A_103 = arith.addi %bitcast_convert_type3A_100, %add3A_102 : vector<512x20xi32>
    %shift_right_arithmetic3A_104 = arith.constant 16 : i32
    %shift_right_arithmetic3A_105 = vector.broadcast %shift_right_arithmetic3A_104 : i32 to vector<512x20xi32>
    %shift_right_arithmetic3A_106 = arith.shrsi %bitcast_convert_type3A_100, %shift_right_arithmetic3A_105 : vector<512x20xi32>
    %and3A_107 = arith.constant 1 : i32
    %and3A_108 = vector.broadcast %and3A_107 : i32 to vector<512x20xi32>
    %and3A_109 = arith.andi %shift_right_arithmetic3A_106, %and3A_108 : vector<512x20xi32>
    %add3A_110 = arith.addi %add3A_103, %and3A_109 : vector<512x20xi32>
    %and3A_111 = arith.constant -65536 : i32
    %and3A_112 = vector.broadcast %and3A_111 : i32 to vector<512x20xi32>
    %and3A_113 = arith.andi %add3A_110, %and3A_112 : vector<512x20xi32>
    %bitcast_convert_type3A_114 = tpu.bitcast %and3A_113 : vector<512x20xi32> -> vector<512x20xf32>
    %bitcast_convert_type3A_115 = tpu.bitcast %select_n3A : vector<512x20xf32> -> vector<512x20xi32>
    %add3A_116 = arith.constant 32767 : i32
    %add3A_117 = vector.broadcast %add3A_116 : i32 to vector<512x20xi32>
    %add3A_118 = arith.addi %bitcast_convert_type3A_115, %add3A_117 : vector<512x20xi32>
    %shift_right_arithmetic3A_119 = arith.constant 16 : i32
    %shift_right_arithmetic3A_120 = vector.broadcast %shift_right_arithmetic3A_119 : i32 to vector<512x20xi32>
    %shift_right_arithmetic3A_121 = arith.shrsi %bitcast_convert_type3A_115, %shift_right_arithmetic3A_120 : vector<512x20xi32>
    %and3A_122 = arith.constant 1 : i32
    %and3A_123 = vector.broadcast %and3A_122 : i32 to vector<512x20xi32>
    %and3A_124 = arith.andi %shift_right_arithmetic3A_121, %and3A_123 : vector<512x20xi32>
    %add3A_125 = arith.addi %add3A_118, %and3A_124 : vector<512x20xi32>
    %and3A_126 = arith.constant -65536 : i32
    %and3A_127 = vector.broadcast %and3A_126 : i32 to vector<512x20xi32>
    %and3A_128 = arith.andi %add3A_125, %and3A_127 : vector<512x20xi32>
    %bitcast_convert_type3A_129 = tpu.bitcast %and3A_128 : vector<512x20xi32> -> vector<512x20xf32>
    %bitcast_convert_type3A_130 = tpu.bitcast %select_n3A_43 : vector<512x20xf32> -> vector<512x20xi32>
    %add3A_131 = arith.constant 32767 : i32
    %add3A_132 = vector.broadcast %add3A_131 : i32 to vector<512x20xi32>
    %add3A_133 = arith.addi %bitcast_convert_type3A_130, %add3A_132 : vector<512x20xi32>
    %shift_right_arithmetic3A_134 = arith.constant 16 : i32
    %shift_right_arithmetic3A_135 = vector.broadcast %shift_right_arithmetic3A_134 : i32 to vector<512x20xi32>
    %shift_right_arithmetic3A_136 = arith.shrsi %bitcast_convert_type3A_130, %shift_right_arithmetic3A_135 : vector<512x20xi32>
    %and3A_137 = arith.constant 1 : i32
    %and3A_138 = vector.broadcast %and3A_137 : i32 to vector<512x20xi32>
    %and3A_139 = arith.andi %shift_right_arithmetic3A_136, %and3A_138 : vector<512x20xi32>
    %add3A_140 = arith.addi %add3A_133, %and3A_139 : vector<512x20xi32>
    %and3A_141 = arith.constant -65536 : i32
    %and3A_142 = vector.broadcast %and3A_141 : i32 to vector<512x20xi32>
    %and3A_143 = arith.andi %add3A_140, %and3A_142 : vector<512x20xi32>
    %bitcast_convert_type3A_144 = tpu.bitcast %and3A_143 : vector<512x20xi32> -> vector<512x20xf32>
    %bitcast_convert_type3A_145 = tpu.bitcast %select_n3A_53 : vector<512x20xf32> -> vector<512x20xi32>
    %add3A_146 = arith.constant 32767 : i32
    %add3A_147 = vector.broadcast %add3A_146 : i32 to vector<512x20xi32>
    %add3A_148 = arith.addi %bitcast_convert_type3A_145, %add3A_147 : vector<512x20xi32>
    %shift_right_arithmetic3A_149 = arith.constant 16 : i32
    %shift_right_arithmetic3A_150 = vector.broadcast %shift_right_arithmetic3A_149 : i32 to vector<512x20xi32>
    %shift_right_arithmetic3A_151 = arith.shrsi %bitcast_convert_type3A_145, %shift_right_arithmetic3A_150 : vector<512x20xi32>
    %and3A_152 = arith.constant 1 : i32
    %and3A_153 = vector.broadcast %and3A_152 : i32 to vector<512x20xi32>
    %and3A_154 = arith.andi %shift_right_arithmetic3A_151, %and3A_153 : vector<512x20xi32>
    %add3A_155 = arith.addi %add3A_148, %and3A_154 : vector<512x20xi32>
    %and3A_156 = arith.constant -65536 : i32
    %and3A_157 = vector.broadcast %and3A_156 : i32 to vector<512x20xi32>
    %and3A_158 = arith.andi %add3A_155, %and3A_157 : vector<512x20xi32>
    %bitcast_convert_type3A_159 = tpu.bitcast %and3A_158 : vector<512x20xi32> -> vector<512x20xf32>
    %mul3A_160 = arith.mulf %bitcast_convert_type3A_82, %bitcast_convert_type3A_129 : vector<512x20xf32>
    %reduce_sum3A_161 = arith.constant dense<0.000000e+00> : vector<512xf32>
    %reduce_sum3A_162 = vector.multi_reduction <add>, %mul3A_160, %reduce_sum3A_161 [1] : vector<512x20xf32> to vector<512xf32>
    %broadcast_in_dim3A_163 = vector.shape_cast %reduce_sum3A_162 : vector<512xf32> to vector<512x1xf32>
    %div3A = arith.divf %broadcast_in_dim3A_163, %add3A_69 : vector<512x1xf32>
    %mul3A_164 = arith.mulf %bitcast_convert_type3A_98, %bitcast_convert_type3A_144 : vector<512x20xf32>
    %reduce_sum3A_165 = arith.constant dense<0.000000e+00> : vector<512xf32>
    %reduce_sum3A_166 = vector.multi_reduction <add>, %mul3A_164, %reduce_sum3A_165 [1] : vector<512x20xf32> to vector<512xf32>
    %broadcast_in_dim3A_167 = vector.shape_cast %reduce_sum3A_166 : vector<512xf32> to vector<512x1xf32>
    %div3A_168 = arith.divf %broadcast_in_dim3A_167, %add3A_69 : vector<512x1xf32>
    %mul3A_169 = arith.mulf %bitcast_convert_type3A_114, %bitcast_convert_type3A_159 : vector<512x20xf32>
    %reduce_sum3A_170 = arith.constant dense<0.000000e+00> : vector<512xf32>
    %reduce_sum3A_171 = vector.multi_reduction <add>, %mul3A_169, %reduce_sum3A_170 [1] : vector<512x20xf32> to vector<512xf32>
    %broadcast_in_dim3A_172 = vector.shape_cast %reduce_sum3A_171 : vector<512xf32> to vector<512x1xf32>
    %div3A_173 = arith.divf %broadcast_in_dim3A_172, %add3A_69 : vector<512x1xf32>
    %mul3A_174 = arith.mulf %bitcast_convert_type3A_82, %bitcast_convert_type3A_144 : vector<512x20xf32>
    %reduce_sum3A_175 = arith.constant dense<0.000000e+00> : vector<512xf32>
    %reduce_sum3A_176 = vector.multi_reduction <add>, %mul3A_174, %reduce_sum3A_175 [1] : vector<512x20xf32> to vector<512xf32>
    %broadcast_in_dim3A_177 = vector.shape_cast %reduce_sum3A_176 : vector<512xf32> to vector<512x1xf32>
    %div3A_178 = arith.divf %broadcast_in_dim3A_177, %add3A_69 : vector<512x1xf32>
    %mul3A_179 = arith.mulf %bitcast_convert_type3A_98, %bitcast_convert_type3A_129 : vector<512x20xf32>
    %reduce_sum3A_180 = arith.constant dense<0.000000e+00> : vector<512xf32>
    %reduce_sum3A_181 = vector.multi_reduction <add>, %mul3A_179, %reduce_sum3A_180 [1] : vector<512x20xf32> to vector<512xf32>
    %broadcast_in_dim3A_182 = vector.shape_cast %reduce_sum3A_181 : vector<512xf32> to vector<512x1xf32>
    %div3A_183 = arith.divf %broadcast_in_dim3A_182, %add3A_69 : vector<512x1xf32>
    %add3A_184 = arith.addf %div3A_178, %div3A_183 : vector<512x1xf32>
    %mul3A_185 = arith.constant 5.000000e-01 : f32
    %mul3A_186 = vector.broadcast %mul3A_185 : f32 to vector<512x1xf32>
    %mul3A_187 = arith.mulf %add3A_184, %mul3A_186 : vector<512x1xf32>
    %mul3A_188 = arith.mulf %bitcast_convert_type3A_82, %bitcast_convert_type3A_159 : vector<512x20xf32>
    %reduce_sum3A_189 = arith.constant dense<0.000000e+00> : vector<512xf32>
    %reduce_sum3A_190 = vector.multi_reduction <add>, %mul3A_188, %reduce_sum3A_189 [1] : vector<512x20xf32> to vector<512xf32>
    %broadcast_in_dim3A_191 = vector.shape_cast %reduce_sum3A_190 : vector<512xf32> to vector<512x1xf32>
    %div3A_192 = arith.divf %broadcast_in_dim3A_191, %add3A_69 : vector<512x1xf32>
    %mul3A_193 = arith.mulf %bitcast_convert_type3A_114, %bitcast_convert_type3A_129 : vector<512x20xf32>
    %reduce_sum3A_194 = arith.constant dense<0.000000e+00> : vector<512xf32>
    %reduce_sum3A_195 = vector.multi_reduction <add>, %mul3A_193, %reduce_sum3A_194 [1] : vector<512x20xf32> to vector<512xf32>
    %broadcast_in_dim3A_196 = vector.shape_cast %reduce_sum3A_195 : vector<512xf32> to vector<512x1xf32>
    %div3A_197 = arith.divf %broadcast_in_dim3A_196, %add3A_69 : vector<512x1xf32>
    %add3A_198 = arith.addf %div3A_192, %div3A_197 : vector<512x1xf32>
    %mul3A_199 = arith.constant 5.000000e-01 : f32
    %mul3A_200 = vector.broadcast %mul3A_199 : f32 to vector<512x1xf32>
    %mul3A_201 = arith.mulf %add3A_198, %mul3A_200 : vector<512x1xf32>
    %mul3A_202 = arith.mulf %bitcast_convert_type3A_98, %bitcast_convert_type3A_159 : vector<512x20xf32>
    %reduce_sum3A_203 = arith.constant dense<0.000000e+00> : vector<512xf32>
    %reduce_sum3A_204 = vector.multi_reduction <add>, %mul3A_202, %reduce_sum3A_203 [1] : vector<512x20xf32> to vector<512xf32>
    %broadcast_in_dim3A_205 = vector.shape_cast %reduce_sum3A_204 : vector<512xf32> to vector<512x1xf32>
    %div3A_206 = arith.divf %broadcast_in_dim3A_205, %add3A_69 : vector<512x1xf32>
    %mul3A_207 = arith.mulf %bitcast_convert_type3A_114, %bitcast_convert_type3A_144 : vector<512x20xf32>
    %reduce_sum3A_208 = arith.constant dense<0.000000e+00> : vector<512xf32>
    %reduce_sum3A_209 = vector.multi_reduction <add>, %mul3A_207, %reduce_sum3A_208 [1] : vector<512x20xf32> to vector<512xf32>
    %broadcast_in_dim3A_210 = vector.shape_cast %reduce_sum3A_209 : vector<512xf32> to vector<512x1xf32>
    %div3A_211 = arith.divf %broadcast_in_dim3A_210, %add3A_69 : vector<512x1xf32>
    %add3A_212 = arith.addf %div3A_206, %div3A_211 : vector<512x1xf32>
    %mul3A_213 = arith.constant 5.000000e-01 : f32
    %mul3A_214 = vector.broadcast %mul3A_213 : f32 to vector<512x1xf32>
    %mul3A_215 = arith.mulf %add3A_212, %mul3A_214 : vector<512x1xf32>
    %broadcast_in_dim3A_216 = arith.constant 0.000000e+00 : f32
    %broadcast_in_dim3A_217 = vector.broadcast %broadcast_in_dim3A_216 : f32 to vector<512x1xf32>
    %concatenate3A = tpu.concatenate %div3A, %div3A_168, %div3A_173, %mul3A_187, %mul3A_201, %mul3A_215, %broadcast_in_dim3A_217, %broadcast_in_dim3A_217 in 1 : vector<512x1xf32>, vector<512x1xf32>, vector<512x1xf32>, vector<512x1xf32>, vector<512x1xf32>, vector<512x1xf32>, vector<512x1xf32>, vector<512x1xf32> -> vector<512x8xf32>
    %swap3A = arith.constant 0 : index
    %swap3A_218 = arith.constant 0 : index
    %swap3A_219 = arith.constant 0 : index
    %swap3A_220 = vector.load %arg8[%swap3A, %swap3A_218, %swap3A_219] : memref<1x512x8xf32, #tpu.memory_space<vmem>>, vector<1x512x8xf32>
    %swap3A_221 = vector.shape_cast %swap3A_220 : vector<1x512x8xf32> to vector<512x8xf32>
    %swap3A_222 = vector.shape_cast %concatenate3A : vector<512x8xf32> to vector<1x512x8xf32>
    tpu.vector_store %arg8[%swap3A, %swap3A_218, %swap3A_219], %swap3A_222 {strides = array<i32>} : memref<1x512x8xf32, #tpu.memory_space<vmem>>, vector<1x512x8xf32>,
    return
  }
  func.func @transform_0(%arg0: i32, %arg1: i32) -> (i32, i32, i32) {
    %c0_i32 = arith.constant 0 : i32
    %c0_i32_0 = arith.constant 0 : i32
    return %arg0, %arg1, %c0_i32 : i32, i32, i32
  }
  func.func @transform_1(%arg0: i32, %arg1: i32) -> (i32, i32, i32) {
    %c0_i32 = arith.constant 0 : i32
    %c0_i32_0 = arith.constant 0 : i32
    return %arg0, %arg1, %c0_i32 : i32, i32, i32
  }
  func.func @transform_2(%arg0: i32, %arg1: i32) -> (i32, i32, i32) {
    %c0_i32 = arith.constant 0 : i32
    %c0_i32_0 = arith.constant 0 : i32
    return %arg0, %arg1, %c0_i32 : i32, i32, i32
  }
  func.func @transform_3(%arg0: i32, %arg1: i32) -> (i32, i32, i32) {
    %c0_i32 = arith.constant 0 : i32
    %c0_i32_0 = arith.constant 0 : i32
    return %arg0, %arg1, %c0_i32 : i32, i32, i32
  }
  func.func @transform_4(%arg0: i32, %arg1: i32) -> (i32, i32, i32) {
    %c0_i32 = arith.constant 0 : i32
    %c0_i32_0 = arith.constant 0 : i32
    return %arg0, %arg1, %c0_i32 : i32, i32, i32
  }
  func.func @transform_5(%arg0: i32, %arg1: i32) -> (i32, i32, i32) {
    %c0_i32 = arith.constant 0 : i32
    %c0_i32_0 = arith.constant 0 : i32
    %c0_i32_1 = arith.constant 0 : i32
    return %arg0, %c0_i32, %c0_i32_0 : i32, i32, i32
  }
  func.func @transform_6(%arg0: i32, %arg1: i32) -> (i32, i32, i32) {
    %c0_i32 = arith.constant 0 : i32
    %c0_i32_0 = arith.constant 0 : i32
    return %arg0, %arg1, %c0_i32 : i32, i32, i32
  }
}

module attributes {stable_mosaic.version = 14 : i64} {
  func.func @_hist_body(%arg0: i32, %arg1: i32, %arg2: memref<1x512x20xf32, #tpu.memory_space<vmem>>, %arg3: memref<1x512x20xf32, #tpu.memory_space<vmem>>, %arg4: memref<1x512x20xf32, #tpu.memory_space<vmem>>, %arg5: memref<1x512x20xf32, #tpu.memory_space<vmem>>, %arg6: memref<1x512x3xf32, #tpu.memory_space<vmem>>, %arg7: memref<1x1x1xf32, #tpu.memory_space<vmem>>, %arg8: memref<1x512x3xf32, #tpu.memory_space<vmem>>, %arg9: memref<1x512x3xf32, #tpu.memory_space<vmem>>, %arg10: memref<1x512x25xf32, #tpu.memory_space<vmem>>) attributes {dimension_semantics = [#tpu.dimension_semantics<arbitrary>, #tpu.dimension_semantics<arbitrary>], iteration_bounds = array<i64: 4, 8>, scalar_prefetch = 0 : i64, scratch_operands = 0 : i64, tpu.core_type = #tpu.core_type<tc>, window_params = [{transform_indices = @transform_0, window_bounds = array<i64: 1, 512, 20>}, {transform_indices = @transform_1, window_bounds = array<i64: 1, 512, 20>}, {transform_indices = @transform_2, window_bounds = array<i64: 1, 512, 20>}, {transform_indices = @transform_3, window_bounds = array<i64: 1, 512, 20>}, {transform_indices = @transform_4, window_bounds = array<i64: 1, 512, 3>}, {transform_indices = @transform_5, window_bounds = array<i64: 1, 1, 1>}, {transform_indices = @transform_6, window_bounds = array<i64: 1, 512, 3>}, {transform_indices = @transform_7, window_bounds = array<i64: 1, 512, 3>}, {transform_indices = @transform_8, window_bounds = array<i64: 1, 512, 25>}]} {
    %get3A = arith.constant 0 : index
    %get3A_0 = arith.constant 0 : index
    %get3A_1 = arith.constant 0 : index
    %get3A_2 = vector.load %arg7[%get3A, %get3A_0, %get3A_1] : memref<1x1x1xf32, #tpu.memory_space<vmem>>, vector<1x1x1xf32>
    %get3A_3 = vector.shape_cast %get3A_2 : vector<1x1x1xf32> to vector<1x1xf32>
    %get3A_4 = arith.constant 0 : index
    %get3A_5 = arith.constant 0 : index
    %get3A_6 = arith.constant 0 : index
    %get3A_7 = vector.load %arg2[%get3A_4, %get3A_5, %get3A_6] : memref<1x512x20xf32, #tpu.memory_space<vmem>>, vector<1x512x20xf32>
    %get3A_8 = vector.shape_cast %get3A_7 : vector<1x512x20xf32> to vector<512x20xf32>
    %get3A_9 = arith.constant 0 : index
    %get3A_10 = arith.constant 0 : index
    %get3A_11 = arith.constant 0 : index
    %get3A_12 = vector.load %arg6[%get3A_9, %get3A_10, %get3A_11] : memref<1x512x3xf32, #tpu.memory_space<vmem>>, vector<1x512x1xf32>
    %get3A_13 = vector.shape_cast %get3A_12 : vector<1x512x1xf32> to vector<512x1xf32>
    %get3A_14 = arith.constant 0 : index
    %get3A_15 = arith.constant 0 : index
    %get3A_16 = arith.constant 1 : index
    %get3A_17 = vector.load %arg6[%get3A_14, %get3A_15, %get3A_16] : memref<1x512x3xf32, #tpu.memory_space<vmem>>, vector<1x512x1xf32>
    %get3A_18 = vector.shape_cast %get3A_17 : vector<1x512x1xf32> to vector<512x1xf32>
    %get3A_19 = arith.constant 0 : index
    %get3A_20 = arith.constant 0 : index
    %get3A_21 = arith.constant 2 : index
    %get3A_22 = vector.load %arg6[%get3A_19, %get3A_20, %get3A_21] : memref<1x512x3xf32, #tpu.memory_space<vmem>>, vector<1x512x1xf32>
    %get3A_23 = vector.shape_cast %get3A_22 : vector<1x512x1xf32> to vector<512x1xf32>
    %le3A = vector.broadcast %get3A_3 : vector<1x1xf32> to vector<512x20xf32>
    %le3A_24 = arith.cmpf ole, %get3A_8, %le3A : vector<512x20xf32>
    %mul3A = arith.constant 2.000000e+00 : f32
    %mul3A_25 = vector.broadcast %mul3A : f32 to vector<1x1xf32>
    %mul3A_26 = arith.mulf %mul3A_25, %get3A_3 : vector<1x1xf32>
    %get3A_27 = arith.constant 0 : index
    %get3A_28 = arith.constant 0 : index
    %get3A_29 = arith.constant 0 : index
    %get3A_30 = vector.load %arg3[%get3A_27, %get3A_28, %get3A_29] : memref<1x512x20xf32, #tpu.memory_space<vmem>>, vector<1x512x20xf32>
    %get3A_31 = vector.shape_cast %get3A_30 : vector<1x512x20xf32> to vector<512x20xf32>
    %sub3A = vector.broadcast %get3A_13 : vector<512x1xf32> to vector<512x20xf32>
    %sub3A_32 = arith.subf %get3A_31, %sub3A : vector<512x20xf32>
    %broadcast_in_dim3A = vector.shape_cast %mul3A_26 : vector<1x1xf32> to vector<1x1xf32>
    %broadcast_in_dim3A_33 = vector.broadcast %broadcast_in_dim3A : vector<1x1xf32> to vector<512x20xf32>
    %select_n3A = arith.select %le3A_24, %sub3A_32, %broadcast_in_dim3A_33 : vector<512x20xi1>, vector<512x20xf32>
    %get3A_34 = arith.constant 0 : index
    %get3A_35 = arith.constant 0 : index
    %get3A_36 = arith.constant 0 : index
    %get3A_37 = vector.load %arg4[%get3A_34, %get3A_35, %get3A_36] : memref<1x512x20xf32, #tpu.memory_space<vmem>>, vector<1x512x20xf32>
    %get3A_38 = vector.shape_cast %get3A_37 : vector<1x512x20xf32> to vector<512x20xf32>
    %sub3A_39 = vector.broadcast %get3A_18 : vector<512x1xf32> to vector<512x20xf32>
    %sub3A_40 = arith.subf %get3A_38, %sub3A_39 : vector<512x20xf32>
    %broadcast_in_dim3A_41 = vector.shape_cast %mul3A_26 : vector<1x1xf32> to vector<1x1xf32>
    %broadcast_in_dim3A_42 = vector.broadcast %broadcast_in_dim3A_41 : vector<1x1xf32> to vector<512x20xf32>
    %select_n3A_43 = arith.select %le3A_24, %sub3A_40, %broadcast_in_dim3A_42 : vector<512x20xi1>, vector<512x20xf32>
    %get3A_44 = arith.constant 0 : index
    %get3A_45 = arith.constant 0 : index
    %get3A_46 = arith.constant 0 : index
    %get3A_47 = vector.load %arg5[%get3A_44, %get3A_45, %get3A_46] : memref<1x512x20xf32, #tpu.memory_space<vmem>>, vector<1x512x20xf32>
    %get3A_48 = vector.shape_cast %get3A_47 : vector<1x512x20xf32> to vector<512x20xf32>
    %sub3A_49 = vector.broadcast %get3A_23 : vector<512x1xf32> to vector<512x20xf32>
    %sub3A_50 = arith.subf %get3A_48, %sub3A_49 : vector<512x20xf32>
    %broadcast_in_dim3A_51 = vector.shape_cast %mul3A_26 : vector<1x1xf32> to vector<1x1xf32>
    %broadcast_in_dim3A_52 = vector.broadcast %broadcast_in_dim3A_51 : vector<1x1xf32> to vector<512x20xf32>
    %select_n3A_53 = arith.select %le3A_24, %sub3A_50, %broadcast_in_dim3A_52 : vector<512x20xi1>, vector<512x20xf32>
    %get3A_54 = arith.constant 0 : index
    %get3A_55 = arith.constant 0 : index
    %get3A_56 = arith.constant 0 : index
    %get3A_57 = vector.load %arg8[%get3A_54, %get3A_55, %get3A_56] : memref<1x512x3xf32, #tpu.memory_space<vmem>>, vector<1x512x1xf32>
    %get3A_58 = vector.shape_cast %get3A_57 : vector<1x512x1xf32> to vector<512x1xf32>
    %get3A_59 = arith.constant 0 : index
    %get3A_60 = arith.constant 0 : index
    %get3A_61 = arith.constant 1 : index
    %get3A_62 = vector.load %arg8[%get3A_59, %get3A_60, %get3A_61] : memref<1x512x3xf32, #tpu.memory_space<vmem>>, vector<1x512x1xf32>
    %get3A_63 = vector.shape_cast %get3A_62 : vector<1x512x1xf32> to vector<512x1xf32>
    %get3A_64 = arith.constant 0 : index
    %get3A_65 = arith.constant 0 : index
    %get3A_66 = arith.constant 2 : index
    %get3A_67 = vector.load %arg8[%get3A_64, %get3A_65, %get3A_66] : memref<1x512x3xf32, #tpu.memory_space<vmem>>, vector<1x512x1xf32>
    %get3A_68 = vector.shape_cast %get3A_67 : vector<1x512x1xf32> to vector<512x1xf32>
    %get3A_69 = arith.constant 0 : index
    %get3A_70 = arith.constant 0 : index
    %get3A_71 = arith.constant 0 : index
    %get3A_72 = vector.load %arg9[%get3A_69, %get3A_70, %get3A_71] : memref<1x512x3xf32, #tpu.memory_space<vmem>>, vector<1x512x1xf32>
    %get3A_73 = vector.shape_cast %get3A_72 : vector<1x512x1xf32> to vector<512x1xf32>
    %get3A_74 = arith.constant 0 : index
    %get3A_75 = arith.constant 0 : index
    %get3A_76 = arith.constant 1 : index
    %get3A_77 = vector.load %arg9[%get3A_74, %get3A_75, %get3A_76] : memref<1x512x3xf32, #tpu.memory_space<vmem>>, vector<1x512x1xf32>
    %get3A_78 = vector.shape_cast %get3A_77 : vector<1x512x1xf32> to vector<512x1xf32>
    %get3A_79 = arith.constant 0 : index
    %get3A_80 = arith.constant 0 : index
    %get3A_81 = arith.constant 2 : index
    %get3A_82 = vector.load %arg9[%get3A_79, %get3A_80, %get3A_81] : memref<1x512x3xf32, #tpu.memory_space<vmem>>, vector<1x512x1xf32>
    %get3A_83 = vector.shape_cast %get3A_82 : vector<1x512x1xf32> to vector<512x1xf32>
    %mul3A_84 = vector.broadcast %get3A_58 : vector<512x1xf32> to vector<512x20xf32>
    %mul3A_85 = arith.mulf %select_n3A, %mul3A_84 : vector<512x20xf32>
    %mul3A_86 = vector.broadcast %get3A_63 : vector<512x1xf32> to vector<512x20xf32>
    %mul3A_87 = arith.mulf %select_n3A_43, %mul3A_86 : vector<512x20xf32>
    %add3A = arith.addf %mul3A_85, %mul3A_87 : vector<512x20xf32>
    %mul3A_88 = vector.broadcast %get3A_68 : vector<512x1xf32> to vector<512x20xf32>
    %mul3A_89 = arith.mulf %select_n3A_53, %mul3A_88 : vector<512x20xf32>
    %add3A_90 = arith.addf %add3A, %mul3A_89 : vector<512x20xf32>
    %reduce_sum3A = arith.constant dense<0.000000e+00> : vector<512xf32>
    %reduce_sum3A_91 = vector.multi_reduction <add>, %add3A_90, %reduce_sum3A [1] : vector<512x20xf32> to vector<512xf32>
    %broadcast_in_dim3A_92 = vector.shape_cast %reduce_sum3A_91 : vector<512xf32> to vector<512x1xf32>
    %sign3A = tpu.bitcast %broadcast_in_dim3A_92 : vector<512x1xf32> -> vector<512x1xi32>
    %sign3A_93 = arith.constant -2147483648 : i32
    %sign3A_94 = vector.broadcast %sign3A_93 : i32 to vector<512x1xi32>
    %sign3A_95 = arith.andi %sign3A, %sign3A_94 : vector<512x1xi32>
    %sign3A_96 = arith.constant 1065353216 : i32
    %sign3A_97 = vector.broadcast %sign3A_96 : i32 to vector<512x1xi32>
    %sign3A_98 = arith.ori %sign3A_97, %sign3A_95 : vector<512x1xi32>
    %sign3A_99 = tpu.bitcast %sign3A_98 : vector<512x1xi32> -> vector<512x1xf32>
    %sign3A_100 = math.absf %broadcast_in_dim3A_92 : vector<512x1xf32>
    %sign3A_101 = arith.constant 0.000000e+00 : f32
    %sign3A_102 = vector.broadcast %sign3A_101 : f32 to vector<512x1xf32>
    %sign3A_103 = arith.cmpf ogt, %sign3A_100, %sign3A_102 : vector<512x1xf32>
    %sign3A_104 = arith.select %sign3A_103, %sign3A_99, %broadcast_in_dim3A_92 : vector<512x1xi1>, vector<512x1xf32>
    %eq3A = arith.constant 0.000000e+00 : f32
    %eq3A_105 = vector.broadcast %eq3A : f32 to vector<512x1xf32>
    %eq3A_106 = arith.cmpf oeq, %sign3A_104, %eq3A_105 : vector<512x1xf32>
    %jit3A = arith.constant 1.000000e+00 : f32
    %broadcast_in_dim3A_107 = vector.broadcast %jit3A : f32 to vector<512x1xf32>
    %select_n3A_108 = arith.select %eq3A_106, %broadcast_in_dim3A_107, %sign3A_104 : vector<512x1xi1>, vector<512x1xf32>
    %mul3A_109 = arith.mulf %get3A_58, %select_n3A_108 : vector<512x1xf32>
    %mul3A_110 = arith.mulf %get3A_63, %select_n3A_108 : vector<512x1xf32>
    %mul3A_111 = arith.mulf %get3A_68, %select_n3A_108 : vector<512x1xf32>
    %mul3A_112 = vector.broadcast %get3A_73 : vector<512x1xf32> to vector<512x20xf32>
    %mul3A_113 = arith.mulf %select_n3A, %mul3A_112 : vector<512x20xf32>
    %mul3A_114 = vector.broadcast %get3A_78 : vector<512x1xf32> to vector<512x20xf32>
    %mul3A_115 = arith.mulf %select_n3A_43, %mul3A_114 : vector<512x20xf32>
    %add3A_116 = arith.addf %mul3A_113, %mul3A_115 : vector<512x20xf32>
    %mul3A_117 = vector.broadcast %get3A_83 : vector<512x1xf32> to vector<512x20xf32>
    %mul3A_118 = arith.mulf %select_n3A_53, %mul3A_117 : vector<512x20xf32>
    %add3A_119 = arith.addf %add3A_116, %mul3A_118 : vector<512x20xf32>
    %reduce_sum3A_120 = arith.constant dense<0.000000e+00> : vector<512xf32>
    %reduce_sum3A_121 = vector.multi_reduction <add>, %add3A_119, %reduce_sum3A_120 [1] : vector<512x20xf32> to vector<512xf32>
    %broadcast_in_dim3A_122 = vector.shape_cast %reduce_sum3A_121 : vector<512xf32> to vector<512x1xf32>
    %sign3A_123 = tpu.bitcast %broadcast_in_dim3A_122 : vector<512x1xf32> -> vector<512x1xi32>
    %sign3A_124 = arith.constant -2147483648 : i32
    %sign3A_125 = vector.broadcast %sign3A_124 : i32 to vector<512x1xi32>
    %sign3A_126 = arith.andi %sign3A_123, %sign3A_125 : vector<512x1xi32>
    %sign3A_127 = arith.constant 1065353216 : i32
    %sign3A_128 = vector.broadcast %sign3A_127 : i32 to vector<512x1xi32>
    %sign3A_129 = arith.ori %sign3A_128, %sign3A_126 : vector<512x1xi32>
    %sign3A_130 = tpu.bitcast %sign3A_129 : vector<512x1xi32> -> vector<512x1xf32>
    %sign3A_131 = math.absf %broadcast_in_dim3A_122 : vector<512x1xf32>
    %sign3A_132 = arith.constant 0.000000e+00 : f32
    %sign3A_133 = vector.broadcast %sign3A_132 : f32 to vector<512x1xf32>
    %sign3A_134 = arith.cmpf ogt, %sign3A_131, %sign3A_133 : vector<512x1xf32>
    %sign3A_135 = arith.select %sign3A_134, %sign3A_130, %broadcast_in_dim3A_122 : vector<512x1xi1>, vector<512x1xf32>
    %eq3A_136 = arith.constant 0.000000e+00 : f32
    %eq3A_137 = vector.broadcast %eq3A_136 : f32 to vector<512x1xf32>
    %eq3A_138 = arith.cmpf oeq, %sign3A_135, %eq3A_137 : vector<512x1xf32>
    %jit3A_139 = arith.constant 1.000000e+00 : f32
    %broadcast_in_dim3A_140 = vector.broadcast %jit3A_139 : f32 to vector<512x1xf32>
    %select_n3A_141 = arith.select %eq3A_138, %broadcast_in_dim3A_140, %sign3A_135 : vector<512x1xi1>, vector<512x1xf32>
    %mul3A_142 = arith.mulf %get3A_73, %select_n3A_141 : vector<512x1xf32>
    %mul3A_143 = arith.mulf %get3A_78, %select_n3A_141 : vector<512x1xf32>
    %mul3A_144 = arith.mulf %get3A_83, %select_n3A_141 : vector<512x1xf32>
    %mul3A_145 = arith.mulf %mul3A_143, %mul3A_111 : vector<512x1xf32>
    %mul3A_146 = arith.mulf %mul3A_144, %mul3A_110 : vector<512x1xf32>
    %sub3A_147 = arith.subf %mul3A_145, %mul3A_146 : vector<512x1xf32>
    %mul3A_148 = arith.mulf %mul3A_144, %mul3A_109 : vector<512x1xf32>
    %mul3A_149 = arith.mulf %mul3A_142, %mul3A_111 : vector<512x1xf32>
    %sub3A_150 = arith.subf %mul3A_148, %mul3A_149 : vector<512x1xf32>
    %mul3A_151 = arith.mulf %mul3A_142, %mul3A_110 : vector<512x1xf32>
    %mul3A_152 = arith.mulf %mul3A_143, %mul3A_109 : vector<512x1xf32>
    %sub3A_153 = arith.subf %mul3A_151, %mul3A_152 : vector<512x1xf32>
    %bitcast_convert_type3A = tpu.bitcast %select_n3A : vector<512x20xf32> -> vector<512x20xi32>
    %add3A_154 = arith.constant 32767 : i32
    %add3A_155 = vector.broadcast %add3A_154 : i32 to vector<512x20xi32>
    %add3A_156 = arith.addi %bitcast_convert_type3A, %add3A_155 : vector<512x20xi32>
    %shift_right_arithmetic3A = arith.constant 16 : i32
    %shift_right_arithmetic3A_157 = vector.broadcast %shift_right_arithmetic3A : i32 to vector<512x20xi32>
    %shift_right_arithmetic3A_158 = arith.shrsi %bitcast_convert_type3A, %shift_right_arithmetic3A_157 : vector<512x20xi32>
    %and3A = arith.constant 1 : i32
    %and3A_159 = vector.broadcast %and3A : i32 to vector<512x20xi32>
    %and3A_160 = arith.andi %shift_right_arithmetic3A_158, %and3A_159 : vector<512x20xi32>
    %add3A_161 = arith.addi %add3A_156, %and3A_160 : vector<512x20xi32>
    %and3A_162 = arith.constant -65536 : i32
    %and3A_163 = vector.broadcast %and3A_162 : i32 to vector<512x20xi32>
    %and3A_164 = arith.andi %add3A_161, %and3A_163 : vector<512x20xi32>
    %bitcast_convert_type3A_165 = tpu.bitcast %and3A_164 : vector<512x20xi32> -> vector<512x20xf32>
    %bitcast_convert_type3A_166 = tpu.bitcast %select_n3A_43 : vector<512x20xf32> -> vector<512x20xi32>
    %add3A_167 = arith.constant 32767 : i32
    %add3A_168 = vector.broadcast %add3A_167 : i32 to vector<512x20xi32>
    %add3A_169 = arith.addi %bitcast_convert_type3A_166, %add3A_168 : vector<512x20xi32>
    %shift_right_arithmetic3A_170 = arith.constant 16 : i32
    %shift_right_arithmetic3A_171 = vector.broadcast %shift_right_arithmetic3A_170 : i32 to vector<512x20xi32>
    %shift_right_arithmetic3A_172 = arith.shrsi %bitcast_convert_type3A_166, %shift_right_arithmetic3A_171 : vector<512x20xi32>
    %and3A_173 = arith.constant 1 : i32
    %and3A_174 = vector.broadcast %and3A_173 : i32 to vector<512x20xi32>
    %and3A_175 = arith.andi %shift_right_arithmetic3A_172, %and3A_174 : vector<512x20xi32>
    %add3A_176 = arith.addi %add3A_169, %and3A_175 : vector<512x20xi32>
    %and3A_177 = arith.constant -65536 : i32
    %and3A_178 = vector.broadcast %and3A_177 : i32 to vector<512x20xi32>
    %and3A_179 = arith.andi %add3A_176, %and3A_178 : vector<512x20xi32>
    %bitcast_convert_type3A_180 = tpu.bitcast %and3A_179 : vector<512x20xi32> -> vector<512x20xf32>
    %bitcast_convert_type3A_181 = tpu.bitcast %select_n3A_53 : vector<512x20xf32> -> vector<512x20xi32>
    %add3A_182 = arith.constant 32767 : i32
    %add3A_183 = vector.broadcast %add3A_182 : i32 to vector<512x20xi32>
    %add3A_184 = arith.addi %bitcast_convert_type3A_181, %add3A_183 : vector<512x20xi32>
    %shift_right_arithmetic3A_185 = arith.constant 16 : i32
    %shift_right_arithmetic3A_186 = vector.broadcast %shift_right_arithmetic3A_185 : i32 to vector<512x20xi32>
    %shift_right_arithmetic3A_187 = arith.shrsi %bitcast_convert_type3A_181, %shift_right_arithmetic3A_186 : vector<512x20xi32>
    %and3A_188 = arith.constant 1 : i32
    %and3A_189 = vector.broadcast %and3A_188 : i32 to vector<512x20xi32>
    %and3A_190 = arith.andi %shift_right_arithmetic3A_187, %and3A_189 : vector<512x20xi32>
    %add3A_191 = arith.addi %add3A_184, %and3A_190 : vector<512x20xi32>
    %and3A_192 = arith.constant -65536 : i32
    %and3A_193 = vector.broadcast %and3A_192 : i32 to vector<512x20xi32>
    %and3A_194 = arith.andi %add3A_191, %and3A_193 : vector<512x20xi32>
    %bitcast_convert_type3A_195 = tpu.bitcast %and3A_194 : vector<512x20xi32> -> vector<512x20xf32>
    %bitcast_convert_type3A_196 = tpu.bitcast %mul3A_109 : vector<512x1xf32> -> vector<512x1xi32>
    %add3A_197 = arith.constant 32767 : i32
    %add3A_198 = vector.broadcast %add3A_197 : i32 to vector<512x1xi32>
    %add3A_199 = arith.addi %bitcast_convert_type3A_196, %add3A_198 : vector<512x1xi32>
    %shift_right_arithmetic3A_200 = arith.constant 16 : i32
    %shift_right_arithmetic3A_201 = vector.broadcast %shift_right_arithmetic3A_200 : i32 to vector<512x1xi32>
    %shift_right_arithmetic3A_202 = arith.shrsi %bitcast_convert_type3A_196, %shift_right_arithmetic3A_201 : vector<512x1xi32>
    %and3A_203 = arith.constant 1 : i32
    %and3A_204 = vector.broadcast %and3A_203 : i32 to vector<512x1xi32>
    %and3A_205 = arith.andi %shift_right_arithmetic3A_202, %and3A_204 : vector<512x1xi32>
    %add3A_206 = arith.addi %add3A_199, %and3A_205 : vector<512x1xi32>
    %and3A_207 = arith.constant -65536 : i32
    %and3A_208 = vector.broadcast %and3A_207 : i32 to vector<512x1xi32>
    %and3A_209 = arith.andi %add3A_206, %and3A_208 : vector<512x1xi32>
    %bitcast_convert_type3A_210 = tpu.bitcast %and3A_209 : vector<512x1xi32> -> vector<512x1xf32>
    %mul3A_211 = vector.broadcast %bitcast_convert_type3A_210 : vector<512x1xf32> to vector<512x20xf32>
    %mul3A_212 = arith.mulf %mul3A_211, %bitcast_convert_type3A_165 : vector<512x20xf32>
    %bitcast_convert_type3A_213 = tpu.bitcast %mul3A_110 : vector<512x1xf32> -> vector<512x1xi32>
    %add3A_214 = arith.constant 32767 : i32
    %add3A_215 = vector.broadcast %add3A_214 : i32 to vector<512x1xi32>
    %add3A_216 = arith.addi %bitcast_convert_type3A_213, %add3A_215 : vector<512x1xi32>
    %shift_right_arithmetic3A_217 = arith.constant 16 : i32
    %shift_right_arithmetic3A_218 = vector.broadcast %shift_right_arithmetic3A_217 : i32 to vector<512x1xi32>
    %shift_right_arithmetic3A_219 = arith.shrsi %bitcast_convert_type3A_213, %shift_right_arithmetic3A_218 : vector<512x1xi32>
    %and3A_220 = arith.constant 1 : i32
    %and3A_221 = vector.broadcast %and3A_220 : i32 to vector<512x1xi32>
    %and3A_222 = arith.andi %shift_right_arithmetic3A_219, %and3A_221 : vector<512x1xi32>
    %add3A_223 = arith.addi %add3A_216, %and3A_222 : vector<512x1xi32>
    %and3A_224 = arith.constant -65536 : i32
    %and3A_225 = vector.broadcast %and3A_224 : i32 to vector<512x1xi32>
    %and3A_226 = arith.andi %add3A_223, %and3A_225 : vector<512x1xi32>
    %bitcast_convert_type3A_227 = tpu.bitcast %and3A_226 : vector<512x1xi32> -> vector<512x1xf32>
    %mul3A_228 = vector.broadcast %bitcast_convert_type3A_227 : vector<512x1xf32> to vector<512x20xf32>
    %mul3A_229 = arith.mulf %mul3A_228, %bitcast_convert_type3A_180 : vector<512x20xf32>
    %add3A_230 = arith.addf %mul3A_212, %mul3A_229 : vector<512x20xf32>
    %bitcast_convert_type3A_231 = tpu.bitcast %mul3A_111 : vector<512x1xf32> -> vector<512x1xi32>
    %add3A_232 = arith.constant 32767 : i32
    %add3A_233 = vector.broadcast %add3A_232 : i32 to vector<512x1xi32>
    %add3A_234 = arith.addi %bitcast_convert_type3A_231, %add3A_233 : vector<512x1xi32>
    %shift_right_arithmetic3A_235 = arith.constant 16 : i32
    %shift_right_arithmetic3A_236 = vector.broadcast %shift_right_arithmetic3A_235 : i32 to vector<512x1xi32>
    %shift_right_arithmetic3A_237 = arith.shrsi %bitcast_convert_type3A_231, %shift_right_arithmetic3A_236 : vector<512x1xi32>
    %and3A_238 = arith.constant 1 : i32
    %and3A_239 = vector.broadcast %and3A_238 : i32 to vector<512x1xi32>
    %and3A_240 = arith.andi %shift_right_arithmetic3A_237, %and3A_239 : vector<512x1xi32>
    %add3A_241 = arith.addi %add3A_234, %and3A_240 : vector<512x1xi32>
    %and3A_242 = arith.constant -65536 : i32
    %and3A_243 = vector.broadcast %and3A_242 : i32 to vector<512x1xi32>
    %and3A_244 = arith.andi %add3A_241, %and3A_243 : vector<512x1xi32>
    %bitcast_convert_type3A_245 = tpu.bitcast %and3A_244 : vector<512x1xi32> -> vector<512x1xf32>
    %mul3A_246 = vector.broadcast %bitcast_convert_type3A_245 : vector<512x1xf32> to vector<512x20xf32>
    %mul3A_247 = arith.mulf %mul3A_246, %bitcast_convert_type3A_195 : vector<512x20xf32>
    %add3A_248 = arith.addf %add3A_230, %mul3A_247 : vector<512x20xf32>
    %bitcast_convert_type3A_249 = tpu.bitcast %sub3A_147 : vector<512x1xf32> -> vector<512x1xi32>
    %add3A_250 = arith.constant 32767 : i32
    %add3A_251 = vector.broadcast %add3A_250 : i32 to vector<512x1xi32>
    %add3A_252 = arith.addi %bitcast_convert_type3A_249, %add3A_251 : vector<512x1xi32>
    %shift_right_arithmetic3A_253 = arith.constant 16 : i32
    %shift_right_arithmetic3A_254 = vector.broadcast %shift_right_arithmetic3A_253 : i32 to vector<512x1xi32>
    %shift_right_arithmetic3A_255 = arith.shrsi %bitcast_convert_type3A_249, %shift_right_arithmetic3A_254 : vector<512x1xi32>
    %and3A_256 = arith.constant 1 : i32
    %and3A_257 = vector.broadcast %and3A_256 : i32 to vector<512x1xi32>
    %and3A_258 = arith.andi %shift_right_arithmetic3A_255, %and3A_257 : vector<512x1xi32>
    %add3A_259 = arith.addi %add3A_252, %and3A_258 : vector<512x1xi32>
    %and3A_260 = arith.constant -65536 : i32
    %and3A_261 = vector.broadcast %and3A_260 : i32 to vector<512x1xi32>
    %and3A_262 = arith.andi %add3A_259, %and3A_261 : vector<512x1xi32>
    %bitcast_convert_type3A_263 = tpu.bitcast %and3A_262 : vector<512x1xi32> -> vector<512x1xf32>
    %mul3A_264 = vector.broadcast %bitcast_convert_type3A_263 : vector<512x1xf32> to vector<512x20xf32>
    %mul3A_265 = arith.mulf %mul3A_264, %bitcast_convert_type3A_165 : vector<512x20xf32>
    %bitcast_convert_type3A_266 = tpu.bitcast %sub3A_150 : vector<512x1xf32> -> vector<512x1xi32>
    %add3A_267 = arith.constant 32767 : i32
    %add3A_268 = vector.broadcast %add3A_267 : i32 to vector<512x1xi32>
    %add3A_269 = arith.addi %bitcast_convert_type3A_266, %add3A_268 : vector<512x1xi32>
    %shift_right_arithmetic3A_270 = arith.constant 16 : i32
    %shift_right_arithmetic3A_271 = vector.broadcast %shift_right_arithmetic3A_270 : i32 to vector<512x1xi32>
    %shift_right_arithmetic3A_272 = arith.shrsi %bitcast_convert_type3A_266, %shift_right_arithmetic3A_271 : vector<512x1xi32>
    %and3A_273 = arith.constant 1 : i32
    %and3A_274 = vector.broadcast %and3A_273 : i32 to vector<512x1xi32>
    %and3A_275 = arith.andi %shift_right_arithmetic3A_272, %and3A_274 : vector<512x1xi32>
    %add3A_276 = arith.addi %add3A_269, %and3A_275 : vector<512x1xi32>
    %and3A_277 = arith.constant -65536 : i32
    %and3A_278 = vector.broadcast %and3A_277 : i32 to vector<512x1xi32>
    %and3A_279 = arith.andi %add3A_276, %and3A_278 : vector<512x1xi32>
    %bitcast_convert_type3A_280 = tpu.bitcast %and3A_279 : vector<512x1xi32> -> vector<512x1xf32>
    %mul3A_281 = vector.broadcast %bitcast_convert_type3A_280 : vector<512x1xf32> to vector<512x20xf32>
    %mul3A_282 = arith.mulf %mul3A_281, %bitcast_convert_type3A_180 : vector<512x20xf32>
    %add3A_283 = arith.addf %mul3A_265, %mul3A_282 : vector<512x20xf32>
    %bitcast_convert_type3A_284 = tpu.bitcast %sub3A_153 : vector<512x1xf32> -> vector<512x1xi32>
    %add3A_285 = arith.constant 32767 : i32
    %add3A_286 = vector.broadcast %add3A_285 : i32 to vector<512x1xi32>
    %add3A_287 = arith.addi %bitcast_convert_type3A_284, %add3A_286 : vector<512x1xi32>
    %shift_right_arithmetic3A_288 = arith.constant 16 : i32
    %shift_right_arithmetic3A_289 = vector.broadcast %shift_right_arithmetic3A_288 : i32 to vector<512x1xi32>
    %shift_right_arithmetic3A_290 = arith.shrsi %bitcast_convert_type3A_284, %shift_right_arithmetic3A_289 : vector<512x1xi32>
    %and3A_291 = arith.constant 1 : i32
    %and3A_292 = vector.broadcast %and3A_291 : i32 to vector<512x1xi32>
    %and3A_293 = arith.andi %shift_right_arithmetic3A_290, %and3A_292 : vector<512x1xi32>
    %add3A_294 = arith.addi %add3A_287, %and3A_293 : vector<512x1xi32>
    %and3A_295 = arith.constant -65536 : i32
    %and3A_296 = vector.broadcast %and3A_295 : i32 to vector<512x1xi32>
    %and3A_297 = arith.andi %add3A_294, %and3A_296 : vector<512x1xi32>
    %bitcast_convert_type3A_298 = tpu.bitcast %and3A_297 : vector<512x1xi32> -> vector<512x1xf32>
    %mul3A_299 = vector.broadcast %bitcast_convert_type3A_298 : vector<512x1xf32> to vector<512x20xf32>
    %mul3A_300 = arith.mulf %mul3A_299, %bitcast_convert_type3A_195 : vector<512x20xf32>
    %add3A_301 = arith.addf %add3A_283, %mul3A_300 : vector<512x20xf32>
    %bitcast_convert_type3A_302 = tpu.bitcast %mul3A_142 : vector<512x1xf32> -> vector<512x1xi32>
    %add3A_303 = arith.constant 32767 : i32
    %add3A_304 = vector.broadcast %add3A_303 : i32 to vector<512x1xi32>
    %add3A_305 = arith.addi %bitcast_convert_type3A_302, %add3A_304 : vector<512x1xi32>
    %shift_right_arithmetic3A_306 = arith.constant 16 : i32
    %shift_right_arithmetic3A_307 = vector.broadcast %shift_right_arithmetic3A_306 : i32 to vector<512x1xi32>
    %shift_right_arithmetic3A_308 = arith.shrsi %bitcast_convert_type3A_302, %shift_right_arithmetic3A_307 : vector<512x1xi32>
    %and3A_309 = arith.constant 1 : i32
    %and3A_310 = vector.broadcast %and3A_309 : i32 to vector<512x1xi32>
    %and3A_311 = arith.andi %shift_right_arithmetic3A_308, %and3A_310 : vector<512x1xi32>
    %add3A_312 = arith.addi %add3A_305, %and3A_311 : vector<512x1xi32>
    %and3A_313 = arith.constant -65536 : i32
    %and3A_314 = vector.broadcast %and3A_313 : i32 to vector<512x1xi32>
    %and3A_315 = arith.andi %add3A_312, %and3A_314 : vector<512x1xi32>
    %bitcast_convert_type3A_316 = tpu.bitcast %and3A_315 : vector<512x1xi32> -> vector<512x1xf32>
    %mul3A_317 = vector.broadcast %bitcast_convert_type3A_316 : vector<512x1xf32> to vector<512x20xf32>
    %mul3A_318 = arith.mulf %mul3A_317, %bitcast_convert_type3A_165 : vector<512x20xf32>
    %bitcast_convert_type3A_319 = tpu.bitcast %mul3A_143 : vector<512x1xf32> -> vector<512x1xi32>
    %add3A_320 = arith.constant 32767 : i32
    %add3A_321 = vector.broadcast %add3A_320 : i32 to vector<512x1xi32>
    %add3A_322 = arith.addi %bitcast_convert_type3A_319, %add3A_321 : vector<512x1xi32>
    %shift_right_arithmetic3A_323 = arith.constant 16 : i32
    %shift_right_arithmetic3A_324 = vector.broadcast %shift_right_arithmetic3A_323 : i32 to vector<512x1xi32>
    %shift_right_arithmetic3A_325 = arith.shrsi %bitcast_convert_type3A_319, %shift_right_arithmetic3A_324 : vector<512x1xi32>
    %and3A_326 = arith.constant 1 : i32
    %and3A_327 = vector.broadcast %and3A_326 : i32 to vector<512x1xi32>
    %and3A_328 = arith.andi %shift_right_arithmetic3A_325, %and3A_327 : vector<512x1xi32>
    %add3A_329 = arith.addi %add3A_322, %and3A_328 : vector<512x1xi32>
    %and3A_330 = arith.constant -65536 : i32
    %and3A_331 = vector.broadcast %and3A_330 : i32 to vector<512x1xi32>
    %and3A_332 = arith.andi %add3A_329, %and3A_331 : vector<512x1xi32>
    %bitcast_convert_type3A_333 = tpu.bitcast %and3A_332 : vector<512x1xi32> -> vector<512x1xf32>
    %mul3A_334 = vector.broadcast %bitcast_convert_type3A_333 : vector<512x1xf32> to vector<512x20xf32>
    %mul3A_335 = arith.mulf %mul3A_334, %bitcast_convert_type3A_180 : vector<512x20xf32>
    %add3A_336 = arith.addf %mul3A_318, %mul3A_335 : vector<512x20xf32>
    %bitcast_convert_type3A_337 = tpu.bitcast %mul3A_144 : vector<512x1xf32> -> vector<512x1xi32>
    %add3A_338 = arith.constant 32767 : i32
    %add3A_339 = vector.broadcast %add3A_338 : i32 to vector<512x1xi32>
    %add3A_340 = arith.addi %bitcast_convert_type3A_337, %add3A_339 : vector<512x1xi32>
    %shift_right_arithmetic3A_341 = arith.constant 16 : i32
    %shift_right_arithmetic3A_342 = vector.broadcast %shift_right_arithmetic3A_341 : i32 to vector<512x1xi32>
    %shift_right_arithmetic3A_343 = arith.shrsi %bitcast_convert_type3A_337, %shift_right_arithmetic3A_342 : vector<512x1xi32>
    %and3A_344 = arith.constant 1 : i32
    %and3A_345 = vector.broadcast %and3A_344 : i32 to vector<512x1xi32>
    %and3A_346 = arith.andi %shift_right_arithmetic3A_343, %and3A_345 : vector<512x1xi32>
    %add3A_347 = arith.addi %add3A_340, %and3A_346 : vector<512x1xi32>
    %and3A_348 = arith.constant -65536 : i32
    %and3A_349 = vector.broadcast %and3A_348 : i32 to vector<512x1xi32>
    %and3A_350 = arith.andi %add3A_347, %and3A_349 : vector<512x1xi32>
    %bitcast_convert_type3A_351 = tpu.bitcast %and3A_350 : vector<512x1xi32> -> vector<512x1xf32>
    %mul3A_352 = vector.broadcast %bitcast_convert_type3A_351 : vector<512x1xf32> to vector<512x20xf32>
    %mul3A_353 = arith.mulf %mul3A_352, %bitcast_convert_type3A_195 : vector<512x20xf32>
    %add3A_354 = arith.addf %add3A_336, %mul3A_353 : vector<512x20xf32>
    %mul3A_355 = arith.mulf %add3A_248, %add3A_248 : vector<512x20xf32>
    %mul3A_356 = arith.mulf %add3A_301, %add3A_301 : vector<512x20xf32>
    %add3A_357 = arith.addf %mul3A_355, %mul3A_356 : vector<512x20xf32>
    %mul3A_358 = arith.mulf %add3A_354, %add3A_354 : vector<512x20xf32>
    %add3A_359 = arith.addf %add3A_357, %mul3A_358 : vector<512x20xf32>
    %add3A_360 = arith.constant 9.99999996E-13 : f32
    %add3A_361 = vector.broadcast %add3A_360 : f32 to vector<512x20xf32>
    %add3A_362 = arith.addf %add3A_359, %add3A_361 : vector<512x20xf32>
    %sqrt3A = math.sqrt %add3A_362 : vector<512x20xf32>
    %mul3A_363 = arith.mulf %add3A_248, %add3A_248 : vector<512x20xf32>
    %mul3A_364 = arith.mulf %add3A_301, %add3A_301 : vector<512x20xf32>
    %add3A_365 = arith.addf %mul3A_363, %mul3A_364 : vector<512x20xf32>
    %add3A_366 = arith.constant 9.99999996E-13 : f32
    %add3A_367 = vector.broadcast %add3A_366 : f32 to vector<512x20xf32>
    %add3A_368 = arith.addf %add3A_365, %add3A_367 : vector<512x20xf32>
    %sqrt3A_369 = math.sqrt %add3A_368 : vector<512x20xf32>
    %add3A_370 = arith.constant 9.99999996E-13 : f32
    %add3A_371 = vector.broadcast %add3A_370 : f32 to vector<512x20xf32>
    %add3A_372 = arith.addf %sqrt3A_369, %add3A_371 : vector<512x20xf32>
    %div3A = arith.divf %sqrt3A, %add3A_372 : vector<512x20xf32>
    %mul3A_373 = arith.mulf %add3A_248, %div3A : vector<512x20xf32>
    %mul3A_374 = arith.mulf %add3A_301, %div3A : vector<512x20xf32>
    %mul3A_375 = arith.constant 2.000000e+00 : f32
    %mul3A_376 = vector.broadcast %mul3A_375 : f32 to vector<1x1xf32>
    %mul3A_377 = arith.mulf %mul3A_376, %get3A_3 : vector<1x1xf32>
    %mul3A_378 = arith.constant 2.000000e-01 : f32
    %mul3A_379 = vector.broadcast %mul3A_378 : f32 to vector<1x1xf32>
    %mul3A_380 = arith.mulf %mul3A_377, %mul3A_379 : vector<1x1xf32>
    %add3A_381 = vector.broadcast %get3A_3 : vector<1x1xf32> to vector<512x20xf32>
    %add3A_382 = arith.addf %mul3A_373, %add3A_381 : vector<512x20xf32>
    %div3A_383 = vector.broadcast %mul3A_380 : vector<1x1xf32> to vector<512x20xf32>
    %div3A_384 = arith.divf %add3A_382, %div3A_383 : vector<512x20xf32>
    %floor3A = math.floor %div3A_384 : vector<512x20xf32>
    %add3A_385 = vector.broadcast %get3A_3 : vector<1x1xf32> to vector<512x20xf32>
    %add3A_386 = arith.addf %mul3A_374, %add3A_385 : vector<512x20xf32>
    %div3A_387 = vector.broadcast %mul3A_380 : vector<1x1xf32> to vector<512x20xf32>
    %div3A_388 = arith.divf %add3A_386, %div3A_387 : vector<512x20xf32>
    %floor3A_389 = math.floor %div3A_388 : vector<512x20xf32>
    %ge3A = arith.constant 0.000000e+00 : f32
    %ge3A_390 = vector.broadcast %ge3A : f32 to vector<512x20xf32>
    %ge3A_391 = arith.cmpf oge, %floor3A, %ge3A_390 : vector<512x20xf32>
    %lt3A = arith.constant 5.000000e+00 : f32
    %lt3A_392 = vector.broadcast %lt3A : f32 to vector<512x20xf32>
    %lt3A_393 = arith.cmpf olt, %floor3A, %lt3A_392 : vector<512x20xf32>
    %and3A_394 = arith.andi %ge3A_391, %lt3A_393 : vector<512x20xi1>
    %ge3A_395 = arith.constant 0.000000e+00 : f32
    %ge3A_396 = vector.broadcast %ge3A_395 : f32 to vector<512x20xf32>
    %ge3A_397 = arith.cmpf oge, %floor3A_389, %ge3A_396 : vector<512x20xf32>
    %and3A_398 = arith.andi %and3A_394, %ge3A_397 : vector<512x20xi1>
    %lt3A_399 = arith.constant 5.000000e+00 : f32
    %lt3A_400 = vector.broadcast %lt3A_399 : f32 to vector<512x20xf32>
    %lt3A_401 = arith.cmpf olt, %floor3A_389, %lt3A_400 : vector<512x20xf32>
    %and3A_402 = arith.andi %and3A_398, %lt3A_401 : vector<512x20xi1>
    %convert_element_type3A = arith.extui %and3A_402 : vector<512x20xi1> to vector<512x20xi32>
    %convert_element_type3A_403 = arith.sitofp %convert_element_type3A : vector<512x20xi32> to vector<512x20xf32>
    %jit3A_404 = arith.constant 0 : i32
    %jit3A_405 = arith.constant 4 : i32
    %convert_element_type3A_406 = arith.sitofp %jit3A_404 : i32 to f32
    %max3A = vector.broadcast %convert_element_type3A_406 : f32 to vector<512x20xf32>
    %max3A_407 = arith.maximumf %max3A, %floor3A : vector<512x20xf32>
    %convert_element_type3A_408 = arith.sitofp %jit3A_405 : i32 to f32
    %min3A = vector.broadcast %convert_element_type3A_408 : f32 to vector<512x20xf32>
    %min3A_409 = arith.minimumf %min3A, %max3A_407 : vector<512x20xf32>
    %convert_element_type3A_410 = arith.fptosi %min3A_409 : vector<512x20xf32> to vector<512x20xi32>
    %jit3A_411 = arith.constant 0 : i32
    %jit3A_412 = arith.constant 4 : i32
    %convert_element_type3A_413 = arith.sitofp %jit3A_411 : i32 to f32
    %max3A_414 = vector.broadcast %convert_element_type3A_413 : f32 to vector<512x20xf32>
    %max3A_415 = arith.maximumf %max3A_414, %floor3A_389 : vector<512x20xf32>
    %convert_element_type3A_416 = arith.sitofp %jit3A_412 : i32 to f32
    %min3A_417 = vector.broadcast %convert_element_type3A_416 : f32 to vector<512x20xf32>
    %min3A_418 = arith.minimumf %min3A_417, %max3A_415 : vector<512x20xf32>
    %convert_element_type3A_419 = arith.fptosi %min3A_418 : vector<512x20xf32> to vector<512x20xi32>
    %mul3A_420 = arith.constant 5 : i32
    %mul3A_421 = vector.broadcast %mul3A_420 : i32 to vector<512x20xi32>
    %mul3A_422 = arith.muli %convert_element_type3A_419, %mul3A_421 : vector<512x20xi32>
    %add3A_423 = arith.addi %mul3A_422, %convert_element_type3A_410 : vector<512x20xi32>
    %neg3A = arith.constant 0.000000e+00 : f32
    %neg3A_424 = vector.broadcast %neg3A : f32 to vector<1x1xf32>
    %neg3A_425 = arith.subf %neg3A_424, %get3A_3 : vector<1x1xf32>
    %mul3A_426 = arith.constant 0.000000e+00 : f32
    %mul3A_427 = vector.broadcast %mul3A_426 : f32 to vector<1x1xf32>
    %mul3A_428 = arith.mulf %mul3A_427, %mul3A_380 : vector<1x1xf32>
    %add3A_429 = arith.addf %neg3A_425, %mul3A_428 : vector<1x1xf32>
    %mul3A_430 = arith.constant 5.000000e-01 : f32
    %mul3A_431 = vector.broadcast %mul3A_430 : f32 to vector<1x1xf32>
    %mul3A_432 = arith.mulf %mul3A_380, %mul3A_431 : vector<1x1xf32>
    %add3A_433 = arith.addf %add3A_429, %mul3A_432 : vector<1x1xf32>
    %neg3A_434 = arith.constant 0.000000e+00 : f32
    %neg3A_435 = vector.broadcast %neg3A_434 : f32 to vector<1x1xf32>
    %neg3A_436 = arith.subf %neg3A_435, %get3A_3 : vector<1x1xf32>
    %mul3A_437 = arith.constant 0.000000e+00 : f32
    %mul3A_438 = vector.broadcast %mul3A_437 : f32 to vector<1x1xf32>
    %mul3A_439 = arith.mulf %mul3A_438, %mul3A_380 : vector<1x1xf32>
    %add3A_440 = arith.addf %neg3A_436, %mul3A_439 : vector<1x1xf32>
    %mul3A_441 = arith.constant 5.000000e-01 : f32
    %mul3A_442 = vector.broadcast %mul3A_441 : f32 to vector<1x1xf32>
    %mul3A_443 = arith.mulf %mul3A_380, %mul3A_442 : vector<1x1xf32>
    %add3A_444 = arith.addf %add3A_440, %mul3A_443 : vector<1x1xf32>
    %mul3A_445 = arith.mulf %add3A_433, %add3A_433 : vector<1x1xf32>
    %mul3A_446 = arith.mulf %add3A_444, %add3A_444 : vector<1x1xf32>
    %add3A_447 = arith.addf %mul3A_445, %mul3A_446 : vector<1x1xf32>
    %add3A_448 = arith.constant 9.99999996E-13 : f32
    %add3A_449 = vector.broadcast %add3A_448 : f32 to vector<1x1xf32>
    %add3A_450 = arith.addf %add3A_447, %add3A_449 : vector<1x1xf32>
    %sqrt3A_451 = math.sqrt %add3A_450 : vector<1x1xf32>
    %sub3A_452 = arith.subf %get3A_3, %sqrt3A_451 : vector<1x1xf32>
    %eq3A_453 = arith.constant 0 : i32
    %eq3A_454 = vector.broadcast %eq3A_453 : i32 to vector<512x20xi32>
    %eq3A_455 = arith.cmpi eq, %add3A_423, %eq3A_454 : vector<512x20xi32>
    %convert_element_type3A_456 = arith.extui %eq3A_455 : vector<512x20xi1> to vector<512x20xi32>
    %convert_element_type3A_457 = arith.sitofp %convert_element_type3A_456 : vector<512x20xi32> to vector<512x20xf32>
    %mul3A_458 = arith.mulf %convert_element_type3A_403, %convert_element_type3A_457 : vector<512x20xf32>
    %reduce_sum3A_459 = arith.constant dense<0.000000e+00> : vector<512xf32>
    %reduce_sum3A_460 = vector.multi_reduction <add>, %mul3A_458, %reduce_sum3A_459 [1] : vector<512x20xf32> to vector<512xf32>
    %broadcast_in_dim3A_461 = vector.shape_cast %reduce_sum3A_460 : vector<512xf32> to vector<512x1xf32>
    %mul3A_462 = vector.broadcast %sub3A_452 : vector<1x1xf32> to vector<512x1xf32>
    %mul3A_463 = arith.mulf %broadcast_in_dim3A_461, %mul3A_462 : vector<512x1xf32>
    %mul3A_464 = arith.mulf %mul3A_463, %mul3A_463 : vector<512x1xf32>
    %neg3A_465 = arith.constant 0.000000e+00 : f32
    %neg3A_466 = vector.broadcast %neg3A_465 : f32 to vector<1x1xf32>
    %neg3A_467 = arith.subf %neg3A_466, %get3A_3 : vector<1x1xf32>
    %mul3A_468 = arith.constant 1.000000e+00 : f32
    %mul3A_469 = vector.broadcast %mul3A_468 : f32 to vector<1x1xf32>
    %mul3A_470 = arith.mulf %mul3A_469, %mul3A_380 : vector<1x1xf32>
    %add3A_471 = arith.addf %neg3A_467, %mul3A_470 : vector<1x1xf32>
    %mul3A_472 = arith.constant 5.000000e-01 : f32
    %mul3A_473 = vector.broadcast %mul3A_472 : f32 to vector<1x1xf32>
    %mul3A_474 = arith.mulf %mul3A_380, %mul3A_473 : vector<1x1xf32>
    %add3A_475 = arith.addf %add3A_471, %mul3A_474 : vector<1x1xf32>
    %neg3A_476 = arith.constant 0.000000e+00 : f32
    %neg3A_477 = vector.broadcast %neg3A_476 : f32 to vector<1x1xf32>
    %neg3A_478 = arith.subf %neg3A_477, %get3A_3 : vector<1x1xf32>
    %mul3A_479 = arith.constant 0.000000e+00 : f32
    %mul3A_480 = vector.broadcast %mul3A_479 : f32 to vector<1x1xf32>
    %mul3A_481 = arith.mulf %mul3A_480, %mul3A_380 : vector<1x1xf32>
    %add3A_482 = arith.addf %neg3A_478, %mul3A_481 : vector<1x1xf32>
    %mul3A_483 = arith.constant 5.000000e-01 : f32
    %mul3A_484 = vector.broadcast %mul3A_483 : f32 to vector<1x1xf32>
    %mul3A_485 = arith.mulf %mul3A_380, %mul3A_484 : vector<1x1xf32>
    %add3A_486 = arith.addf %add3A_482, %mul3A_485 : vector<1x1xf32>
    %mul3A_487 = arith.mulf %add3A_475, %add3A_475 : vector<1x1xf32>
    %mul3A_488 = arith.mulf %add3A_486, %add3A_486 : vector<1x1xf32>
    %add3A_489 = arith.addf %mul3A_487, %mul3A_488 : vector<1x1xf32>
    %add3A_490 = arith.constant 9.99999996E-13 : f32
    %add3A_491 = vector.broadcast %add3A_490 : f32 to vector<1x1xf32>
    %add3A_492 = arith.addf %add3A_489, %add3A_491 : vector<1x1xf32>
    %sqrt3A_493 = math.sqrt %add3A_492 : vector<1x1xf32>
    %sub3A_494 = arith.subf %get3A_3, %sqrt3A_493 : vector<1x1xf32>
    %eq3A_495 = arith.constant 1 : i32
    %eq3A_496 = vector.broadcast %eq3A_495 : i32 to vector<512x20xi32>
    %eq3A_497 = arith.cmpi eq, %add3A_423, %eq3A_496 : vector<512x20xi32>
    %convert_element_type3A_498 = arith.extui %eq3A_497 : vector<512x20xi1> to vector<512x20xi32>
    %convert_element_type3A_499 = arith.sitofp %convert_element_type3A_498 : vector<512x20xi32> to vector<512x20xf32>
    %mul3A_500 = arith.mulf %convert_element_type3A_403, %convert_element_type3A_499 : vector<512x20xf32>
    %reduce_sum3A_501 = arith.constant dense<0.000000e+00> : vector<512xf32>
    %reduce_sum3A_502 = vector.multi_reduction <add>, %mul3A_500, %reduce_sum3A_501 [1] : vector<512x20xf32> to vector<512xf32>
    %broadcast_in_dim3A_503 = vector.shape_cast %reduce_sum3A_502 : vector<512xf32> to vector<512x1xf32>
    %mul3A_504 = vector.broadcast %sub3A_494 : vector<1x1xf32> to vector<512x1xf32>
    %mul3A_505 = arith.mulf %broadcast_in_dim3A_503, %mul3A_504 : vector<512x1xf32>
    %mul3A_506 = arith.mulf %mul3A_505, %mul3A_505 : vector<512x1xf32>
    %add3A_507 = arith.addf %mul3A_464, %mul3A_506 : vector<512x1xf32>
    %neg3A_508 = arith.constant 0.000000e+00 : f32
    %neg3A_509 = vector.broadcast %neg3A_508 : f32 to vector<1x1xf32>
    %neg3A_510 = arith.subf %neg3A_509, %get3A_3 : vector<1x1xf32>
    %mul3A_511 = arith.constant 2.000000e+00 : f32
    %mul3A_512 = vector.broadcast %mul3A_511 : f32 to vector<1x1xf32>
    %mul3A_513 = arith.mulf %mul3A_512, %mul3A_380 : vector<1x1xf32>
    %add3A_514 = arith.addf %neg3A_510, %mul3A_513 : vector<1x1xf32>
    %mul3A_515 = arith.constant 5.000000e-01 : f32
    %mul3A_516 = vector.broadcast %mul3A_515 : f32 to vector<1x1xf32>
    %mul3A_517 = arith.mulf %mul3A_380, %mul3A_516 : vector<1x1xf32>
    %add3A_518 = arith.addf %add3A_514, %mul3A_517 : vector<1x1xf32>
    %neg3A_519 = arith.constant 0.000000e+00 : f32
    %neg3A_520 = vector.broadcast %neg3A_519 : f32 to vector<1x1xf32>
    %neg3A_521 = arith.subf %neg3A_520, %get3A_3 : vector<1x1xf32>
    %mul3A_522 = arith.constant 0.000000e+00 : f32
    %mul3A_523 = vector.broadcast %mul3A_522 : f32 to vector<1x1xf32>
    %mul3A_524 = arith.mulf %mul3A_523, %mul3A_380 : vector<1x1xf32>
    %add3A_525 = arith.addf %neg3A_521, %mul3A_524 : vector<1x1xf32>
    %mul3A_526 = arith.constant 5.000000e-01 : f32
    %mul3A_527 = vector.broadcast %mul3A_526 : f32 to vector<1x1xf32>
    %mul3A_528 = arith.mulf %mul3A_380, %mul3A_527 : vector<1x1xf32>
    %add3A_529 = arith.addf %add3A_525, %mul3A_528 : vector<1x1xf32>
    %mul3A_530 = arith.mulf %add3A_518, %add3A_518 : vector<1x1xf32>
    %mul3A_531 = arith.mulf %add3A_529, %add3A_529 : vector<1x1xf32>
    %add3A_532 = arith.addf %mul3A_530, %mul3A_531 : vector<1x1xf32>
    %add3A_533 = arith.constant 9.99999996E-13 : f32
    %add3A_534 = vector.broadcast %add3A_533 : f32 to vector<1x1xf32>
    %add3A_535 = arith.addf %add3A_532, %add3A_534 : vector<1x1xf32>
    %sqrt3A_536 = math.sqrt %add3A_535 : vector<1x1xf32>
    %sub3A_537 = arith.subf %get3A_3, %sqrt3A_536 : vector<1x1xf32>
    %eq3A_538 = arith.constant 2 : i32
    %eq3A_539 = vector.broadcast %eq3A_538 : i32 to vector<512x20xi32>
    %eq3A_540 = arith.cmpi eq, %add3A_423, %eq3A_539 : vector<512x20xi32>
    %convert_element_type3A_541 = arith.extui %eq3A_540 : vector<512x20xi1> to vector<512x20xi32>
    %convert_element_type3A_542 = arith.sitofp %convert_element_type3A_541 : vector<512x20xi32> to vector<512x20xf32>
    %mul3A_543 = arith.mulf %convert_element_type3A_403, %convert_element_type3A_542 : vector<512x20xf32>
    %reduce_sum3A_544 = arith.constant dense<0.000000e+00> : vector<512xf32>
    %reduce_sum3A_545 = vector.multi_reduction <add>, %mul3A_543, %reduce_sum3A_544 [1] : vector<512x20xf32> to vector<512xf32>
    %broadcast_in_dim3A_546 = vector.shape_cast %reduce_sum3A_545 : vector<512xf32> to vector<512x1xf32>
    %mul3A_547 = vector.broadcast %sub3A_537 : vector<1x1xf32> to vector<512x1xf32>
    %mul3A_548 = arith.mulf %broadcast_in_dim3A_546, %mul3A_547 : vector<512x1xf32>
    %mul3A_549 = arith.mulf %mul3A_548, %mul3A_548 : vector<512x1xf32>
    %add3A_550 = arith.addf %add3A_507, %mul3A_549 : vector<512x1xf32>
    %neg3A_551 = arith.constant 0.000000e+00 : f32
    %neg3A_552 = vector.broadcast %neg3A_551 : f32 to vector<1x1xf32>
    %neg3A_553 = arith.subf %neg3A_552, %get3A_3 : vector<1x1xf32>
    %mul3A_554 = arith.constant 3.000000e+00 : f32
    %mul3A_555 = vector.broadcast %mul3A_554 : f32 to vector<1x1xf32>
    %mul3A_556 = arith.mulf %mul3A_555, %mul3A_380 : vector<1x1xf32>
    %add3A_557 = arith.addf %neg3A_553, %mul3A_556 : vector<1x1xf32>
    %mul3A_558 = arith.constant 5.000000e-01 : f32
    %mul3A_559 = vector.broadcast %mul3A_558 : f32 to vector<1x1xf32>
    %mul3A_560 = arith.mulf %mul3A_380, %mul3A_559 : vector<1x1xf32>
    %add3A_561 = arith.addf %add3A_557, %mul3A_560 : vector<1x1xf32>
    %neg3A_562 = arith.constant 0.000000e+00 : f32
    %neg3A_563 = vector.broadcast %neg3A_562 : f32 to vector<1x1xf32>
    %neg3A_564 = arith.subf %neg3A_563, %get3A_3 : vector<1x1xf32>
    %mul3A_565 = arith.constant 0.000000e+00 : f32
    %mul3A_566 = vector.broadcast %mul3A_565 : f32 to vector<1x1xf32>
    %mul3A_567 = arith.mulf %mul3A_566, %mul3A_380 : vector<1x1xf32>
    %add3A_568 = arith.addf %neg3A_564, %mul3A_567 : vector<1x1xf32>
    %mul3A_569 = arith.constant 5.000000e-01 : f32
    %mul3A_570 = vector.broadcast %mul3A_569 : f32 to vector<1x1xf32>
    %mul3A_571 = arith.mulf %mul3A_380, %mul3A_570 : vector<1x1xf32>
    %add3A_572 = arith.addf %add3A_568, %mul3A_571 : vector<1x1xf32>
    %mul3A_573 = arith.mulf %add3A_561, %add3A_561 : vector<1x1xf32>
    %mul3A_574 = arith.mulf %add3A_572, %add3A_572 : vector<1x1xf32>
    %add3A_575 = arith.addf %mul3A_573, %mul3A_574 : vector<1x1xf32>
    %add3A_576 = arith.constant 9.99999996E-13 : f32
    %add3A_577 = vector.broadcast %add3A_576 : f32 to vector<1x1xf32>
    %add3A_578 = arith.addf %add3A_575, %add3A_577 : vector<1x1xf32>
    %sqrt3A_579 = math.sqrt %add3A_578 : vector<1x1xf32>
    %sub3A_580 = arith.subf %get3A_3, %sqrt3A_579 : vector<1x1xf32>
    %eq3A_581 = arith.constant 3 : i32
    %eq3A_582 = vector.broadcast %eq3A_581 : i32 to vector<512x20xi32>
    %eq3A_583 = arith.cmpi eq, %add3A_423, %eq3A_582 : vector<512x20xi32>
    %convert_element_type3A_584 = arith.extui %eq3A_583 : vector<512x20xi1> to vector<512x20xi32>
    %convert_element_type3A_585 = arith.sitofp %convert_element_type3A_584 : vector<512x20xi32> to vector<512x20xf32>
    %mul3A_586 = arith.mulf %convert_element_type3A_403, %convert_element_type3A_585 : vector<512x20xf32>
    %reduce_sum3A_587 = arith.constant dense<0.000000e+00> : vector<512xf32>
    %reduce_sum3A_588 = vector.multi_reduction <add>, %mul3A_586, %reduce_sum3A_587 [1] : vector<512x20xf32> to vector<512xf32>
    %broadcast_in_dim3A_589 = vector.shape_cast %reduce_sum3A_588 : vector<512xf32> to vector<512x1xf32>
    %mul3A_590 = vector.broadcast %sub3A_580 : vector<1x1xf32> to vector<512x1xf32>
    %mul3A_591 = arith.mulf %broadcast_in_dim3A_589, %mul3A_590 : vector<512x1xf32>
    %mul3A_592 = arith.mulf %mul3A_591, %mul3A_591 : vector<512x1xf32>
    %add3A_593 = arith.addf %add3A_550, %mul3A_592 : vector<512x1xf32>
    %neg3A_594 = arith.constant 0.000000e+00 : f32
    %neg3A_595 = vector.broadcast %neg3A_594 : f32 to vector<1x1xf32>
    %neg3A_596 = arith.subf %neg3A_595, %get3A_3 : vector<1x1xf32>
    %mul3A_597 = arith.constant 4.000000e+00 : f32
    %mul3A_598 = vector.broadcast %mul3A_597 : f32 to vector<1x1xf32>
    %mul3A_599 = arith.mulf %mul3A_598, %mul3A_380 : vector<1x1xf32>
    %add3A_600 = arith.addf %neg3A_596, %mul3A_599 : vector<1x1xf32>
    %mul3A_601 = arith.constant 5.000000e-01 : f32
    %mul3A_602 = vector.broadcast %mul3A_601 : f32 to vector<1x1xf32>
    %mul3A_603 = arith.mulf %mul3A_380, %mul3A_602 : vector<1x1xf32>
    %add3A_604 = arith.addf %add3A_600, %mul3A_603 : vector<1x1xf32>
    %neg3A_605 = arith.constant 0.000000e+00 : f32
    %neg3A_606 = vector.broadcast %neg3A_605 : f32 to vector<1x1xf32>
    %neg3A_607 = arith.subf %neg3A_606, %get3A_3 : vector<1x1xf32>
    %mul3A_608 = arith.constant 0.000000e+00 : f32
    %mul3A_609 = vector.broadcast %mul3A_608 : f32 to vector<1x1xf32>
    %mul3A_610 = arith.mulf %mul3A_609, %mul3A_380 : vector<1x1xf32>
    %add3A_611 = arith.addf %neg3A_607, %mul3A_610 : vector<1x1xf32>
    %mul3A_612 = arith.constant 5.000000e-01 : f32
    %mul3A_613 = vector.broadcast %mul3A_612 : f32 to vector<1x1xf32>
    %mul3A_614 = arith.mulf %mul3A_380, %mul3A_613 : vector<1x1xf32>
    %add3A_615 = arith.addf %add3A_611, %mul3A_614 : vector<1x1xf32>
    %mul3A_616 = arith.mulf %add3A_604, %add3A_604 : vector<1x1xf32>
    %mul3A_617 = arith.mulf %add3A_615, %add3A_615 : vector<1x1xf32>
    %add3A_618 = arith.addf %mul3A_616, %mul3A_617 : vector<1x1xf32>
    %add3A_619 = arith.constant 9.99999996E-13 : f32
    %add3A_620 = vector.broadcast %add3A_619 : f32 to vector<1x1xf32>
    %add3A_621 = arith.addf %add3A_618, %add3A_620 : vector<1x1xf32>
    %sqrt3A_622 = math.sqrt %add3A_621 : vector<1x1xf32>
    %sub3A_623 = arith.subf %get3A_3, %sqrt3A_622 : vector<1x1xf32>
    %eq3A_624 = arith.constant 4 : i32
    %eq3A_625 = vector.broadcast %eq3A_624 : i32 to vector<512x20xi32>
    %eq3A_626 = arith.cmpi eq, %add3A_423, %eq3A_625 : vector<512x20xi32>
    %convert_element_type3A_627 = arith.extui %eq3A_626 : vector<512x20xi1> to vector<512x20xi32>
    %convert_element_type3A_628 = arith.sitofp %convert_element_type3A_627 : vector<512x20xi32> to vector<512x20xf32>
    %mul3A_629 = arith.mulf %convert_element_type3A_403, %convert_element_type3A_628 : vector<512x20xf32>
    %reduce_sum3A_630 = arith.constant dense<0.000000e+00> : vector<512xf32>
    %reduce_sum3A_631 = vector.multi_reduction <add>, %mul3A_629, %reduce_sum3A_630 [1] : vector<512x20xf32> to vector<512xf32>
    %broadcast_in_dim3A_632 = vector.shape_cast %reduce_sum3A_631 : vector<512xf32> to vector<512x1xf32>
    %mul3A_633 = vector.broadcast %sub3A_623 : vector<1x1xf32> to vector<512x1xf32>
    %mul3A_634 = arith.mulf %broadcast_in_dim3A_632, %mul3A_633 : vector<512x1xf32>
    %mul3A_635 = arith.mulf %mul3A_634, %mul3A_634 : vector<512x1xf32>
    %add3A_636 = arith.addf %add3A_593, %mul3A_635 : vector<512x1xf32>
    %neg3A_637 = arith.constant 0.000000e+00 : f32
    %neg3A_638 = vector.broadcast %neg3A_637 : f32 to vector<1x1xf32>
    %neg3A_639 = arith.subf %neg3A_638, %get3A_3 : vector<1x1xf32>
    %mul3A_640 = arith.constant 0.000000e+00 : f32
    %mul3A_641 = vector.broadcast %mul3A_640 : f32 to vector<1x1xf32>
    %mul3A_642 = arith.mulf %mul3A_641, %mul3A_380 : vector<1x1xf32>
    %add3A_643 = arith.addf %neg3A_639, %mul3A_642 : vector<1x1xf32>
    %mul3A_644 = arith.constant 5.000000e-01 : f32
    %mul3A_645 = vector.broadcast %mul3A_644 : f32 to vector<1x1xf32>
    %mul3A_646 = arith.mulf %mul3A_380, %mul3A_645 : vector<1x1xf32>
    %add3A_647 = arith.addf %add3A_643, %mul3A_646 : vector<1x1xf32>
    %neg3A_648 = arith.constant 0.000000e+00 : f32
    %neg3A_649 = vector.broadcast %neg3A_648 : f32 to vector<1x1xf32>
    %neg3A_650 = arith.subf %neg3A_649, %get3A_3 : vector<1x1xf32>
    %mul3A_651 = arith.constant 1.000000e+00 : f32
    %mul3A_652 = vector.broadcast %mul3A_651 : f32 to vector<1x1xf32>
    %mul3A_653 = arith.mulf %mul3A_652, %mul3A_380 : vector<1x1xf32>
    %add3A_654 = arith.addf %neg3A_650, %mul3A_653 : vector<1x1xf32>
    %mul3A_655 = arith.constant 5.000000e-01 : f32
    %mul3A_656 = vector.broadcast %mul3A_655 : f32 to vector<1x1xf32>
    %mul3A_657 = arith.mulf %mul3A_380, %mul3A_656 : vector<1x1xf32>
    %add3A_658 = arith.addf %add3A_654, %mul3A_657 : vector<1x1xf32>
    %mul3A_659 = arith.mulf %add3A_647, %add3A_647 : vector<1x1xf32>
    %mul3A_660 = arith.mulf %add3A_658, %add3A_658 : vector<1x1xf32>
    %add3A_661 = arith.addf %mul3A_659, %mul3A_660 : vector<1x1xf32>
    %add3A_662 = arith.constant 9.99999996E-13 : f32
    %add3A_663 = vector.broadcast %add3A_662 : f32 to vector<1x1xf32>
    %add3A_664 = arith.addf %add3A_661, %add3A_663 : vector<1x1xf32>
    %sqrt3A_665 = math.sqrt %add3A_664 : vector<1x1xf32>
    %sub3A_666 = arith.subf %get3A_3, %sqrt3A_665 : vector<1x1xf32>
    %eq3A_667 = arith.constant 5 : i32
    %eq3A_668 = vector.broadcast %eq3A_667 : i32 to vector<512x20xi32>
    %eq3A_669 = arith.cmpi eq, %add3A_423, %eq3A_668 : vector<512x20xi32>
    %convert_element_type3A_670 = arith.extui %eq3A_669 : vector<512x20xi1> to vector<512x20xi32>
    %convert_element_type3A_671 = arith.sitofp %convert_element_type3A_670 : vector<512x20xi32> to vector<512x20xf32>
    %mul3A_672 = arith.mulf %convert_element_type3A_403, %convert_element_type3A_671 : vector<512x20xf32>
    %reduce_sum3A_673 = arith.constant dense<0.000000e+00> : vector<512xf32>
    %reduce_sum3A_674 = vector.multi_reduction <add>, %mul3A_672, %reduce_sum3A_673 [1] : vector<512x20xf32> to vector<512xf32>
    %broadcast_in_dim3A_675 = vector.shape_cast %reduce_sum3A_674 : vector<512xf32> to vector<512x1xf32>
    %mul3A_676 = vector.broadcast %sub3A_666 : vector<1x1xf32> to vector<512x1xf32>
    %mul3A_677 = arith.mulf %broadcast_in_dim3A_675, %mul3A_676 : vector<512x1xf32>
    %mul3A_678 = arith.mulf %mul3A_677, %mul3A_677 : vector<512x1xf32>
    %add3A_679 = arith.addf %add3A_636, %mul3A_678 : vector<512x1xf32>
    %neg3A_680 = arith.constant 0.000000e+00 : f32
    %neg3A_681 = vector.broadcast %neg3A_680 : f32 to vector<1x1xf32>
    %neg3A_682 = arith.subf %neg3A_681, %get3A_3 : vector<1x1xf32>
    %mul3A_683 = arith.constant 1.000000e+00 : f32
    %mul3A_684 = vector.broadcast %mul3A_683 : f32 to vector<1x1xf32>
    %mul3A_685 = arith.mulf %mul3A_684, %mul3A_380 : vector<1x1xf32>
    %add3A_686 = arith.addf %neg3A_682, %mul3A_685 : vector<1x1xf32>
    %mul3A_687 = arith.constant 5.000000e-01 : f32
    %mul3A_688 = vector.broadcast %mul3A_687 : f32 to vector<1x1xf32>
    %mul3A_689 = arith.mulf %mul3A_380, %mul3A_688 : vector<1x1xf32>
    %add3A_690 = arith.addf %add3A_686, %mul3A_689 : vector<1x1xf32>
    %neg3A_691 = arith.constant 0.000000e+00 : f32
    %neg3A_692 = vector.broadcast %neg3A_691 : f32 to vector<1x1xf32>
    %neg3A_693 = arith.subf %neg3A_692, %get3A_3 : vector<1x1xf32>
    %mul3A_694 = arith.constant 1.000000e+00 : f32
    %mul3A_695 = vector.broadcast %mul3A_694 : f32 to vector<1x1xf32>
    %mul3A_696 = arith.mulf %mul3A_695, %mul3A_380 : vector<1x1xf32>
    %add3A_697 = arith.addf %neg3A_693, %mul3A_696 : vector<1x1xf32>
    %mul3A_698 = arith.constant 5.000000e-01 : f32
    %mul3A_699 = vector.broadcast %mul3A_698 : f32 to vector<1x1xf32>
    %mul3A_700 = arith.mulf %mul3A_380, %mul3A_699 : vector<1x1xf32>
    %add3A_701 = arith.addf %add3A_697, %mul3A_700 : vector<1x1xf32>
    %mul3A_702 = arith.mulf %add3A_690, %add3A_690 : vector<1x1xf32>
    %mul3A_703 = arith.mulf %add3A_701, %add3A_701 : vector<1x1xf32>
    %add3A_704 = arith.addf %mul3A_702, %mul3A_703 : vector<1x1xf32>
    %add3A_705 = arith.constant 9.99999996E-13 : f32
    %add3A_706 = vector.broadcast %add3A_705 : f32 to vector<1x1xf32>
    %add3A_707 = arith.addf %add3A_704, %add3A_706 : vector<1x1xf32>
    %sqrt3A_708 = math.sqrt %add3A_707 : vector<1x1xf32>
    %sub3A_709 = arith.subf %get3A_3, %sqrt3A_708 : vector<1x1xf32>
    %eq3A_710 = arith.constant 6 : i32
    %eq3A_711 = vector.broadcast %eq3A_710 : i32 to vector<512x20xi32>
    %eq3A_712 = arith.cmpi eq, %add3A_423, %eq3A_711 : vector<512x20xi32>
    %convert_element_type3A_713 = arith.extui %eq3A_712 : vector<512x20xi1> to vector<512x20xi32>
    %convert_element_type3A_714 = arith.sitofp %convert_element_type3A_713 : vector<512x20xi32> to vector<512x20xf32>
    %mul3A_715 = arith.mulf %convert_element_type3A_403, %convert_element_type3A_714 : vector<512x20xf32>
    %reduce_sum3A_716 = arith.constant dense<0.000000e+00> : vector<512xf32>
    %reduce_sum3A_717 = vector.multi_reduction <add>, %mul3A_715, %reduce_sum3A_716 [1] : vector<512x20xf32> to vector<512xf32>
    %broadcast_in_dim3A_718 = vector.shape_cast %reduce_sum3A_717 : vector<512xf32> to vector<512x1xf32>
    %mul3A_719 = vector.broadcast %sub3A_709 : vector<1x1xf32> to vector<512x1xf32>
    %mul3A_720 = arith.mulf %broadcast_in_dim3A_718, %mul3A_719 : vector<512x1xf32>
    %mul3A_721 = arith.mulf %mul3A_720, %mul3A_720 : vector<512x1xf32>
    %add3A_722 = arith.addf %add3A_679, %mul3A_721 : vector<512x1xf32>
    %neg3A_723 = arith.constant 0.000000e+00 : f32
    %neg3A_724 = vector.broadcast %neg3A_723 : f32 to vector<1x1xf32>
    %neg3A_725 = arith.subf %neg3A_724, %get3A_3 : vector<1x1xf32>
    %mul3A_726 = arith.constant 2.000000e+00 : f32
    %mul3A_727 = vector.broadcast %mul3A_726 : f32 to vector<1x1xf32>
    %mul3A_728 = arith.mulf %mul3A_727, %mul3A_380 : vector<1x1xf32>
    %add3A_729 = arith.addf %neg3A_725, %mul3A_728 : vector<1x1xf32>
    %mul3A_730 = arith.constant 5.000000e-01 : f32
    %mul3A_731 = vector.broadcast %mul3A_730 : f32 to vector<1x1xf32>
    %mul3A_732 = arith.mulf %mul3A_380, %mul3A_731 : vector<1x1xf32>
    %add3A_733 = arith.addf %add3A_729, %mul3A_732 : vector<1x1xf32>
    %neg3A_734 = arith.constant 0.000000e+00 : f32
    %neg3A_735 = vector.broadcast %neg3A_734 : f32 to vector<1x1xf32>
    %neg3A_736 = arith.subf %neg3A_735, %get3A_3 : vector<1x1xf32>
    %mul3A_737 = arith.constant 1.000000e+00 : f32
    %mul3A_738 = vector.broadcast %mul3A_737 : f32 to vector<1x1xf32>
    %mul3A_739 = arith.mulf %mul3A_738, %mul3A_380 : vector<1x1xf32>
    %add3A_740 = arith.addf %neg3A_736, %mul3A_739 : vector<1x1xf32>
    %mul3A_741 = arith.constant 5.000000e-01 : f32
    %mul3A_742 = vector.broadcast %mul3A_741 : f32 to vector<1x1xf32>
    %mul3A_743 = arith.mulf %mul3A_380, %mul3A_742 : vector<1x1xf32>
    %add3A_744 = arith.addf %add3A_740, %mul3A_743 : vector<1x1xf32>
    %mul3A_745 = arith.mulf %add3A_733, %add3A_733 : vector<1x1xf32>
    %mul3A_746 = arith.mulf %add3A_744, %add3A_744 : vector<1x1xf32>
    %add3A_747 = arith.addf %mul3A_745, %mul3A_746 : vector<1x1xf32>
    %add3A_748 = arith.constant 9.99999996E-13 : f32
    %add3A_749 = vector.broadcast %add3A_748 : f32 to vector<1x1xf32>
    %add3A_750 = arith.addf %add3A_747, %add3A_749 : vector<1x1xf32>
    %sqrt3A_751 = math.sqrt %add3A_750 : vector<1x1xf32>
    %sub3A_752 = arith.subf %get3A_3, %sqrt3A_751 : vector<1x1xf32>
    %eq3A_753 = arith.constant 7 : i32
    %eq3A_754 = vector.broadcast %eq3A_753 : i32 to vector<512x20xi32>
    %eq3A_755 = arith.cmpi eq, %add3A_423, %eq3A_754 : vector<512x20xi32>
    %convert_element_type3A_756 = arith.extui %eq3A_755 : vector<512x20xi1> to vector<512x20xi32>
    %convert_element_type3A_757 = arith.sitofp %convert_element_type3A_756 : vector<512x20xi32> to vector<512x20xf32>
    %mul3A_758 = arith.mulf %convert_element_type3A_403, %convert_element_type3A_757 : vector<512x20xf32>
    %reduce_sum3A_759 = arith.constant dense<0.000000e+00> : vector<512xf32>
    %reduce_sum3A_760 = vector.multi_reduction <add>, %mul3A_758, %reduce_sum3A_759 [1] : vector<512x20xf32> to vector<512xf32>
    %broadcast_in_dim3A_761 = vector.shape_cast %reduce_sum3A_760 : vector<512xf32> to vector<512x1xf32>
    %mul3A_762 = vector.broadcast %sub3A_752 : vector<1x1xf32> to vector<512x1xf32>
    %mul3A_763 = arith.mulf %broadcast_in_dim3A_761, %mul3A_762 : vector<512x1xf32>
    %mul3A_764 = arith.mulf %mul3A_763, %mul3A_763 : vector<512x1xf32>
    %add3A_765 = arith.addf %add3A_722, %mul3A_764 : vector<512x1xf32>
    %neg3A_766 = arith.constant 0.000000e+00 : f32
    %neg3A_767 = vector.broadcast %neg3A_766 : f32 to vector<1x1xf32>
    %neg3A_768 = arith.subf %neg3A_767, %get3A_3 : vector<1x1xf32>
    %mul3A_769 = arith.constant 3.000000e+00 : f32
    %mul3A_770 = vector.broadcast %mul3A_769 : f32 to vector<1x1xf32>
    %mul3A_771 = arith.mulf %mul3A_770, %mul3A_380 : vector<1x1xf32>
    %add3A_772 = arith.addf %neg3A_768, %mul3A_771 : vector<1x1xf32>
    %mul3A_773 = arith.constant 5.000000e-01 : f32
    %mul3A_774 = vector.broadcast %mul3A_773 : f32 to vector<1x1xf32>
    %mul3A_775 = arith.mulf %mul3A_380, %mul3A_774 : vector<1x1xf32>
    %add3A_776 = arith.addf %add3A_772, %mul3A_775 : vector<1x1xf32>
    %neg3A_777 = arith.constant 0.000000e+00 : f32
    %neg3A_778 = vector.broadcast %neg3A_777 : f32 to vector<1x1xf32>
    %neg3A_779 = arith.subf %neg3A_778, %get3A_3 : vector<1x1xf32>
    %mul3A_780 = arith.constant 1.000000e+00 : f32
    %mul3A_781 = vector.broadcast %mul3A_780 : f32 to vector<1x1xf32>
    %mul3A_782 = arith.mulf %mul3A_781, %mul3A_380 : vector<1x1xf32>
    %add3A_783 = arith.addf %neg3A_779, %mul3A_782 : vector<1x1xf32>
    %mul3A_784 = arith.constant 5.000000e-01 : f32
    %mul3A_785 = vector.broadcast %mul3A_784 : f32 to vector<1x1xf32>
    %mul3A_786 = arith.mulf %mul3A_380, %mul3A_785 : vector<1x1xf32>
    %add3A_787 = arith.addf %add3A_783, %mul3A_786 : vector<1x1xf32>
    %mul3A_788 = arith.mulf %add3A_776, %add3A_776 : vector<1x1xf32>
    %mul3A_789 = arith.mulf %add3A_787, %add3A_787 : vector<1x1xf32>
    %add3A_790 = arith.addf %mul3A_788, %mul3A_789 : vector<1x1xf32>
    %add3A_791 = arith.constant 9.99999996E-13 : f32
    %add3A_792 = vector.broadcast %add3A_791 : f32 to vector<1x1xf32>
    %add3A_793 = arith.addf %add3A_790, %add3A_792 : vector<1x1xf32>
    %sqrt3A_794 = math.sqrt %add3A_793 : vector<1x1xf32>
    %sub3A_795 = arith.subf %get3A_3, %sqrt3A_794 : vector<1x1xf32>
    %eq3A_796 = arith.constant 8 : i32
    %eq3A_797 = vector.broadcast %eq3A_796 : i32 to vector<512x20xi32>
    %eq3A_798 = arith.cmpi eq, %add3A_423, %eq3A_797 : vector<512x20xi32>
    %convert_element_type3A_799 = arith.extui %eq3A_798 : vector<512x20xi1> to vector<512x20xi32>
    %convert_element_type3A_800 = arith.sitofp %convert_element_type3A_799 : vector<512x20xi32> to vector<512x20xf32>
    %mul3A_801 = arith.mulf %convert_element_type3A_403, %convert_element_type3A_800 : vector<512x20xf32>
    %reduce_sum3A_802 = arith.constant dense<0.000000e+00> : vector<512xf32>
    %reduce_sum3A_803 = vector.multi_reduction <add>, %mul3A_801, %reduce_sum3A_802 [1] : vector<512x20xf32> to vector<512xf32>
    %broadcast_in_dim3A_804 = vector.shape_cast %reduce_sum3A_803 : vector<512xf32> to vector<512x1xf32>
    %mul3A_805 = vector.broadcast %sub3A_795 : vector<1x1xf32> to vector<512x1xf32>
    %mul3A_806 = arith.mulf %broadcast_in_dim3A_804, %mul3A_805 : vector<512x1xf32>
    %mul3A_807 = arith.mulf %mul3A_806, %mul3A_806 : vector<512x1xf32>
    %add3A_808 = arith.addf %add3A_765, %mul3A_807 : vector<512x1xf32>
    %neg3A_809 = arith.constant 0.000000e+00 : f32
    %neg3A_810 = vector.broadcast %neg3A_809 : f32 to vector<1x1xf32>
    %neg3A_811 = arith.subf %neg3A_810, %get3A_3 : vector<1x1xf32>
    %mul3A_812 = arith.constant 4.000000e+00 : f32
    %mul3A_813 = vector.broadcast %mul3A_812 : f32 to vector<1x1xf32>
    %mul3A_814 = arith.mulf %mul3A_813, %mul3A_380 : vector<1x1xf32>
    %add3A_815 = arith.addf %neg3A_811, %mul3A_814 : vector<1x1xf32>
    %mul3A_816 = arith.constant 5.000000e-01 : f32
    %mul3A_817 = vector.broadcast %mul3A_816 : f32 to vector<1x1xf32>
    %mul3A_818 = arith.mulf %mul3A_380, %mul3A_817 : vector<1x1xf32>
    %add3A_819 = arith.addf %add3A_815, %mul3A_818 : vector<1x1xf32>
    %neg3A_820 = arith.constant 0.000000e+00 : f32
    %neg3A_821 = vector.broadcast %neg3A_820 : f32 to vector<1x1xf32>
    %neg3A_822 = arith.subf %neg3A_821, %get3A_3 : vector<1x1xf32>
    %mul3A_823 = arith.constant 1.000000e+00 : f32
    %mul3A_824 = vector.broadcast %mul3A_823 : f32 to vector<1x1xf32>
    %mul3A_825 = arith.mulf %mul3A_824, %mul3A_380 : vector<1x1xf32>
    %add3A_826 = arith.addf %neg3A_822, %mul3A_825 : vector<1x1xf32>
    %mul3A_827 = arith.constant 5.000000e-01 : f32
    %mul3A_828 = vector.broadcast %mul3A_827 : f32 to vector<1x1xf32>
    %mul3A_829 = arith.mulf %mul3A_380, %mul3A_828 : vector<1x1xf32>
    %add3A_830 = arith.addf %add3A_826, %mul3A_829 : vector<1x1xf32>
    %mul3A_831 = arith.mulf %add3A_819, %add3A_819 : vector<1x1xf32>
    %mul3A_832 = arith.mulf %add3A_830, %add3A_830 : vector<1x1xf32>
    %add3A_833 = arith.addf %mul3A_831, %mul3A_832 : vector<1x1xf32>
    %add3A_834 = arith.constant 9.99999996E-13 : f32
    %add3A_835 = vector.broadcast %add3A_834 : f32 to vector<1x1xf32>
    %add3A_836 = arith.addf %add3A_833, %add3A_835 : vector<1x1xf32>
    %sqrt3A_837 = math.sqrt %add3A_836 : vector<1x1xf32>
    %sub3A_838 = arith.subf %get3A_3, %sqrt3A_837 : vector<1x1xf32>
    %eq3A_839 = arith.constant 9 : i32
    %eq3A_840 = vector.broadcast %eq3A_839 : i32 to vector<512x20xi32>
    %eq3A_841 = arith.cmpi eq, %add3A_423, %eq3A_840 : vector<512x20xi32>
    %convert_element_type3A_842 = arith.extui %eq3A_841 : vector<512x20xi1> to vector<512x20xi32>
    %convert_element_type3A_843 = arith.sitofp %convert_element_type3A_842 : vector<512x20xi32> to vector<512x20xf32>
    %mul3A_844 = arith.mulf %convert_element_type3A_403, %convert_element_type3A_843 : vector<512x20xf32>
    %reduce_sum3A_845 = arith.constant dense<0.000000e+00> : vector<512xf32>
    %reduce_sum3A_846 = vector.multi_reduction <add>, %mul3A_844, %reduce_sum3A_845 [1] : vector<512x20xf32> to vector<512xf32>
    %broadcast_in_dim3A_847 = vector.shape_cast %reduce_sum3A_846 : vector<512xf32> to vector<512x1xf32>
    %mul3A_848 = vector.broadcast %sub3A_838 : vector<1x1xf32> to vector<512x1xf32>
    %mul3A_849 = arith.mulf %broadcast_in_dim3A_847, %mul3A_848 : vector<512x1xf32>
    %mul3A_850 = arith.mulf %mul3A_849, %mul3A_849 : vector<512x1xf32>
    %add3A_851 = arith.addf %add3A_808, %mul3A_850 : vector<512x1xf32>
    %neg3A_852 = arith.constant 0.000000e+00 : f32
    %neg3A_853 = vector.broadcast %neg3A_852 : f32 to vector<1x1xf32>
    %neg3A_854 = arith.subf %neg3A_853, %get3A_3 : vector<1x1xf32>
    %mul3A_855 = arith.constant 0.000000e+00 : f32
    %mul3A_856 = vector.broadcast %mul3A_855 : f32 to vector<1x1xf32>
    %mul3A_857 = arith.mulf %mul3A_856, %mul3A_380 : vector<1x1xf32>
    %add3A_858 = arith.addf %neg3A_854, %mul3A_857 : vector<1x1xf32>
    %mul3A_859 = arith.constant 5.000000e-01 : f32
    %mul3A_860 = vector.broadcast %mul3A_859 : f32 to vector<1x1xf32>
    %mul3A_861 = arith.mulf %mul3A_380, %mul3A_860 : vector<1x1xf32>
    %add3A_862 = arith.addf %add3A_858, %mul3A_861 : vector<1x1xf32>
    %neg3A_863 = arith.constant 0.000000e+00 : f32
    %neg3A_864 = vector.broadcast %neg3A_863 : f32 to vector<1x1xf32>
    %neg3A_865 = arith.subf %neg3A_864, %get3A_3 : vector<1x1xf32>
    %mul3A_866 = arith.constant 2.000000e+00 : f32
    %mul3A_867 = vector.broadcast %mul3A_866 : f32 to vector<1x1xf32>
    %mul3A_868 = arith.mulf %mul3A_867, %mul3A_380 : vector<1x1xf32>
    %add3A_869 = arith.addf %neg3A_865, %mul3A_868 : vector<1x1xf32>
    %mul3A_870 = arith.constant 5.000000e-01 : f32
    %mul3A_871 = vector.broadcast %mul3A_870 : f32 to vector<1x1xf32>
    %mul3A_872 = arith.mulf %mul3A_380, %mul3A_871 : vector<1x1xf32>
    %add3A_873 = arith.addf %add3A_869, %mul3A_872 : vector<1x1xf32>
    %mul3A_874 = arith.mulf %add3A_862, %add3A_862 : vector<1x1xf32>
    %mul3A_875 = arith.mulf %add3A_873, %add3A_873 : vector<1x1xf32>
    %add3A_876 = arith.addf %mul3A_874, %mul3A_875 : vector<1x1xf32>
    %add3A_877 = arith.constant 9.99999996E-13 : f32
    %add3A_878 = vector.broadcast %add3A_877 : f32 to vector<1x1xf32>
    %add3A_879 = arith.addf %add3A_876, %add3A_878 : vector<1x1xf32>
    %sqrt3A_880 = math.sqrt %add3A_879 : vector<1x1xf32>
    %sub3A_881 = arith.subf %get3A_3, %sqrt3A_880 : vector<1x1xf32>
    %eq3A_882 = arith.constant 10 : i32
    %eq3A_883 = vector.broadcast %eq3A_882 : i32 to vector<512x20xi32>
    %eq3A_884 = arith.cmpi eq, %add3A_423, %eq3A_883 : vector<512x20xi32>
    %convert_element_type3A_885 = arith.extui %eq3A_884 : vector<512x20xi1> to vector<512x20xi32>
    %convert_element_type3A_886 = arith.sitofp %convert_element_type3A_885 : vector<512x20xi32> to vector<512x20xf32>
    %mul3A_887 = arith.mulf %convert_element_type3A_403, %convert_element_type3A_886 : vector<512x20xf32>
    %reduce_sum3A_888 = arith.constant dense<0.000000e+00> : vector<512xf32>
    %reduce_sum3A_889 = vector.multi_reduction <add>, %mul3A_887, %reduce_sum3A_888 [1] : vector<512x20xf32> to vector<512xf32>
    %broadcast_in_dim3A_890 = vector.shape_cast %reduce_sum3A_889 : vector<512xf32> to vector<512x1xf32>
    %mul3A_891 = vector.broadcast %sub3A_881 : vector<1x1xf32> to vector<512x1xf32>
    %mul3A_892 = arith.mulf %broadcast_in_dim3A_890, %mul3A_891 : vector<512x1xf32>
    %mul3A_893 = arith.mulf %mul3A_892, %mul3A_892 : vector<512x1xf32>
    %add3A_894 = arith.addf %add3A_851, %mul3A_893 : vector<512x1xf32>
    %neg3A_895 = arith.constant 0.000000e+00 : f32
    %neg3A_896 = vector.broadcast %neg3A_895 : f32 to vector<1x1xf32>
    %neg3A_897 = arith.subf %neg3A_896, %get3A_3 : vector<1x1xf32>
    %mul3A_898 = arith.constant 1.000000e+00 : f32
    %mul3A_899 = vector.broadcast %mul3A_898 : f32 to vector<1x1xf32>
    %mul3A_900 = arith.mulf %mul3A_899, %mul3A_380 : vector<1x1xf32>
    %add3A_901 = arith.addf %neg3A_897, %mul3A_900 : vector<1x1xf32>
    %mul3A_902 = arith.constant 5.000000e-01 : f32
    %mul3A_903 = vector.broadcast %mul3A_902 : f32 to vector<1x1xf32>
    %mul3A_904 = arith.mulf %mul3A_380, %mul3A_903 : vector<1x1xf32>
    %add3A_905 = arith.addf %add3A_901, %mul3A_904 : vector<1x1xf32>
    %neg3A_906 = arith.constant 0.000000e+00 : f32
    %neg3A_907 = vector.broadcast %neg3A_906 : f32 to vector<1x1xf32>
    %neg3A_908 = arith.subf %neg3A_907, %get3A_3 : vector<1x1xf32>
    %mul3A_909 = arith.constant 2.000000e+00 : f32
    %mul3A_910 = vector.broadcast %mul3A_909 : f32 to vector<1x1xf32>
    %mul3A_911 = arith.mulf %mul3A_910, %mul3A_380 : vector<1x1xf32>
    %add3A_912 = arith.addf %neg3A_908, %mul3A_911 : vector<1x1xf32>
    %mul3A_913 = arith.constant 5.000000e-01 : f32
    %mul3A_914 = vector.broadcast %mul3A_913 : f32 to vector<1x1xf32>
    %mul3A_915 = arith.mulf %mul3A_380, %mul3A_914 : vector<1x1xf32>
    %add3A_916 = arith.addf %add3A_912, %mul3A_915 : vector<1x1xf32>
    %mul3A_917 = arith.mulf %add3A_905, %add3A_905 : vector<1x1xf32>
    %mul3A_918 = arith.mulf %add3A_916, %add3A_916 : vector<1x1xf32>
    %add3A_919 = arith.addf %mul3A_917, %mul3A_918 : vector<1x1xf32>
    %add3A_920 = arith.constant 9.99999996E-13 : f32
    %add3A_921 = vector.broadcast %add3A_920 : f32 to vector<1x1xf32>
    %add3A_922 = arith.addf %add3A_919, %add3A_921 : vector<1x1xf32>
    %sqrt3A_923 = math.sqrt %add3A_922 : vector<1x1xf32>
    %sub3A_924 = arith.subf %get3A_3, %sqrt3A_923 : vector<1x1xf32>
    %eq3A_925 = arith.constant 11 : i32
    %eq3A_926 = vector.broadcast %eq3A_925 : i32 to vector<512x20xi32>
    %eq3A_927 = arith.cmpi eq, %add3A_423, %eq3A_926 : vector<512x20xi32>
    %convert_element_type3A_928 = arith.extui %eq3A_927 : vector<512x20xi1> to vector<512x20xi32>
    %convert_element_type3A_929 = arith.sitofp %convert_element_type3A_928 : vector<512x20xi32> to vector<512x20xf32>
    %mul3A_930 = arith.mulf %convert_element_type3A_403, %convert_element_type3A_929 : vector<512x20xf32>
    %reduce_sum3A_931 = arith.constant dense<0.000000e+00> : vector<512xf32>
    %reduce_sum3A_932 = vector.multi_reduction <add>, %mul3A_930, %reduce_sum3A_931 [1] : vector<512x20xf32> to vector<512xf32>
    %broadcast_in_dim3A_933 = vector.shape_cast %reduce_sum3A_932 : vector<512xf32> to vector<512x1xf32>
    %mul3A_934 = vector.broadcast %sub3A_924 : vector<1x1xf32> to vector<512x1xf32>
    %mul3A_935 = arith.mulf %broadcast_in_dim3A_933, %mul3A_934 : vector<512x1xf32>
    %mul3A_936 = arith.mulf %mul3A_935, %mul3A_935 : vector<512x1xf32>
    %add3A_937 = arith.addf %add3A_894, %mul3A_936 : vector<512x1xf32>
    %neg3A_938 = arith.constant 0.000000e+00 : f32
    %neg3A_939 = vector.broadcast %neg3A_938 : f32 to vector<1x1xf32>
    %neg3A_940 = arith.subf %neg3A_939, %get3A_3 : vector<1x1xf32>
    %mul3A_941 = arith.constant 2.000000e+00 : f32
    %mul3A_942 = vector.broadcast %mul3A_941 : f32 to vector<1x1xf32>
    %mul3A_943 = arith.mulf %mul3A_942, %mul3A_380 : vector<1x1xf32>
    %add3A_944 = arith.addf %neg3A_940, %mul3A_943 : vector<1x1xf32>
    %mul3A_945 = arith.constant 5.000000e-01 : f32
    %mul3A_946 = vector.broadcast %mul3A_945 : f32 to vector<1x1xf32>
    %mul3A_947 = arith.mulf %mul3A_380, %mul3A_946 : vector<1x1xf32>
    %add3A_948 = arith.addf %add3A_944, %mul3A_947 : vector<1x1xf32>
    %neg3A_949 = arith.constant 0.000000e+00 : f32
    %neg3A_950 = vector.broadcast %neg3A_949 : f32 to vector<1x1xf32>
    %neg3A_951 = arith.subf %neg3A_950, %get3A_3 : vector<1x1xf32>
    %mul3A_952 = arith.constant 2.000000e+00 : f32
    %mul3A_953 = vector.broadcast %mul3A_952 : f32 to vector<1x1xf32>
    %mul3A_954 = arith.mulf %mul3A_953, %mul3A_380 : vector<1x1xf32>
    %add3A_955 = arith.addf %neg3A_951, %mul3A_954 : vector<1x1xf32>
    %mul3A_956 = arith.constant 5.000000e-01 : f32
    %mul3A_957 = vector.broadcast %mul3A_956 : f32 to vector<1x1xf32>
    %mul3A_958 = arith.mulf %mul3A_380, %mul3A_957 : vector<1x1xf32>
    %add3A_959 = arith.addf %add3A_955, %mul3A_958 : vector<1x1xf32>
    %mul3A_960 = arith.mulf %add3A_948, %add3A_948 : vector<1x1xf32>
    %mul3A_961 = arith.mulf %add3A_959, %add3A_959 : vector<1x1xf32>
    %add3A_962 = arith.addf %mul3A_960, %mul3A_961 : vector<1x1xf32>
    %add3A_963 = arith.constant 9.99999996E-13 : f32
    %add3A_964 = vector.broadcast %add3A_963 : f32 to vector<1x1xf32>
    %add3A_965 = arith.addf %add3A_962, %add3A_964 : vector<1x1xf32>
    %sqrt3A_966 = math.sqrt %add3A_965 : vector<1x1xf32>
    %sub3A_967 = arith.subf %get3A_3, %sqrt3A_966 : vector<1x1xf32>
    %eq3A_968 = arith.constant 12 : i32
    %eq3A_969 = vector.broadcast %eq3A_968 : i32 to vector<512x20xi32>
    %eq3A_970 = arith.cmpi eq, %add3A_423, %eq3A_969 : vector<512x20xi32>
    %convert_element_type3A_971 = arith.extui %eq3A_970 : vector<512x20xi1> to vector<512x20xi32>
    %convert_element_type3A_972 = arith.sitofp %convert_element_type3A_971 : vector<512x20xi32> to vector<512x20xf32>
    %mul3A_973 = arith.mulf %convert_element_type3A_403, %convert_element_type3A_972 : vector<512x20xf32>
    %reduce_sum3A_974 = arith.constant dense<0.000000e+00> : vector<512xf32>
    %reduce_sum3A_975 = vector.multi_reduction <add>, %mul3A_973, %reduce_sum3A_974 [1] : vector<512x20xf32> to vector<512xf32>
    %broadcast_in_dim3A_976 = vector.shape_cast %reduce_sum3A_975 : vector<512xf32> to vector<512x1xf32>
    %mul3A_977 = vector.broadcast %sub3A_967 : vector<1x1xf32> to vector<512x1xf32>
    %mul3A_978 = arith.mulf %broadcast_in_dim3A_976, %mul3A_977 : vector<512x1xf32>
    %mul3A_979 = arith.mulf %mul3A_978, %mul3A_978 : vector<512x1xf32>
    %add3A_980 = arith.addf %add3A_937, %mul3A_979 : vector<512x1xf32>
    %neg3A_981 = arith.constant 0.000000e+00 : f32
    %neg3A_982 = vector.broadcast %neg3A_981 : f32 to vector<1x1xf32>
    %neg3A_983 = arith.subf %neg3A_982, %get3A_3 : vector<1x1xf32>
    %mul3A_984 = arith.constant 3.000000e+00 : f32
    %mul3A_985 = vector.broadcast %mul3A_984 : f32 to vector<1x1xf32>
    %mul3A_986 = arith.mulf %mul3A_985, %mul3A_380 : vector<1x1xf32>
    %add3A_987 = arith.addf %neg3A_983, %mul3A_986 : vector<1x1xf32>
    %mul3A_988 = arith.constant 5.000000e-01 : f32
    %mul3A_989 = vector.broadcast %mul3A_988 : f32 to vector<1x1xf32>
    %mul3A_990 = arith.mulf %mul3A_380, %mul3A_989 : vector<1x1xf32>
    %add3A_991 = arith.addf %add3A_987, %mul3A_990 : vector<1x1xf32>
    %neg3A_992 = arith.constant 0.000000e+00 : f32
    %neg3A_993 = vector.broadcast %neg3A_992 : f32 to vector<1x1xf32>
    %neg3A_994 = arith.subf %neg3A_993, %get3A_3 : vector<1x1xf32>
    %mul3A_995 = arith.constant 2.000000e+00 : f32
    %mul3A_996 = vector.broadcast %mul3A_995 : f32 to vector<1x1xf32>
    %mul3A_997 = arith.mulf %mul3A_996, %mul3A_380 : vector<1x1xf32>
    %add3A_998 = arith.addf %neg3A_994, %mul3A_997 : vector<1x1xf32>
    %mul3A_999 = arith.constant 5.000000e-01 : f32
    %mul3A_1000 = vector.broadcast %mul3A_999 : f32 to vector<1x1xf32>
    %mul3A_1001 = arith.mulf %mul3A_380, %mul3A_1000 : vector<1x1xf32>
    %add3A_1002 = arith.addf %add3A_998, %mul3A_1001 : vector<1x1xf32>
    %mul3A_1003 = arith.mulf %add3A_991, %add3A_991 : vector<1x1xf32>
    %mul3A_1004 = arith.mulf %add3A_1002, %add3A_1002 : vector<1x1xf32>
    %add3A_1005 = arith.addf %mul3A_1003, %mul3A_1004 : vector<1x1xf32>
    %add3A_1006 = arith.constant 9.99999996E-13 : f32
    %add3A_1007 = vector.broadcast %add3A_1006 : f32 to vector<1x1xf32>
    %add3A_1008 = arith.addf %add3A_1005, %add3A_1007 : vector<1x1xf32>
    %sqrt3A_1009 = math.sqrt %add3A_1008 : vector<1x1xf32>
    %sub3A_1010 = arith.subf %get3A_3, %sqrt3A_1009 : vector<1x1xf32>
    %eq3A_1011 = arith.constant 13 : i32
    %eq3A_1012 = vector.broadcast %eq3A_1011 : i32 to vector<512x20xi32>
    %eq3A_1013 = arith.cmpi eq, %add3A_423, %eq3A_1012 : vector<512x20xi32>
    %convert_element_type3A_1014 = arith.extui %eq3A_1013 : vector<512x20xi1> to vector<512x20xi32>
    %convert_element_type3A_1015 = arith.sitofp %convert_element_type3A_1014 : vector<512x20xi32> to vector<512x20xf32>
    %mul3A_1016 = arith.mulf %convert_element_type3A_403, %convert_element_type3A_1015 : vector<512x20xf32>
    %reduce_sum3A_1017 = arith.constant dense<0.000000e+00> : vector<512xf32>
    %reduce_sum3A_1018 = vector.multi_reduction <add>, %mul3A_1016, %reduce_sum3A_1017 [1] : vector<512x20xf32> to vector<512xf32>
    %broadcast_in_dim3A_1019 = vector.shape_cast %reduce_sum3A_1018 : vector<512xf32> to vector<512x1xf32>
    %mul3A_1020 = vector.broadcast %sub3A_1010 : vector<1x1xf32> to vector<512x1xf32>
    %mul3A_1021 = arith.mulf %broadcast_in_dim3A_1019, %mul3A_1020 : vector<512x1xf32>
    %mul3A_1022 = arith.mulf %mul3A_1021, %mul3A_1021 : vector<512x1xf32>
    %add3A_1023 = arith.addf %add3A_980, %mul3A_1022 : vector<512x1xf32>
    %neg3A_1024 = arith.constant 0.000000e+00 : f32
    %neg3A_1025 = vector.broadcast %neg3A_1024 : f32 to vector<1x1xf32>
    %neg3A_1026 = arith.subf %neg3A_1025, %get3A_3 : vector<1x1xf32>
    %mul3A_1027 = arith.constant 4.000000e+00 : f32
    %mul3A_1028 = vector.broadcast %mul3A_1027 : f32 to vector<1x1xf32>
    %mul3A_1029 = arith.mulf %mul3A_1028, %mul3A_380 : vector<1x1xf32>
    %add3A_1030 = arith.addf %neg3A_1026, %mul3A_1029 : vector<1x1xf32>
    %mul3A_1031 = arith.constant 5.000000e-01 : f32
    %mul3A_1032 = vector.broadcast %mul3A_1031 : f32 to vector<1x1xf32>
    %mul3A_1033 = arith.mulf %mul3A_380, %mul3A_1032 : vector<1x1xf32>
    %add3A_1034 = arith.addf %add3A_1030, %mul3A_1033 : vector<1x1xf32>
    %neg3A_1035 = arith.constant 0.000000e+00 : f32
    %neg3A_1036 = vector.broadcast %neg3A_1035 : f32 to vector<1x1xf32>
    %neg3A_1037 = arith.subf %neg3A_1036, %get3A_3 : vector<1x1xf32>
    %mul3A_1038 = arith.constant 2.000000e+00 : f32
    %mul3A_1039 = vector.broadcast %mul3A_1038 : f32 to vector<1x1xf32>
    %mul3A_1040 = arith.mulf %mul3A_1039, %mul3A_380 : vector<1x1xf32>
    %add3A_1041 = arith.addf %neg3A_1037, %mul3A_1040 : vector<1x1xf32>
    %mul3A_1042 = arith.constant 5.000000e-01 : f32
    %mul3A_1043 = vector.broadcast %mul3A_1042 : f32 to vector<1x1xf32>
    %mul3A_1044 = arith.mulf %mul3A_380, %mul3A_1043 : vector<1x1xf32>
    %add3A_1045 = arith.addf %add3A_1041, %mul3A_1044 : vector<1x1xf32>
    %mul3A_1046 = arith.mulf %add3A_1034, %add3A_1034 : vector<1x1xf32>
    %mul3A_1047 = arith.mulf %add3A_1045, %add3A_1045 : vector<1x1xf32>
    %add3A_1048 = arith.addf %mul3A_1046, %mul3A_1047 : vector<1x1xf32>
    %add3A_1049 = arith.constant 9.99999996E-13 : f32
    %add3A_1050 = vector.broadcast %add3A_1049 : f32 to vector<1x1xf32>
    %add3A_1051 = arith.addf %add3A_1048, %add3A_1050 : vector<1x1xf32>
    %sqrt3A_1052 = math.sqrt %add3A_1051 : vector<1x1xf32>
    %sub3A_1053 = arith.subf %get3A_3, %sqrt3A_1052 : vector<1x1xf32>
    %eq3A_1054 = arith.constant 14 : i32
    %eq3A_1055 = vector.broadcast %eq3A_1054 : i32 to vector<512x20xi32>
    %eq3A_1056 = arith.cmpi eq, %add3A_423, %eq3A_1055 : vector<512x20xi32>
    %convert_element_type3A_1057 = arith.extui %eq3A_1056 : vector<512x20xi1> to vector<512x20xi32>
    %convert_element_type3A_1058 = arith.sitofp %convert_element_type3A_1057 : vector<512x20xi32> to vector<512x20xf32>
    %mul3A_1059 = arith.mulf %convert_element_type3A_403, %convert_element_type3A_1058 : vector<512x20xf32>
    %reduce_sum3A_1060 = arith.constant dense<0.000000e+00> : vector<512xf32>
    %reduce_sum3A_1061 = vector.multi_reduction <add>, %mul3A_1059, %reduce_sum3A_1060 [1] : vector<512x20xf32> to vector<512xf32>
    %broadcast_in_dim3A_1062 = vector.shape_cast %reduce_sum3A_1061 : vector<512xf32> to vector<512x1xf32>
    %mul3A_1063 = vector.broadcast %sub3A_1053 : vector<1x1xf32> to vector<512x1xf32>
    %mul3A_1064 = arith.mulf %broadcast_in_dim3A_1062, %mul3A_1063 : vector<512x1xf32>
    %mul3A_1065 = arith.mulf %mul3A_1064, %mul3A_1064 : vector<512x1xf32>
    %add3A_1066 = arith.addf %add3A_1023, %mul3A_1065 : vector<512x1xf32>
    %neg3A_1067 = arith.constant 0.000000e+00 : f32
    %neg3A_1068 = vector.broadcast %neg3A_1067 : f32 to vector<1x1xf32>
    %neg3A_1069 = arith.subf %neg3A_1068, %get3A_3 : vector<1x1xf32>
    %mul3A_1070 = arith.constant 0.000000e+00 : f32
    %mul3A_1071 = vector.broadcast %mul3A_1070 : f32 to vector<1x1xf32>
    %mul3A_1072 = arith.mulf %mul3A_1071, %mul3A_380 : vector<1x1xf32>
    %add3A_1073 = arith.addf %neg3A_1069, %mul3A_1072 : vector<1x1xf32>
    %mul3A_1074 = arith.constant 5.000000e-01 : f32
    %mul3A_1075 = vector.broadcast %mul3A_1074 : f32 to vector<1x1xf32>
    %mul3A_1076 = arith.mulf %mul3A_380, %mul3A_1075 : vector<1x1xf32>
    %add3A_1077 = arith.addf %add3A_1073, %mul3A_1076 : vector<1x1xf32>
    %neg3A_1078 = arith.constant 0.000000e+00 : f32
    %neg3A_1079 = vector.broadcast %neg3A_1078 : f32 to vector<1x1xf32>
    %neg3A_1080 = arith.subf %neg3A_1079, %get3A_3 : vector<1x1xf32>
    %mul3A_1081 = arith.constant 3.000000e+00 : f32
    %mul3A_1082 = vector.broadcast %mul3A_1081 : f32 to vector<1x1xf32>
    %mul3A_1083 = arith.mulf %mul3A_1082, %mul3A_380 : vector<1x1xf32>
    %add3A_1084 = arith.addf %neg3A_1080, %mul3A_1083 : vector<1x1xf32>
    %mul3A_1085 = arith.constant 5.000000e-01 : f32
    %mul3A_1086 = vector.broadcast %mul3A_1085 : f32 to vector<1x1xf32>
    %mul3A_1087 = arith.mulf %mul3A_380, %mul3A_1086 : vector<1x1xf32>
    %add3A_1088 = arith.addf %add3A_1084, %mul3A_1087 : vector<1x1xf32>
    %mul3A_1089 = arith.mulf %add3A_1077, %add3A_1077 : vector<1x1xf32>
    %mul3A_1090 = arith.mulf %add3A_1088, %add3A_1088 : vector<1x1xf32>
    %add3A_1091 = arith.addf %mul3A_1089, %mul3A_1090 : vector<1x1xf32>
    %add3A_1092 = arith.constant 9.99999996E-13 : f32
    %add3A_1093 = vector.broadcast %add3A_1092 : f32 to vector<1x1xf32>
    %add3A_1094 = arith.addf %add3A_1091, %add3A_1093 : vector<1x1xf32>
    %sqrt3A_1095 = math.sqrt %add3A_1094 : vector<1x1xf32>
    %sub3A_1096 = arith.subf %get3A_3, %sqrt3A_1095 : vector<1x1xf32>
    %eq3A_1097 = arith.constant 15 : i32
    %eq3A_1098 = vector.broadcast %eq3A_1097 : i32 to vector<512x20xi32>
    %eq3A_1099 = arith.cmpi eq, %add3A_423, %eq3A_1098 : vector<512x20xi32>
    %convert_element_type3A_1100 = arith.extui %eq3A_1099 : vector<512x20xi1> to vector<512x20xi32>
    %convert_element_type3A_1101 = arith.sitofp %convert_element_type3A_1100 : vector<512x20xi32> to vector<512x20xf32>
    %mul3A_1102 = arith.mulf %convert_element_type3A_403, %convert_element_type3A_1101 : vector<512x20xf32>
    %reduce_sum3A_1103 = arith.constant dense<0.000000e+00> : vector<512xf32>
    %reduce_sum3A_1104 = vector.multi_reduction <add>, %mul3A_1102, %reduce_sum3A_1103 [1] : vector<512x20xf32> to vector<512xf32>
    %broadcast_in_dim3A_1105 = vector.shape_cast %reduce_sum3A_1104 : vector<512xf32> to vector<512x1xf32>
    %mul3A_1106 = vector.broadcast %sub3A_1096 : vector<1x1xf32> to vector<512x1xf32>
    %mul3A_1107 = arith.mulf %broadcast_in_dim3A_1105, %mul3A_1106 : vector<512x1xf32>
    %mul3A_1108 = arith.mulf %mul3A_1107, %mul3A_1107 : vector<512x1xf32>
    %add3A_1109 = arith.addf %add3A_1066, %mul3A_1108 : vector<512x1xf32>
    %neg3A_1110 = arith.constant 0.000000e+00 : f32
    %neg3A_1111 = vector.broadcast %neg3A_1110 : f32 to vector<1x1xf32>
    %neg3A_1112 = arith.subf %neg3A_1111, %get3A_3 : vector<1x1xf32>
    %mul3A_1113 = arith.constant 1.000000e+00 : f32
    %mul3A_1114 = vector.broadcast %mul3A_1113 : f32 to vector<1x1xf32>
    %mul3A_1115 = arith.mulf %mul3A_1114, %mul3A_380 : vector<1x1xf32>
    %add3A_1116 = arith.addf %neg3A_1112, %mul3A_1115 : vector<1x1xf32>
    %mul3A_1117 = arith.constant 5.000000e-01 : f32
    %mul3A_1118 = vector.broadcast %mul3A_1117 : f32 to vector<1x1xf32>
    %mul3A_1119 = arith.mulf %mul3A_380, %mul3A_1118 : vector<1x1xf32>
    %add3A_1120 = arith.addf %add3A_1116, %mul3A_1119 : vector<1x1xf32>
    %neg3A_1121 = arith.constant 0.000000e+00 : f32
    %neg3A_1122 = vector.broadcast %neg3A_1121 : f32 to vector<1x1xf32>
    %neg3A_1123 = arith.subf %neg3A_1122, %get3A_3 : vector<1x1xf32>
    %mul3A_1124 = arith.constant 3.000000e+00 : f32
    %mul3A_1125 = vector.broadcast %mul3A_1124 : f32 to vector<1x1xf32>
    %mul3A_1126 = arith.mulf %mul3A_1125, %mul3A_380 : vector<1x1xf32>
    %add3A_1127 = arith.addf %neg3A_1123, %mul3A_1126 : vector<1x1xf32>
    %mul3A_1128 = arith.constant 5.000000e-01 : f32
    %mul3A_1129 = vector.broadcast %mul3A_1128 : f32 to vector<1x1xf32>
    %mul3A_1130 = arith.mulf %mul3A_380, %mul3A_1129 : vector<1x1xf32>
    %add3A_1131 = arith.addf %add3A_1127, %mul3A_1130 : vector<1x1xf32>
    %mul3A_1132 = arith.mulf %add3A_1120, %add3A_1120 : vector<1x1xf32>
    %mul3A_1133 = arith.mulf %add3A_1131, %add3A_1131 : vector<1x1xf32>
    %add3A_1134 = arith.addf %mul3A_1132, %mul3A_1133 : vector<1x1xf32>
    %add3A_1135 = arith.constant 9.99999996E-13 : f32
    %add3A_1136 = vector.broadcast %add3A_1135 : f32 to vector<1x1xf32>
    %add3A_1137 = arith.addf %add3A_1134, %add3A_1136 : vector<1x1xf32>
    %sqrt3A_1138 = math.sqrt %add3A_1137 : vector<1x1xf32>
    %sub3A_1139 = arith.subf %get3A_3, %sqrt3A_1138 : vector<1x1xf32>
    %eq3A_1140 = arith.constant 16 : i32
    %eq3A_1141 = vector.broadcast %eq3A_1140 : i32 to vector<512x20xi32>
    %eq3A_1142 = arith.cmpi eq, %add3A_423, %eq3A_1141 : vector<512x20xi32>
    %convert_element_type3A_1143 = arith.extui %eq3A_1142 : vector<512x20xi1> to vector<512x20xi32>
    %convert_element_type3A_1144 = arith.sitofp %convert_element_type3A_1143 : vector<512x20xi32> to vector<512x20xf32>
    %mul3A_1145 = arith.mulf %convert_element_type3A_403, %convert_element_type3A_1144 : vector<512x20xf32>
    %reduce_sum3A_1146 = arith.constant dense<0.000000e+00> : vector<512xf32>
    %reduce_sum3A_1147 = vector.multi_reduction <add>, %mul3A_1145, %reduce_sum3A_1146 [1] : vector<512x20xf32> to vector<512xf32>
    %broadcast_in_dim3A_1148 = vector.shape_cast %reduce_sum3A_1147 : vector<512xf32> to vector<512x1xf32>
    %mul3A_1149 = vector.broadcast %sub3A_1139 : vector<1x1xf32> to vector<512x1xf32>
    %mul3A_1150 = arith.mulf %broadcast_in_dim3A_1148, %mul3A_1149 : vector<512x1xf32>
    %mul3A_1151 = arith.mulf %mul3A_1150, %mul3A_1150 : vector<512x1xf32>
    %add3A_1152 = arith.addf %add3A_1109, %mul3A_1151 : vector<512x1xf32>
    %neg3A_1153 = arith.constant 0.000000e+00 : f32
    %neg3A_1154 = vector.broadcast %neg3A_1153 : f32 to vector<1x1xf32>
    %neg3A_1155 = arith.subf %neg3A_1154, %get3A_3 : vector<1x1xf32>
    %mul3A_1156 = arith.constant 2.000000e+00 : f32
    %mul3A_1157 = vector.broadcast %mul3A_1156 : f32 to vector<1x1xf32>
    %mul3A_1158 = arith.mulf %mul3A_1157, %mul3A_380 : vector<1x1xf32>
    %add3A_1159 = arith.addf %neg3A_1155, %mul3A_1158 : vector<1x1xf32>
    %mul3A_1160 = arith.constant 5.000000e-01 : f32
    %mul3A_1161 = vector.broadcast %mul3A_1160 : f32 to vector<1x1xf32>
    %mul3A_1162 = arith.mulf %mul3A_380, %mul3A_1161 : vector<1x1xf32>
    %add3A_1163 = arith.addf %add3A_1159, %mul3A_1162 : vector<1x1xf32>
    %neg3A_1164 = arith.constant 0.000000e+00 : f32
    %neg3A_1165 = vector.broadcast %neg3A_1164 : f32 to vector<1x1xf32>
    %neg3A_1166 = arith.subf %neg3A_1165, %get3A_3 : vector<1x1xf32>
    %mul3A_1167 = arith.constant 3.000000e+00 : f32
    %mul3A_1168 = vector.broadcast %mul3A_1167 : f32 to vector<1x1xf32>
    %mul3A_1169 = arith.mulf %mul3A_1168, %mul3A_380 : vector<1x1xf32>
    %add3A_1170 = arith.addf %neg3A_1166, %mul3A_1169 : vector<1x1xf32>
    %mul3A_1171 = arith.constant 5.000000e-01 : f32
    %mul3A_1172 = vector.broadcast %mul3A_1171 : f32 to vector<1x1xf32>
    %mul3A_1173 = arith.mulf %mul3A_380, %mul3A_1172 : vector<1x1xf32>
    %add3A_1174 = arith.addf %add3A_1170, %mul3A_1173 : vector<1x1xf32>
    %mul3A_1175 = arith.mulf %add3A_1163, %add3A_1163 : vector<1x1xf32>
    %mul3A_1176 = arith.mulf %add3A_1174, %add3A_1174 : vector<1x1xf32>
    %add3A_1177 = arith.addf %mul3A_1175, %mul3A_1176 : vector<1x1xf32>
    %add3A_1178 = arith.constant 9.99999996E-13 : f32
    %add3A_1179 = vector.broadcast %add3A_1178 : f32 to vector<1x1xf32>
    %add3A_1180 = arith.addf %add3A_1177, %add3A_1179 : vector<1x1xf32>
    %sqrt3A_1181 = math.sqrt %add3A_1180 : vector<1x1xf32>
    %sub3A_1182 = arith.subf %get3A_3, %sqrt3A_1181 : vector<1x1xf32>
    %eq3A_1183 = arith.constant 17 : i32
    %eq3A_1184 = vector.broadcast %eq3A_1183 : i32 to vector<512x20xi32>
    %eq3A_1185 = arith.cmpi eq, %add3A_423, %eq3A_1184 : vector<512x20xi32>
    %convert_element_type3A_1186 = arith.extui %eq3A_1185 : vector<512x20xi1> to vector<512x20xi32>
    %convert_element_type3A_1187 = arith.sitofp %convert_element_type3A_1186 : vector<512x20xi32> to vector<512x20xf32>
    %mul3A_1188 = arith.mulf %convert_element_type3A_403, %convert_element_type3A_1187 : vector<512x20xf32>
    %reduce_sum3A_1189 = arith.constant dense<0.000000e+00> : vector<512xf32>
    %reduce_sum3A_1190 = vector.multi_reduction <add>, %mul3A_1188, %reduce_sum3A_1189 [1] : vector<512x20xf32> to vector<512xf32>
    %broadcast_in_dim3A_1191 = vector.shape_cast %reduce_sum3A_1190 : vector<512xf32> to vector<512x1xf32>
    %mul3A_1192 = vector.broadcast %sub3A_1182 : vector<1x1xf32> to vector<512x1xf32>
    %mul3A_1193 = arith.mulf %broadcast_in_dim3A_1191, %mul3A_1192 : vector<512x1xf32>
    %mul3A_1194 = arith.mulf %mul3A_1193, %mul3A_1193 : vector<512x1xf32>
    %add3A_1195 = arith.addf %add3A_1152, %mul3A_1194 : vector<512x1xf32>
    %neg3A_1196 = arith.constant 0.000000e+00 : f32
    %neg3A_1197 = vector.broadcast %neg3A_1196 : f32 to vector<1x1xf32>
    %neg3A_1198 = arith.subf %neg3A_1197, %get3A_3 : vector<1x1xf32>
    %mul3A_1199 = arith.constant 3.000000e+00 : f32
    %mul3A_1200 = vector.broadcast %mul3A_1199 : f32 to vector<1x1xf32>
    %mul3A_1201 = arith.mulf %mul3A_1200, %mul3A_380 : vector<1x1xf32>
    %add3A_1202 = arith.addf %neg3A_1198, %mul3A_1201 : vector<1x1xf32>
    %mul3A_1203 = arith.constant 5.000000e-01 : f32
    %mul3A_1204 = vector.broadcast %mul3A_1203 : f32 to vector<1x1xf32>
    %mul3A_1205 = arith.mulf %mul3A_380, %mul3A_1204 : vector<1x1xf32>
    %add3A_1206 = arith.addf %add3A_1202, %mul3A_1205 : vector<1x1xf32>
    %neg3A_1207 = arith.constant 0.000000e+00 : f32
    %neg3A_1208 = vector.broadcast %neg3A_1207 : f32 to vector<1x1xf32>
    %neg3A_1209 = arith.subf %neg3A_1208, %get3A_3 : vector<1x1xf32>
    %mul3A_1210 = arith.constant 3.000000e+00 : f32
    %mul3A_1211 = vector.broadcast %mul3A_1210 : f32 to vector<1x1xf32>
    %mul3A_1212 = arith.mulf %mul3A_1211, %mul3A_380 : vector<1x1xf32>
    %add3A_1213 = arith.addf %neg3A_1209, %mul3A_1212 : vector<1x1xf32>
    %mul3A_1214 = arith.constant 5.000000e-01 : f32
    %mul3A_1215 = vector.broadcast %mul3A_1214 : f32 to vector<1x1xf32>
    %mul3A_1216 = arith.mulf %mul3A_380, %mul3A_1215 : vector<1x1xf32>
    %add3A_1217 = arith.addf %add3A_1213, %mul3A_1216 : vector<1x1xf32>
    %mul3A_1218 = arith.mulf %add3A_1206, %add3A_1206 : vector<1x1xf32>
    %mul3A_1219 = arith.mulf %add3A_1217, %add3A_1217 : vector<1x1xf32>
    %add3A_1220 = arith.addf %mul3A_1218, %mul3A_1219 : vector<1x1xf32>
    %add3A_1221 = arith.constant 9.99999996E-13 : f32
    %add3A_1222 = vector.broadcast %add3A_1221 : f32 to vector<1x1xf32>
    %add3A_1223 = arith.addf %add3A_1220, %add3A_1222 : vector<1x1xf32>
    %sqrt3A_1224 = math.sqrt %add3A_1223 : vector<1x1xf32>
    %sub3A_1225 = arith.subf %get3A_3, %sqrt3A_1224 : vector<1x1xf32>
    %eq3A_1226 = arith.constant 18 : i32
    %eq3A_1227 = vector.broadcast %eq3A_1226 : i32 to vector<512x20xi32>
    %eq3A_1228 = arith.cmpi eq, %add3A_423, %eq3A_1227 : vector<512x20xi32>
    %convert_element_type3A_1229 = arith.extui %eq3A_1228 : vector<512x20xi1> to vector<512x20xi32>
    %convert_element_type3A_1230 = arith.sitofp %convert_element_type3A_1229 : vector<512x20xi32> to vector<512x20xf32>
    %mul3A_1231 = arith.mulf %convert_element_type3A_403, %convert_element_type3A_1230 : vector<512x20xf32>
    %reduce_sum3A_1232 = arith.constant dense<0.000000e+00> : vector<512xf32>
    %reduce_sum3A_1233 = vector.multi_reduction <add>, %mul3A_1231, %reduce_sum3A_1232 [1] : vector<512x20xf32> to vector<512xf32>
    %broadcast_in_dim3A_1234 = vector.shape_cast %reduce_sum3A_1233 : vector<512xf32> to vector<512x1xf32>
    %mul3A_1235 = vector.broadcast %sub3A_1225 : vector<1x1xf32> to vector<512x1xf32>
    %mul3A_1236 = arith.mulf %broadcast_in_dim3A_1234, %mul3A_1235 : vector<512x1xf32>
    %mul3A_1237 = arith.mulf %mul3A_1236, %mul3A_1236 : vector<512x1xf32>
    %add3A_1238 = arith.addf %add3A_1195, %mul3A_1237 : vector<512x1xf32>
    %neg3A_1239 = arith.constant 0.000000e+00 : f32
    %neg3A_1240 = vector.broadcast %neg3A_1239 : f32 to vector<1x1xf32>
    %neg3A_1241 = arith.subf %neg3A_1240, %get3A_3 : vector<1x1xf32>
    %mul3A_1242 = arith.constant 4.000000e+00 : f32
    %mul3A_1243 = vector.broadcast %mul3A_1242 : f32 to vector<1x1xf32>
    %mul3A_1244 = arith.mulf %mul3A_1243, %mul3A_380 : vector<1x1xf32>
    %add3A_1245 = arith.addf %neg3A_1241, %mul3A_1244 : vector<1x1xf32>
    %mul3A_1246 = arith.constant 5.000000e-01 : f32
    %mul3A_1247 = vector.broadcast %mul3A_1246 : f32 to vector<1x1xf32>
    %mul3A_1248 = arith.mulf %mul3A_380, %mul3A_1247 : vector<1x1xf32>
    %add3A_1249 = arith.addf %add3A_1245, %mul3A_1248 : vector<1x1xf32>
    %neg3A_1250 = arith.constant 0.000000e+00 : f32
    %neg3A_1251 = vector.broadcast %neg3A_1250 : f32 to vector<1x1xf32>
    %neg3A_1252 = arith.subf %neg3A_1251, %get3A_3 : vector<1x1xf32>
    %mul3A_1253 = arith.constant 3.000000e+00 : f32
    %mul3A_1254 = vector.broadcast %mul3A_1253 : f32 to vector<1x1xf32>
    %mul3A_1255 = arith.mulf %mul3A_1254, %mul3A_380 : vector<1x1xf32>
    %add3A_1256 = arith.addf %neg3A_1252, %mul3A_1255 : vector<1x1xf32>
    %mul3A_1257 = arith.constant 5.000000e-01 : f32
    %mul3A_1258 = vector.broadcast %mul3A_1257 : f32 to vector<1x1xf32>
    %mul3A_1259 = arith.mulf %mul3A_380, %mul3A_1258 : vector<1x1xf32>
    %add3A_1260 = arith.addf %add3A_1256, %mul3A_1259 : vector<1x1xf32>
    %mul3A_1261 = arith.mulf %add3A_1249, %add3A_1249 : vector<1x1xf32>
    %mul3A_1262 = arith.mulf %add3A_1260, %add3A_1260 : vector<1x1xf32>
    %add3A_1263 = arith.addf %mul3A_1261, %mul3A_1262 : vector<1x1xf32>
    %add3A_1264 = arith.constant 9.99999996E-13 : f32
    %add3A_1265 = vector.broadcast %add3A_1264 : f32 to vector<1x1xf32>
    %add3A_1266 = arith.addf %add3A_1263, %add3A_1265 : vector<1x1xf32>
    %sqrt3A_1267 = math.sqrt %add3A_1266 : vector<1x1xf32>
    %sub3A_1268 = arith.subf %get3A_3, %sqrt3A_1267 : vector<1x1xf32>
    %eq3A_1269 = arith.constant 19 : i32
    %eq3A_1270 = vector.broadcast %eq3A_1269 : i32 to vector<512x20xi32>
    %eq3A_1271 = arith.cmpi eq, %add3A_423, %eq3A_1270 : vector<512x20xi32>
    %convert_element_type3A_1272 = arith.extui %eq3A_1271 : vector<512x20xi1> to vector<512x20xi32>
    %convert_element_type3A_1273 = arith.sitofp %convert_element_type3A_1272 : vector<512x20xi32> to vector<512x20xf32>
    %mul3A_1274 = arith.mulf %convert_element_type3A_403, %convert_element_type3A_1273 : vector<512x20xf32>
    %reduce_sum3A_1275 = arith.constant dense<0.000000e+00> : vector<512xf32>
    %reduce_sum3A_1276 = vector.multi_reduction <add>, %mul3A_1274, %reduce_sum3A_1275 [1] : vector<512x20xf32> to vector<512xf32>
    %broadcast_in_dim3A_1277 = vector.shape_cast %reduce_sum3A_1276 : vector<512xf32> to vector<512x1xf32>
    %mul3A_1278 = vector.broadcast %sub3A_1268 : vector<1x1xf32> to vector<512x1xf32>
    %mul3A_1279 = arith.mulf %broadcast_in_dim3A_1277, %mul3A_1278 : vector<512x1xf32>
    %mul3A_1280 = arith.mulf %mul3A_1279, %mul3A_1279 : vector<512x1xf32>
    %add3A_1281 = arith.addf %add3A_1238, %mul3A_1280 : vector<512x1xf32>
    %neg3A_1282 = arith.constant 0.000000e+00 : f32
    %neg3A_1283 = vector.broadcast %neg3A_1282 : f32 to vector<1x1xf32>
    %neg3A_1284 = arith.subf %neg3A_1283, %get3A_3 : vector<1x1xf32>
    %mul3A_1285 = arith.constant 0.000000e+00 : f32
    %mul3A_1286 = vector.broadcast %mul3A_1285 : f32 to vector<1x1xf32>
    %mul3A_1287 = arith.mulf %mul3A_1286, %mul3A_380 : vector<1x1xf32>
    %add3A_1288 = arith.addf %neg3A_1284, %mul3A_1287 : vector<1x1xf32>
    %mul3A_1289 = arith.constant 5.000000e-01 : f32
    %mul3A_1290 = vector.broadcast %mul3A_1289 : f32 to vector<1x1xf32>
    %mul3A_1291 = arith.mulf %mul3A_380, %mul3A_1290 : vector<1x1xf32>
    %add3A_1292 = arith.addf %add3A_1288, %mul3A_1291 : vector<1x1xf32>
    %neg3A_1293 = arith.constant 0.000000e+00 : f32
    %neg3A_1294 = vector.broadcast %neg3A_1293 : f32 to vector<1x1xf32>
    %neg3A_1295 = arith.subf %neg3A_1294, %get3A_3 : vector<1x1xf32>
    %mul3A_1296 = arith.constant 4.000000e+00 : f32
    %mul3A_1297 = vector.broadcast %mul3A_1296 : f32 to vector<1x1xf32>
    %mul3A_1298 = arith.mulf %mul3A_1297, %mul3A_380 : vector<1x1xf32>
    %add3A_1299 = arith.addf %neg3A_1295, %mul3A_1298 : vector<1x1xf32>
    %mul3A_1300 = arith.constant 5.000000e-01 : f32
    %mul3A_1301 = vector.broadcast %mul3A_1300 : f32 to vector<1x1xf32>
    %mul3A_1302 = arith.mulf %mul3A_380, %mul3A_1301 : vector<1x1xf32>
    %add3A_1303 = arith.addf %add3A_1299, %mul3A_1302 : vector<1x1xf32>
    %mul3A_1304 = arith.mulf %add3A_1292, %add3A_1292 : vector<1x1xf32>
    %mul3A_1305 = arith.mulf %add3A_1303, %add3A_1303 : vector<1x1xf32>
    %add3A_1306 = arith.addf %mul3A_1304, %mul3A_1305 : vector<1x1xf32>
    %add3A_1307 = arith.constant 9.99999996E-13 : f32
    %add3A_1308 = vector.broadcast %add3A_1307 : f32 to vector<1x1xf32>
    %add3A_1309 = arith.addf %add3A_1306, %add3A_1308 : vector<1x1xf32>
    %sqrt3A_1310 = math.sqrt %add3A_1309 : vector<1x1xf32>
    %sub3A_1311 = arith.subf %get3A_3, %sqrt3A_1310 : vector<1x1xf32>
    %eq3A_1312 = arith.constant 20 : i32
    %eq3A_1313 = vector.broadcast %eq3A_1312 : i32 to vector<512x20xi32>
    %eq3A_1314 = arith.cmpi eq, %add3A_423, %eq3A_1313 : vector<512x20xi32>
    %convert_element_type3A_1315 = arith.extui %eq3A_1314 : vector<512x20xi1> to vector<512x20xi32>
    %convert_element_type3A_1316 = arith.sitofp %convert_element_type3A_1315 : vector<512x20xi32> to vector<512x20xf32>
    %mul3A_1317 = arith.mulf %convert_element_type3A_403, %convert_element_type3A_1316 : vector<512x20xf32>
    %reduce_sum3A_1318 = arith.constant dense<0.000000e+00> : vector<512xf32>
    %reduce_sum3A_1319 = vector.multi_reduction <add>, %mul3A_1317, %reduce_sum3A_1318 [1] : vector<512x20xf32> to vector<512xf32>
    %broadcast_in_dim3A_1320 = vector.shape_cast %reduce_sum3A_1319 : vector<512xf32> to vector<512x1xf32>
    %mul3A_1321 = vector.broadcast %sub3A_1311 : vector<1x1xf32> to vector<512x1xf32>
    %mul3A_1322 = arith.mulf %broadcast_in_dim3A_1320, %mul3A_1321 : vector<512x1xf32>
    %mul3A_1323 = arith.mulf %mul3A_1322, %mul3A_1322 : vector<512x1xf32>
    %add3A_1324 = arith.addf %add3A_1281, %mul3A_1323 : vector<512x1xf32>
    %neg3A_1325 = arith.constant 0.000000e+00 : f32
    %neg3A_1326 = vector.broadcast %neg3A_1325 : f32 to vector<1x1xf32>
    %neg3A_1327 = arith.subf %neg3A_1326, %get3A_3 : vector<1x1xf32>
    %mul3A_1328 = arith.constant 1.000000e+00 : f32
    %mul3A_1329 = vector.broadcast %mul3A_1328 : f32 to vector<1x1xf32>
    %mul3A_1330 = arith.mulf %mul3A_1329, %mul3A_380 : vector<1x1xf32>
    %add3A_1331 = arith.addf %neg3A_1327, %mul3A_1330 : vector<1x1xf32>
    %mul3A_1332 = arith.constant 5.000000e-01 : f32
    %mul3A_1333 = vector.broadcast %mul3A_1332 : f32 to vector<1x1xf32>
    %mul3A_1334 = arith.mulf %mul3A_380, %mul3A_1333 : vector<1x1xf32>
    %add3A_1335 = arith.addf %add3A_1331, %mul3A_1334 : vector<1x1xf32>
    %neg3A_1336 = arith.constant 0.000000e+00 : f32
    %neg3A_1337 = vector.broadcast %neg3A_1336 : f32 to vector<1x1xf32>
    %neg3A_1338 = arith.subf %neg3A_1337, %get3A_3 : vector<1x1xf32>
    %mul3A_1339 = arith.constant 4.000000e+00 : f32
    %mul3A_1340 = vector.broadcast %mul3A_1339 : f32 to vector<1x1xf32>
    %mul3A_1341 = arith.mulf %mul3A_1340, %mul3A_380 : vector<1x1xf32>
    %add3A_1342 = arith.addf %neg3A_1338, %mul3A_1341 : vector<1x1xf32>
    %mul3A_1343 = arith.constant 5.000000e-01 : f32
    %mul3A_1344 = vector.broadcast %mul3A_1343 : f32 to vector<1x1xf32>
    %mul3A_1345 = arith.mulf %mul3A_380, %mul3A_1344 : vector<1x1xf32>
    %add3A_1346 = arith.addf %add3A_1342, %mul3A_1345 : vector<1x1xf32>
    %mul3A_1347 = arith.mulf %add3A_1335, %add3A_1335 : vector<1x1xf32>
    %mul3A_1348 = arith.mulf %add3A_1346, %add3A_1346 : vector<1x1xf32>
    %add3A_1349 = arith.addf %mul3A_1347, %mul3A_1348 : vector<1x1xf32>
    %add3A_1350 = arith.constant 9.99999996E-13 : f32
    %add3A_1351 = vector.broadcast %add3A_1350 : f32 to vector<1x1xf32>
    %add3A_1352 = arith.addf %add3A_1349, %add3A_1351 : vector<1x1xf32>
    %sqrt3A_1353 = math.sqrt %add3A_1352 : vector<1x1xf32>
    %sub3A_1354 = arith.subf %get3A_3, %sqrt3A_1353 : vector<1x1xf32>
    %eq3A_1355 = arith.constant 21 : i32
    %eq3A_1356 = vector.broadcast %eq3A_1355 : i32 to vector<512x20xi32>
    %eq3A_1357 = arith.cmpi eq, %add3A_423, %eq3A_1356 : vector<512x20xi32>
    %convert_element_type3A_1358 = arith.extui %eq3A_1357 : vector<512x20xi1> to vector<512x20xi32>
    %convert_element_type3A_1359 = arith.sitofp %convert_element_type3A_1358 : vector<512x20xi32> to vector<512x20xf32>
    %mul3A_1360 = arith.mulf %convert_element_type3A_403, %convert_element_type3A_1359 : vector<512x20xf32>
    %reduce_sum3A_1361 = arith.constant dense<0.000000e+00> : vector<512xf32>
    %reduce_sum3A_1362 = vector.multi_reduction <add>, %mul3A_1360, %reduce_sum3A_1361 [1] : vector<512x20xf32> to vector<512xf32>
    %broadcast_in_dim3A_1363 = vector.shape_cast %reduce_sum3A_1362 : vector<512xf32> to vector<512x1xf32>
    %mul3A_1364 = vector.broadcast %sub3A_1354 : vector<1x1xf32> to vector<512x1xf32>
    %mul3A_1365 = arith.mulf %broadcast_in_dim3A_1363, %mul3A_1364 : vector<512x1xf32>
    %mul3A_1366 = arith.mulf %mul3A_1365, %mul3A_1365 : vector<512x1xf32>
    %add3A_1367 = arith.addf %add3A_1324, %mul3A_1366 : vector<512x1xf32>
    %neg3A_1368 = arith.constant 0.000000e+00 : f32
    %neg3A_1369 = vector.broadcast %neg3A_1368 : f32 to vector<1x1xf32>
    %neg3A_1370 = arith.subf %neg3A_1369, %get3A_3 : vector<1x1xf32>
    %mul3A_1371 = arith.constant 2.000000e+00 : f32
    %mul3A_1372 = vector.broadcast %mul3A_1371 : f32 to vector<1x1xf32>
    %mul3A_1373 = arith.mulf %mul3A_1372, %mul3A_380 : vector<1x1xf32>
    %add3A_1374 = arith.addf %neg3A_1370, %mul3A_1373 : vector<1x1xf32>
    %mul3A_1375 = arith.constant 5.000000e-01 : f32
    %mul3A_1376 = vector.broadcast %mul3A_1375 : f32 to vector<1x1xf32>
    %mul3A_1377 = arith.mulf %mul3A_380, %mul3A_1376 : vector<1x1xf32>
    %add3A_1378 = arith.addf %add3A_1374, %mul3A_1377 : vector<1x1xf32>
    %neg3A_1379 = arith.constant 0.000000e+00 : f32
    %neg3A_1380 = vector.broadcast %neg3A_1379 : f32 to vector<1x1xf32>
    %neg3A_1381 = arith.subf %neg3A_1380, %get3A_3 : vector<1x1xf32>
    %mul3A_1382 = arith.constant 4.000000e+00 : f32
    %mul3A_1383 = vector.broadcast %mul3A_1382 : f32 to vector<1x1xf32>
    %mul3A_1384 = arith.mulf %mul3A_1383, %mul3A_380 : vector<1x1xf32>
    %add3A_1385 = arith.addf %neg3A_1381, %mul3A_1384 : vector<1x1xf32>
    %mul3A_1386 = arith.constant 5.000000e-01 : f32
    %mul3A_1387 = vector.broadcast %mul3A_1386 : f32 to vector<1x1xf32>
    %mul3A_1388 = arith.mulf %mul3A_380, %mul3A_1387 : vector<1x1xf32>
    %add3A_1389 = arith.addf %add3A_1385, %mul3A_1388 : vector<1x1xf32>
    %mul3A_1390 = arith.mulf %add3A_1378, %add3A_1378 : vector<1x1xf32>
    %mul3A_1391 = arith.mulf %add3A_1389, %add3A_1389 : vector<1x1xf32>
    %add3A_1392 = arith.addf %mul3A_1390, %mul3A_1391 : vector<1x1xf32>
    %add3A_1393 = arith.constant 9.99999996E-13 : f32
    %add3A_1394 = vector.broadcast %add3A_1393 : f32 to vector<1x1xf32>
    %add3A_1395 = arith.addf %add3A_1392, %add3A_1394 : vector<1x1xf32>
    %sqrt3A_1396 = math.sqrt %add3A_1395 : vector<1x1xf32>
    %sub3A_1397 = arith.subf %get3A_3, %sqrt3A_1396 : vector<1x1xf32>
    %eq3A_1398 = arith.constant 22 : i32
    %eq3A_1399 = vector.broadcast %eq3A_1398 : i32 to vector<512x20xi32>
    %eq3A_1400 = arith.cmpi eq, %add3A_423, %eq3A_1399 : vector<512x20xi32>
    %convert_element_type3A_1401 = arith.extui %eq3A_1400 : vector<512x20xi1> to vector<512x20xi32>
    %convert_element_type3A_1402 = arith.sitofp %convert_element_type3A_1401 : vector<512x20xi32> to vector<512x20xf32>
    %mul3A_1403 = arith.mulf %convert_element_type3A_403, %convert_element_type3A_1402 : vector<512x20xf32>
    %reduce_sum3A_1404 = arith.constant dense<0.000000e+00> : vector<512xf32>
    %reduce_sum3A_1405 = vector.multi_reduction <add>, %mul3A_1403, %reduce_sum3A_1404 [1] : vector<512x20xf32> to vector<512xf32>
    %broadcast_in_dim3A_1406 = vector.shape_cast %reduce_sum3A_1405 : vector<512xf32> to vector<512x1xf32>
    %mul3A_1407 = vector.broadcast %sub3A_1397 : vector<1x1xf32> to vector<512x1xf32>
    %mul3A_1408 = arith.mulf %broadcast_in_dim3A_1406, %mul3A_1407 : vector<512x1xf32>
    %mul3A_1409 = arith.mulf %mul3A_1408, %mul3A_1408 : vector<512x1xf32>
    %add3A_1410 = arith.addf %add3A_1367, %mul3A_1409 : vector<512x1xf32>
    %neg3A_1411 = arith.constant 0.000000e+00 : f32
    %neg3A_1412 = vector.broadcast %neg3A_1411 : f32 to vector<1x1xf32>
    %neg3A_1413 = arith.subf %neg3A_1412, %get3A_3 : vector<1x1xf32>
    %mul3A_1414 = arith.constant 3.000000e+00 : f32
    %mul3A_1415 = vector.broadcast %mul3A_1414 : f32 to vector<1x1xf32>
    %mul3A_1416 = arith.mulf %mul3A_1415, %mul3A_380 : vector<1x1xf32>
    %add3A_1417 = arith.addf %neg3A_1413, %mul3A_1416 : vector<1x1xf32>
    %mul3A_1418 = arith.constant 5.000000e-01 : f32
    %mul3A_1419 = vector.broadcast %mul3A_1418 : f32 to vector<1x1xf32>
    %mul3A_1420 = arith.mulf %mul3A_380, %mul3A_1419 : vector<1x1xf32>
    %add3A_1421 = arith.addf %add3A_1417, %mul3A_1420 : vector<1x1xf32>
    %neg3A_1422 = arith.constant 0.000000e+00 : f32
    %neg3A_1423 = vector.broadcast %neg3A_1422 : f32 to vector<1x1xf32>
    %neg3A_1424 = arith.subf %neg3A_1423, %get3A_3 : vector<1x1xf32>
    %mul3A_1425 = arith.constant 4.000000e+00 : f32
    %mul3A_1426 = vector.broadcast %mul3A_1425 : f32 to vector<1x1xf32>
    %mul3A_1427 = arith.mulf %mul3A_1426, %mul3A_380 : vector<1x1xf32>
    %add3A_1428 = arith.addf %neg3A_1424, %mul3A_1427 : vector<1x1xf32>
    %mul3A_1429 = arith.constant 5.000000e-01 : f32
    %mul3A_1430 = vector.broadcast %mul3A_1429 : f32 to vector<1x1xf32>
    %mul3A_1431 = arith.mulf %mul3A_380, %mul3A_1430 : vector<1x1xf32>
    %add3A_1432 = arith.addf %add3A_1428, %mul3A_1431 : vector<1x1xf32>
    %mul3A_1433 = arith.mulf %add3A_1421, %add3A_1421 : vector<1x1xf32>
    %mul3A_1434 = arith.mulf %add3A_1432, %add3A_1432 : vector<1x1xf32>
    %add3A_1435 = arith.addf %mul3A_1433, %mul3A_1434 : vector<1x1xf32>
    %add3A_1436 = arith.constant 9.99999996E-13 : f32
    %add3A_1437 = vector.broadcast %add3A_1436 : f32 to vector<1x1xf32>
    %add3A_1438 = arith.addf %add3A_1435, %add3A_1437 : vector<1x1xf32>
    %sqrt3A_1439 = math.sqrt %add3A_1438 : vector<1x1xf32>
    %sub3A_1440 = arith.subf %get3A_3, %sqrt3A_1439 : vector<1x1xf32>
    %eq3A_1441 = arith.constant 23 : i32
    %eq3A_1442 = vector.broadcast %eq3A_1441 : i32 to vector<512x20xi32>
    %eq3A_1443 = arith.cmpi eq, %add3A_423, %eq3A_1442 : vector<512x20xi32>
    %convert_element_type3A_1444 = arith.extui %eq3A_1443 : vector<512x20xi1> to vector<512x20xi32>
    %convert_element_type3A_1445 = arith.sitofp %convert_element_type3A_1444 : vector<512x20xi32> to vector<512x20xf32>
    %mul3A_1446 = arith.mulf %convert_element_type3A_403, %convert_element_type3A_1445 : vector<512x20xf32>
    %reduce_sum3A_1447 = arith.constant dense<0.000000e+00> : vector<512xf32>
    %reduce_sum3A_1448 = vector.multi_reduction <add>, %mul3A_1446, %reduce_sum3A_1447 [1] : vector<512x20xf32> to vector<512xf32>
    %broadcast_in_dim3A_1449 = vector.shape_cast %reduce_sum3A_1448 : vector<512xf32> to vector<512x1xf32>
    %mul3A_1450 = vector.broadcast %sub3A_1440 : vector<1x1xf32> to vector<512x1xf32>
    %mul3A_1451 = arith.mulf %broadcast_in_dim3A_1449, %mul3A_1450 : vector<512x1xf32>
    %mul3A_1452 = arith.mulf %mul3A_1451, %mul3A_1451 : vector<512x1xf32>
    %add3A_1453 = arith.addf %add3A_1410, %mul3A_1452 : vector<512x1xf32>
    %neg3A_1454 = arith.constant 0.000000e+00 : f32
    %neg3A_1455 = vector.broadcast %neg3A_1454 : f32 to vector<1x1xf32>
    %neg3A_1456 = arith.subf %neg3A_1455, %get3A_3 : vector<1x1xf32>
    %mul3A_1457 = arith.constant 4.000000e+00 : f32
    %mul3A_1458 = vector.broadcast %mul3A_1457 : f32 to vector<1x1xf32>
    %mul3A_1459 = arith.mulf %mul3A_1458, %mul3A_380 : vector<1x1xf32>
    %add3A_1460 = arith.addf %neg3A_1456, %mul3A_1459 : vector<1x1xf32>
    %mul3A_1461 = arith.constant 5.000000e-01 : f32
    %mul3A_1462 = vector.broadcast %mul3A_1461 : f32 to vector<1x1xf32>
    %mul3A_1463 = arith.mulf %mul3A_380, %mul3A_1462 : vector<1x1xf32>
    %add3A_1464 = arith.addf %add3A_1460, %mul3A_1463 : vector<1x1xf32>
    %neg3A_1465 = arith.constant 0.000000e+00 : f32
    %neg3A_1466 = vector.broadcast %neg3A_1465 : f32 to vector<1x1xf32>
    %neg3A_1467 = arith.subf %neg3A_1466, %get3A_3 : vector<1x1xf32>
    %mul3A_1468 = arith.constant 4.000000e+00 : f32
    %mul3A_1469 = vector.broadcast %mul3A_1468 : f32 to vector<1x1xf32>
    %mul3A_1470 = arith.mulf %mul3A_1469, %mul3A_380 : vector<1x1xf32>
    %add3A_1471 = arith.addf %neg3A_1467, %mul3A_1470 : vector<1x1xf32>
    %mul3A_1472 = arith.constant 5.000000e-01 : f32
    %mul3A_1473 = vector.broadcast %mul3A_1472 : f32 to vector<1x1xf32>
    %mul3A_1474 = arith.mulf %mul3A_380, %mul3A_1473 : vector<1x1xf32>
    %add3A_1475 = arith.addf %add3A_1471, %mul3A_1474 : vector<1x1xf32>
    %mul3A_1476 = arith.mulf %add3A_1464, %add3A_1464 : vector<1x1xf32>
    %mul3A_1477 = arith.mulf %add3A_1475, %add3A_1475 : vector<1x1xf32>
    %add3A_1478 = arith.addf %mul3A_1476, %mul3A_1477 : vector<1x1xf32>
    %add3A_1479 = arith.constant 9.99999996E-13 : f32
    %add3A_1480 = vector.broadcast %add3A_1479 : f32 to vector<1x1xf32>
    %add3A_1481 = arith.addf %add3A_1478, %add3A_1480 : vector<1x1xf32>
    %sqrt3A_1482 = math.sqrt %add3A_1481 : vector<1x1xf32>
    %sub3A_1483 = arith.subf %get3A_3, %sqrt3A_1482 : vector<1x1xf32>
    %eq3A_1484 = arith.constant 24 : i32
    %eq3A_1485 = vector.broadcast %eq3A_1484 : i32 to vector<512x20xi32>
    %eq3A_1486 = arith.cmpi eq, %add3A_423, %eq3A_1485 : vector<512x20xi32>
    %convert_element_type3A_1487 = arith.extui %eq3A_1486 : vector<512x20xi1> to vector<512x20xi32>
    %convert_element_type3A_1488 = arith.sitofp %convert_element_type3A_1487 : vector<512x20xi32> to vector<512x20xf32>
    %mul3A_1489 = arith.mulf %convert_element_type3A_403, %convert_element_type3A_1488 : vector<512x20xf32>
    %reduce_sum3A_1490 = arith.constant dense<0.000000e+00> : vector<512xf32>
    %reduce_sum3A_1491 = vector.multi_reduction <add>, %mul3A_1489, %reduce_sum3A_1490 [1] : vector<512x20xf32> to vector<512xf32>
    %broadcast_in_dim3A_1492 = vector.shape_cast %reduce_sum3A_1491 : vector<512xf32> to vector<512x1xf32>
    %mul3A_1493 = vector.broadcast %sub3A_1483 : vector<1x1xf32> to vector<512x1xf32>
    %mul3A_1494 = arith.mulf %broadcast_in_dim3A_1492, %mul3A_1493 : vector<512x1xf32>
    %mul3A_1495 = arith.mulf %mul3A_1494, %mul3A_1494 : vector<512x1xf32>
    %add3A_1496 = arith.addf %add3A_1453, %mul3A_1495 : vector<512x1xf32>
    %add3A_1497 = arith.constant 9.99999996E-13 : f32
    %add3A_1498 = vector.broadcast %add3A_1497 : f32 to vector<512x1xf32>
    %add3A_1499 = arith.addf %add3A_1496, %add3A_1498 : vector<512x1xf32>
    %sqrt3A_1500 = math.sqrt %add3A_1499 : vector<512x1xf32>
    %div3A_1501 = arith.constant 1.000000e+00 : f32
    %div3A_1502 = vector.broadcast %div3A_1501 : f32 to vector<512x1xf32>
    %div3A_1503 = arith.divf %div3A_1502, %sqrt3A_1500 : vector<512x1xf32>
    %concatenate3A = tpu.concatenate %mul3A_463, %mul3A_505, %mul3A_548, %mul3A_591, %mul3A_634, %mul3A_677, %mul3A_720, %mul3A_763, %mul3A_806, %mul3A_849, %mul3A_892, %mul3A_935, %mul3A_978, %mul3A_1021, %mul3A_1064, %mul3A_1107, %mul3A_1150, %mul3A_1193, %mul3A_1236, %mul3A_1279, %mul3A_1322, %mul3A_1365, %mul3A_1408, %mul3A_1451, %mul3A_1494 in 1 : vector<512x1xf32>, vector<512x1xf32>, vector<512x1xf32>, vector<512x1xf32>, vector<512x1xf32>, vector<512x1xf32>, vector<512x1xf32>, vector<512x1xf32>, vector<512x1xf32>, vector<512x1xf32>, vector<512x1xf32>, vector<512x1xf32>, vector<512x1xf32>, vector<512x1xf32>, vector<512x1xf32>, vector<512x1xf32>, vector<512x1xf32>, vector<512x1xf32>, vector<512x1xf32>, vector<512x1xf32>, vector<512x1xf32>, vector<512x1xf32>, vector<512x1xf32>, vector<512x1xf32>, vector<512x1xf32> -> vector<512x25xf32>
    %mul3A_1504 = vector.broadcast %div3A_1503 : vector<512x1xf32> to vector<512x25xf32>
    %mul3A_1505 = arith.mulf %concatenate3A, %mul3A_1504 : vector<512x25xf32>
    %swap3A = arith.constant 0 : index
    %swap3A_1506 = arith.constant 0 : index
    %swap3A_1507 = arith.constant 0 : index
    %swap3A_1508 = vector.load %arg10[%swap3A, %swap3A_1506, %swap3A_1507] : memref<1x512x25xf32, #tpu.memory_space<vmem>>, vector<1x512x25xf32>
    %swap3A_1509 = vector.shape_cast %swap3A_1508 : vector<1x512x25xf32> to vector<512x25xf32>
    %swap3A_1510 = vector.shape_cast %mul3A_1505 : vector<512x25xf32> to vector<1x512x25xf32>
    tpu.vector_store %arg10[%swap3A, %swap3A_1506, %swap3A_1507], %swap3A_1510 {strides = array<i32>} : memref<1x512x25xf32, #tpu.memory_space<vmem>>, vector<1x512x25xf32>,
    return
  }
  func.func @transform_0(%arg0: i32, %arg1: i32) -> (i32, i32, i32) {
    %c0_i32 = arith.constant 0 : i32
    %c0_i32_0 = arith.constant 0 : i32
    return %arg0, %arg1, %c0_i32 : i32, i32, i32
  }
  func.func @transform_1(%arg0: i32, %arg1: i32) -> (i32, i32, i32) {
    %c0_i32 = arith.constant 0 : i32
    %c0_i32_0 = arith.constant 0 : i32
    return %arg0, %arg1, %c0_i32 : i32, i32, i32
  }
  func.func @transform_2(%arg0: i32, %arg1: i32) -> (i32, i32, i32) {
    %c0_i32 = arith.constant 0 : i32
    %c0_i32_0 = arith.constant 0 : i32
    return %arg0, %arg1, %c0_i32 : i32, i32, i32
  }
  func.func @transform_3(%arg0: i32, %arg1: i32) -> (i32, i32, i32) {
    %c0_i32 = arith.constant 0 : i32
    %c0_i32_0 = arith.constant 0 : i32
    return %arg0, %arg1, %c0_i32 : i32, i32, i32
  }
  func.func @transform_4(%arg0: i32, %arg1: i32) -> (i32, i32, i32) {
    %c0_i32 = arith.constant 0 : i32
    %c0_i32_0 = arith.constant 0 : i32
    return %arg0, %arg1, %c0_i32 : i32, i32, i32
  }
  func.func @transform_5(%arg0: i32, %arg1: i32) -> (i32, i32, i32) {
    %c0_i32 = arith.constant 0 : i32
    %c0_i32_0 = arith.constant 0 : i32
    %c0_i32_1 = arith.constant 0 : i32
    return %arg0, %c0_i32, %c0_i32_0 : i32, i32, i32
  }
  func.func @transform_6(%arg0: i32, %arg1: i32) -> (i32, i32, i32) {
    %c0_i32 = arith.constant 0 : i32
    %c0_i32_0 = arith.constant 0 : i32
    return %arg0, %arg1, %c0_i32 : i32, i32, i32
  }
  func.func @transform_7(%arg0: i32, %arg1: i32) -> (i32, i32, i32) {
    %c0_i32 = arith.constant 0 : i32
    %c0_i32_0 = arith.constant 0 : i32
    return %arg0, %arg1, %c0_i32 : i32, i32, i32
  }
  func.func @transform_8(%arg0: i32, %arg1: i32) -> (i32, i32, i32) {
    %c0_i32 = arith.constant 0 : i32
    %c0_i32_0 = arith.constant 0 : i32
    return %arg0, %arg1, %c0_i32 : i32, i32, i32
  }
}

</mosaic_0001>

<sc_bundles>
// kernel: kernel.6.cloned.1.call-start
scs
__scs_entry_jumppad:
0x0: {  	(pc) =	sbr.rel $0x88, $3  }
0x1: {  	(tag) =	ssettag $0x0;
	lr =	simm.s32 $0x1  }
0x2: {  	[smem:$0x3FA0] =	sst lr;
	_ =	strace $0xD0000000  }
0x3: {  	_ = 	snop  }
0x4: {  	_ = 	snop  }
0x5: {  	_ = 	snop  }
0x6: {  	_ = 	snop  }
0x7: {  	_ = 	snop  }
__scs_overlays_trampoline_lowered:
0x8: {  	[smem:$0x3FAF] =	sst s0  }
0x9: {  	[smem:$0x3FB0] =	sst s1  }
0xa: {  	[smem:$0x3FB1] =	sst s2  }
0xb: {  	[smem:$0x3FB2] =	sst s3  }
0xc: {  	[smem:$0x3FB3] =	sst s4  }
0xd: {  	[smem:$0x3FB4] =	sst s5  }
0xe: {  	[smem:$0x3FB5] =	sst s6  }
0xf: {  	[smem:$0x3FB6] =	sst s7  }
0x10: {  	[smem:$0x3FB7] =	sst s8  }
0x11: {  	[smem:$0x3FB8] =	sst s9;
	s0 =	simm.s32 @!p0 $0x0  }
0x12: {  	s1 =	sld [smem:$0x3F9E];
	s0 =	simm.s32 @p0 $0x1  }
0x13: {  	[smem:$0x3FB9] =	sst s0;
	s0 =	simm.s32 @!p1 $0x0  }
0x14: {  	s2 =	sld [smem:$0x3F9D];
	s0 =	simm.s32 @p1 $0x1  }
0x15: {  	[smem:$0x3FBA] =	sst s0;
	s0 =	simm.s32 @!p2 $0x0  }
0x16: {  	s3 =	sld [smem:$0x3FDB];
	s0 =	simm.s32 @p2 $0x1  }
0x17: {  	s4 =	simm.s32 $0x1BF5;
	[smem:$0x3FBC] =	sst s0  }
0x18: {  	s0 =	sld [smem:$0x3F9F];
	_ =	swait.ge [sflag:s4], $0x0  }
0x19: {  	s7 =	sld [smem:$0x3FA0]  }
0x1a: {  	s8 =	sadd.s32 $0xFFFFE003, lr  }
0x1b: {  	s9 =	sadd.s32 $0xFFFFFEF7, lr;
	s5 =	simm.s32 $0xFFFFFFFF;
	p2 =	slt.u32 s8, $0xFFFFF086  }
0x1c: {  	p1 =	slt.u32 s9, $0xF7A;
	s5 =	simm.s32 @!p2 $0x0  }
0x1d: {  	s5 =	simm.s32 @p1 $0x1;
	p0 =	seq.s32 s7, s2  }
0x1e: {  	s7 =	smul.u32 @!p0 $0xF7A, s2;
	p2 =	seq.s32 @!p0 s5, $0x0  }
0x1f: {  	s9 =	smul.u32 $0xF7A, s1;
	s8 =	simm.s32 @!p0 $0x1BF5;
	p2 =	por !p2, p0  }
0x20: {  	[sflag:s8] =	ssyncset.s32 @!p0 $0xFFFFF086;
	s6 =	sadd.s32 @!p0 s3, s7;
	s7 =	simm.s32 @!p0 $0x108  }
0x21: {  	s3 =	sadd.s32 s3, s9;
	s6 =	sadd.s32 @!p0 $0x88, s6;
	s7 =	simm.s32 @p2 $0x1082  }
0x22: {  	[simem:s7], [sflag:s8] =	dma.local @!p0 [hbm:s6], $0xF7A  }
0x23: {  	s9 =	sor.u32 $0xD0000000, s2;
	s6 =	simm.s32 $0x108;
	_ =	swait.ge @!p0 [sflag:s8], $0x0  }
0x24: {  	s3 =	sadd.s32 $0x88, s3;
	s6 =	simm.s32 @!p1 $0x1082;
	[sflag:s4] =	ssyncset.s32 $0xFFFFF086  }
0x25: {  	[simem:s6], [sflag:s4] =	dma.local [hbm:s3], $0xF7A  }
0x26: {  	[smem:$0x3FA0] =	sst s1;
	(tag) =	ssettag s2;
	_ =	strace s9  }
0x27: {  	s1 =	sld [smem:$0x3FB0]  }
0x28: {  	s2 =	sld [smem:$0x3FB1]  }
0x29: {  	s4 =	sld [smem:$0x3FB3]  }
0x2a: {  	p0 =	seq.s32 s5, $0x0;
	s5 =	sld [smem:$0x3FB4]  }
0x2b: {  	s6 =	sld [smem:$0x3FB5]  }
0x2c: {  	s7 =	sld [smem:$0x3FB6]  }
0x2d: {  	s3 =	simm.s32 $0x108;
	s8 =	sld [smem:$0x3FB7]  }
0x2e: {  	s3 =	simm.s32 @!p0 $0x1082;
	s9 =	sld [smem:$0x3FB8]  }
0x2f: {  	lr =	sadd.s32 s0, s3;
	s0 =	sld [smem:$0x3FAF]  }
0x30: {  	s3 =	sld [smem:$0x3FB2]  }
0x31: {  	[smem:$0x3FBB] =	sst s10  }
0x32: {  	s10 =	sld [smem:$0x3FB9];
	_ =	sdelay $0x3  }
0x33: {  	p0 =	seq.s32 s10, $0x1;
	s10 =	sld [smem:$0x3FBB];
	_ =	sdelay $0x3  }
0x34: {  	[smem:$0x3FBB] =	sst s10  }
0x35: {  	s10 =	sld [smem:$0x3FBA];
	_ =	sdelay $0x3  }
0x36: {  	p1 =	seq.s32 s10, $0x1;
	s10 =	sld [smem:$0x3FBB];
	_ =	sdelay $0x3  }
0x37: {  	[smem:$0x3FBB] =	sst s10  }
0x38: {  	s10 =	sld [smem:$0x3FBC]  }
0x39: {  	_ = 	snop;
	(pc) =	sbr.ind lr, $3  }
0x3a: {  	_ = 	snop  }
0x3b: {  	_ = 	snop  }
0x3c: {  	p2 =	seq.s32 s10, $0x1;
	s10 =	sld [smem:$0x3FBB]  }
0x3d: {  	_ =	shalt  }
0x3e: {  	_ =	shalt  }
0x3f: {  	_ =	shalt  }
0x40: {  	_ =	shalt  }
0x41: {  	_ =	shalt  }
0x42: {  	_ =	shalt  }
0x43: {  	_ =	shalt  }
0x44: {  	_ =	shalt  }
0x45: {  	_ =	shalt  }
0x46: {  	_ =	shalt  }
0x47: {  	_ =	shalt  }
0x48: {  	_ =	shalt  }
0x49: {  	_ =	shalt  }
0x4a: {  	_ =	shalt  }
0x4b: {  	_ =	shalt  }
0x4c: {  	_ =	shalt  }
0x4d: {  	_ =	shalt  }
0x4e: {  	_ =	shalt  }
0x4f: {  	_ =	shalt  }
0x50: {  	_ =	shalt  }
0x51: {  	_ =	shalt  }
0x52: {  	_ =	shalt  }
0x53: {  	_ =	shalt  }
0x54: {  	_ =	shalt  }
0x55: {  	_ =	shalt  }
0x56: {  	_ =	shalt  }
0x57: {  	_ =	shalt  }
0x58: {  	_ =	shalt  }
0x59: {  	_ =	shalt  }
0x5a: {  	_ =	shalt  }
0x5b: {  	_ =	shalt  }
0x5c: {  	_ =	shalt  }
0x5d: {  	_ =	shalt  }
0x5e: {  	_ =	shalt  }
0x5f: {  	_ =	shalt  }
0x60: {  	_ =	shalt  }
0x61: {  	_ =	shalt  }
0x62: {  	_ =	shalt  }
0x63: {  	_ =	shalt  }
0x64: {  	_ =	shalt  }
0x65: {  	_ =	shalt  }
0x66: {  	_ =	shalt  }
0x67: {  	_ =	shalt  }
0x68: {  	_ =	shalt  }
0x69: {  	_ =	shalt  }
0x6a: {  	_ =	shalt  }
0x6b: {  	_ =	shalt  }
0x6c: {  	_ =	shalt  }
0x6d: {  	_ =	shalt  }
0x6e: {  	_ =	shalt  }
0x6f: {  	_ =	shalt  }
0x70: {  	_ =	shalt  }
0x71: {  	_ =	shalt  }
0x72: {  	_ =	shalt  }
0x73: {  	_ =	shalt  }
0x74: {  	_ =	shalt  }
0x75: {  	_ =	shalt  }
0x76: {  	_ =	shalt  }
0x77: {  	_ =	shalt  }
0x78: {  	_ =	shalt  }
0x79: {  	_ =	shalt  }
0x7a: {  	_ =	shalt  }
0x7b: {  	_ =	shalt  }
0x7c: {  	_ =	shalt  }
0x7d: {  	_ =	shalt  }
0x7e: {  	_ =	shalt  }
0x7f: {  	_ =	shalt  }
0x80: {  	_ =	shalt  }
0x81: {  	_ =	shalt  }
0x82: {  	_ =	shalt  }
0x83: {  	_ =	shalt  }
0x84: {  	_ =	shalt  }
0x85: {  	_ =	shalt  }
0x86: {  	_ =	shalt  }
0x87: {  	_ =	shalt  }
.Lfunc_end0:
.L_simem_size_0:
called_computation_lowered:
.L_overlay_start_0:
0x88: {  	s2 =	sld [smem:$0x3FD9]  }
0x89: {  	s3 =	sld [smem:$0x3FFE];
	_ =	sdelay $0x1  }
0x8a: {  	s1 =	srdreg.scid  }
0x8b: {  	s0 =	sand.u32 $0x1, s1  }
0x8c: {  	s17 =	sshll.u32 s0, $0xA;
	s2 =	sadd.s32 s3, s2  }
0x8d: {  	s2 =	sadd.s32 s2, s17  }
0x8e: {  	[smem:$0x3FC7] =	sst s2  }
0x8f: {  	_ = 	snop  }
0x90: {  	s2 =	sld [smem:$0x3FD0];
	(tm) =	ssettm $0x1  }
0x91: {  	s18 =	sld [smem:$0x3FFB];
	_ =	sdelay $0x3  }
0x92: {  	_ =	strace s18  }
0x93: {  	s3 =	sld [smem:$0x3FFC];
	_ =	sdelay $0x3  }
0x94: {  	_ =	strace s3  }
0x95: {  	s3 =	sld [smem:$0x3FFD];
	_ =	sdelay $0x3  }
0x96: {  	_ =	strace s3  }
0x97: {  	_ =	strace $0x8FFFFFFF  }
0x98: {  	s19 =	sld [smem:$0x3FDB];
	_ =	sdelay $0x1  }
0x99: {  	s4 =	simm.s32 $_scs_section_size  }
0x9a: {  	s5 =	simm.s32 $_size__tile_overlayer_lowered;
	s6 =	simm.s32 $_tile_overlayer_lowered  }
0x9b: {  	s22 =	simm.s32 $0x1BFF;
	s21 =	sshll.u32 s6, $0x1;
	s3 =	sadd.s32 s4, s19  }
0x9c: {  	s7 =	simm.s32 $0x0;
	s20 =	sshll.u32 s5, $0x1;
	s5 =	sadd.s32 s21, s3  }
0x9d: {  	[timem:s7], [sflag:s22] =	dma.local [hbm:s5], s20  }
0x9e: {  	_ =	swait.ge [sflag:s22], s20  }
0x9f: {  	s4 =	ssub.s32 $0x0, s20;
	[sflag:s22] =	ssyncset.done $0x0  }
0xa0: {  	[sflag:s22] =	ssyncadd.s32 s4;
	_ =	sdelay $0x1  }
0xa1: {  	s23 =	simm.s32 $0x1B8B  }
0xa2: {  	_ =	swait.ge [sflag:s23], $0x1  }
0xa3: {  	[sflag:s23] =	ssyncset.done $0x0  }
0xa4: {  	s25 =	simm.s32 $0x1B8E;
	s24 =	sld [smem:$0x3FFE];
	[sflag:s23] =	ssyncadd.s32 $0xFFFFFFFF  }
0xa5: {  	s26 =	simm.s32 $execute0_lowered;
	[smem:$0x3FD2] =	sst s25  }
0xa6: {  	s5 =	sshll.u32 s26, $0x1;
	_ =	strace $0x80000046;
	[dreg:$0x1] =	wrdreg $0xFFFFFFFF  }
0xa7: {  	s28 =	simm.s32 $_size_execute0_lowered;
	s3 =	sadd.s32 s3, s5;
	[dreg:$0x0] =	wrdreg $0x0  }
0xa8: {  	s5 =	sshll.u32 s28, $0x1;
	[dreg:$0x2] =	wrdreg s3  }
0xa9: {  	[dreg:$0x3] =	wrdreg s5  }
0xaa: {  	[dreg:$0x4] =	wrdreg $0xC0  }
0xab: {  	_ =	task [dreg:s7], $0x5FFFF  }
0xac: {  	[dreg:$0x1] =	wrdreg $0xFFFFFFFF  }
0xad: {  	[dreg:$0x0] =	wrdreg $0x60  }
0xae: {  	[dreg:$0x2] =	wrdreg s24  }
0xaf: {  	[dreg:$0x3] =	wrdreg s2  }
0xb0: {  	[dreg:$0x4] =	wrdreg $0x9  }
0xb1: {  	_ =	task.clear_ibuf [dreg:s7], $0x5FFFF;
	_ =	strace $0x90000046  }
0xb2: {  	s29 =	simm.s32 $0x9;
	_ =	strace $0x80000048  }
0xb3: {  	_ =	swait.ge [sflag:s29], $0x1  }
0xb4: {  	[sflag:s29] =	ssyncadd.s32 $0xFFFFFFFF  }
0xb5: {  	_ =	strace $0x90000048  }
0xb6: {  	_ =	sfence  }
0xb7: {  	s30 =	sld [smem:$0x0];
	_ =	sdelay $0x2  }
0xb8: {  	s31 =	sshll.u32 s1, $0xD;
	s1 =	sshrl.u32 s1, $0x2  }
0xb9: {  	s3 =	sand.u32 $0x4000, s31;
	s1 =	sadd.s32 s1, s30  }
0xba: {  	s0 =	sor.u32 s3, s0;
	s1 =	sshll.u32 s1, $0x11  }
0xbb: {  	s0 =	sor.u32 s1, s0  }
0xbc: {  	s0 =	sadd.s32 $0x8F2B, s0  }
0xbd: {  	[sflag:s0] =	ssyncadd.remote.s32 $0x1  }
0xbe: {  	_ =	sfence.sel $0xFFFF  }
0xbf: {  	[dreg:$0x0] =	wrdreg $0xFFFFFFFF;
	(pc) =	sbr.abs _section_cstart, $3  }
0xc0: {  	[dreg:$0x1] =	wrdreg $0xFFFFFFFF  }
0xc1: {  	_ =	task.clear_ibuf [dreg:s7], $0x2FFFF;
	_ =	strace $0x9FFFFFFF  }
0xc2: {  	(tm) =	ssettm $0x7FFFFFFF  }
0xc3: {  	_ =	shalt  }
tec
execute0_lowered:
.L_overlay_start_1:
0x0: {  	(tag) =	ssettag $0x1  }
0x1: {  	s0 =	rddreg [dreg:$0x0]  }
0x2: {  	s1 =	rddreg [dreg:$0x1];
	s2 =	simm.s32 $0x0  }
0x3: {  	s3 =	srdreg.scid;
	s4 =	stileid.u32;
	s24 =	simm.s32 $0x80  }
0x4: {  	s28 =	simm.s32 $0x3000;
	s29 =	simm.s32 $0x3A00;
	s30 =	simm.s32 $0x4400  }
0x5: {  	s31 =	simm.s32 $0x4E00;
	[smem:$0x7FF] =	sst s2;
	s3 =	sand.u32 $0x1, s3  }
0x6: {  	s4 =	sshll.u32 s4, $0x1;
	s5 =	sadd.s32 $0x41A00, s0;
	s20 =	sadd.s32 $0x8D200, s0  }
0x7: {  	s21 =	sadd.s32 $0x97200, s0;
	s22 =	sadd.s32 $0x83200, s0;
	s8 =	sadd.s32 $0x41A10, s0  }
0x8: {  	s13 =	sadd.s32 $0x41A20, s0;
	s18 =	sadd.s32 $0x41A30, s0;
	s4 =	sor.u32 s3, s4  }
0x9: {  	s0 =	simm.s32 $0x0;
	s3 =	ssub.s32 $0x2, s3;
	s4 =	smul.u32 $0x500, s4  }
0xa: {  	_ =	strace $0x80000047;
	[dreg:$0x3] =	wrdreg s5;
	s25 =	sshrl.u32 s3, $0x1  }
0xb: {  	s3 =	ssub.s32 s3, s25;
	s25 =	simm.s32 $0x200;
	s26 =	sadd.s32 s1, s4  }
0xc: {  	s5 =	sadd.s32 s20, s4;
	s6 =	sadd.s32 s21, s4;
	s12 =	sor.u32 $0x10, s4  }
0xd: {  	s7 =	sadd.s32 s22, s4;
	s17 =	sor.u32 $0x20, s4;
	s4 =	sor.u32 $0x30, s4  }
0xe: {  	s23 =	smax.u32 s3, $0x1;
	[dreg:$0x4] =	wrdreg s26;
	s9 =	sadd.s32 s1, s12  }
0xf: {  	s10 =	sadd.s32 s20, s12;
	s11 =	sadd.s32 s21, s12;
	s12 =	sadd.s32 s22, s12  }
0x10: {  	s14 =	sadd.s32 s1, s17;
	s15 =	sadd.s32 s20, s17;
	s16 =	sadd.s32 s21, s17  }
0x11: {  	s17 =	sadd.s32 s22, s17;
	s19 =	sadd.s32 s1, s4;
	s20 =	sadd.s32 s20, s4  }
0x12: {  	s21 =	sadd.s32 s21, s4;
	s22 =	sadd.s32 s22, s4;
	s26 =	simm.s32 $0x1  }
.LBB2_1:
0x13: {  	s1 =	rddreg [dreg:$0x3]  }
0x14: {  	[tilespmem:s2], [sflag:$0x1] =	stream.strided.gather [hbm4b:s1+s24], $0x3000, s25, s24, $0x38;
	[tilespmem:$0x5800] =	vst v63  }
0x15: {  	_ =	swait.ge [sflag:s26], $0x3000  }
0x16: {  	[sflag:s26] =	ssyncset.done $0x0  }
0x17: {  	s4 =	rddreg [dreg:$0x4];
	[sflag:s26] =	ssyncadd.s32 $0xFFFFD000  }
0x18: {  	[tilespmem:s28], [sflag:$0x1] =	stream.strided.gather [hbm4b:s4+s24], $0xA00, s25, s24, $0x38;
	[tilespmem:$0x5800] =	vst v63  }
0x19: {  	_ =	swait.ge [sflag:s26], $0xA00  }
0x1a: {  	[sflag:s26] =	ssyncset.done $0x0  }
0x1b: {  	s1 =	simm.s32 $0x0;
	[sflag:s26] =	ssyncadd.s32 $0xFFFFF600  }
0x1c: {  	v0 =	vld [tilespmem:s1+$0x3000];
	_ =	sdelay $0x4  }
0x1d: {  	v1 =	vmul.u32 $0x3, v0;
	_ =	sdelay $0x5  }
0x1e: {  	v0 =	vld.idx.msk [tilespmem:v1+s2+$0x0], $0xffff  }
0x1f: {  	v2 =	vadd.s32 $0x1, v1;
	_ =	sdelay $0x3  }
0x20: {  	[tilespmem:s1+$0x3A00] =	vst v0  }
0x21: {  	v0 =	vld.idx.msk [tilespmem:v2+s2+$0x0], $0xffff  }
0x22: {  	s3 =	simm.s32 $0x80;
	s4 =	simm.s32 $0x10;
	v1 =	vadd.s32 $0x2, v1  }
.LBB2_2:
0x23: {  	p0 =	sne.s32 s3, $0x27C0;
	v2 =	vld [tilespmem:s4+$0x3000];
	_ =	sdelay $0x2  }
0x24: {  	[tilespmem:s1+$0x4400] =	vst v0  }
0x25: {  	v0 =	vld.idx.msk [tilespmem:v1+s2+$0x0], $0xffff  }
0x26: {  	v1 =	vmul.u32 $0x3, v2;
	_ =	sdelay $0x4  }
0x27: {  	[tilespmem:s1+$0x4E00] =	vst v0;
	s1 =	smov.u32 s4  }
0x28: {  	v0 =	vld.idx.msk [tilespmem:v1+s2+$0x0], $0xffff;
	_ =	sdelay $0x1  }
0x29: {  	v2 =	vadd.s32 $0x1, v1;
	_ =	sdelay $0x2  }
.Ltmp0:
0x2a: {  	(pc) =	sbr.rel @p0 .LBB2_2-.Ltmp0, $3  }
0x2b: {  	[tilespmem:s1+$0x3A00] =	vst v0  }
0x2c: {  	v0 =	vld.idx.msk [tilespmem:v2+s2+$0x0], $0xffff;
	_ =	sdelay $0x1  }
0x2d: {  	s4 =	sshra.s32 s3, $0x2;
	s3 =	sadd.s32 $0x40, s3;
	v1 =	vadd.s32 $0x2, v1  }
0x2e: {  	v2 =	vld [tilespmem:s4+$0x3000];
	_ =	sdelay $0x3  }
0x2f: {  	[tilespmem:s1+$0x4400] =	vst v0  }
0x30: {  	v0 =	vld.idx.msk [tilespmem:v1+s2+$0x0], $0xffff;
	v1 =	vmul.u32 $0x3, v2;
	_ =	sdelay $0x4  }
0x31: {  	[tilespmem:s1+$0x4E00] =	vst v0  }
0x32: {  	v0 =	vld.idx.msk [tilespmem:v1+s2+$0x0], $0xffff  }
0x33: {  	v2 =	vadd.s32 $0x1, v1;
	_ =	sdelay $0x3  }
0x34: {  	[tilespmem:s4+$0x3A00] =	vst v0  }
0x35: {  	v0 =	vld.idx.msk [tilespmem:v2+s2+$0x0], $0xffff  }
0x36: {  	v1 =	vadd.s32 $0x2, v1;
	_ =	sdelay $0x3  }
0x37: {  	[tilespmem:s4+$0x4400] =	vst v0  }
0x38: {  	v0 =	vld.idx.msk [tilespmem:v1+s2+$0x0], $0xffff;
	_ =	sdelay $0x4  }
0x39: {  	[tilespmem:s4+$0x4E00] =	vst v0  }
0x3a: {  	[hbm4b:s5+s24] =	stream.strided.scatter [tilespmem:s29], [sflag:$0x1], $0xA00, s25, s24, $0x38;
	[tilespmem:$0x5800] =	vst v63  }
0x3b: {  	_ =	swait.ge [sflag:s26], $0xA00  }
0x3c: {  	[sflag:s26] =	ssyncset.done $0x0  }
0x3d: {  	[sflag:s26] =	ssyncadd.s32 $0xFFFFF600  }
0x3e: {  	[hbm4b:s6+s24] =	stream.strided.scatter [tilespmem:s30], [sflag:$0x1], $0xA00, s25, s24, $0x38;
	[tilespmem:$0x5800] =	vst v63  }
0x3f: {  	_ =	swait.ge [sflag:s26], $0xA00  }
0x40: {  	[sflag:s26] =	ssyncset.done $0x0  }
0x41: {  	[sflag:s26] =	ssyncadd.s32 $0xFFFFF600  }
0x42: {  	[hbm4b:s7+s24] =	stream.strided.scatter [tilespmem:s31], [sflag:$0x1], $0xA00, s25, s24, $0x38;
	[tilespmem:$0x5800] =	vst v63  }
0x43: {  	_ =	swait.ge [sflag:s26], $0xA00  }
0x44: {  	[sflag:s26] =	ssyncset.done $0x0  }
0x45: {  	s4 =	simm.s32 $0x0;
	[sflag:s26] =	ssyncadd.s32 $0xFFFFF600  }
0x46: {  	[tilespmem:s4], [sflag:$0x1] =	stream.strided.gather [hbm4b:s8+s24], $0x3000, s25, s24, $0x38;
	[tilespmem:$0x5800] =	vst v63  }
0x47: {  	_ =	swait.ge [sflag:s26], $0x3000  }
0x48: {  	[sflag:s26] =	ssyncset.done $0x0  }
0x49: {  	[sflag:s26] =	ssyncadd.s32 $0xFFFFD000  }
0x4a: {  	[tilespmem:s28], [sflag:$0x1] =	stream.strided.gather [hbm4b:s9+s24], $0xA00, s25, s24, $0x38;
	[tilespmem:$0x5800] =	vst v63  }
0x4b: {  	_ =	swait.ge [sflag:s26], $0xA00  }
0x4c: {  	[sflag:s26] =	ssyncset.done $0x0  }
0x4d: {  	s1 =	simm.s32 $0x0;
	[sflag:s26] =	ssyncadd.s32 $0xFFFFF600  }
0x4e: {  	v0 =	vld [tilespmem:s1+$0x3000];
	_ =	sdelay $0x4  }
0x4f: {  	v1 =	vmul.u32 $0x3, v0;
	_ =	sdelay $0x5  }
0x50: {  	v0 =	vld.idx.msk [tilespmem:v1+s2+$0x0], $0xffff  }
0x51: {  	v2 =	vadd.s32 $0x1, v1;
	_ =	sdelay $0x3  }
0x52: {  	[tilespmem:s1+$0x3A00] =	vst v0  }
0x53: {  	v0 =	vld.idx.msk [tilespmem:v2+s2+$0x0], $0xffff  }
0x54: {  	s3 =	simm.s32 $0x80;
	s4 =	simm.s32 $0x10;
	v1 =	vadd.s32 $0x2, v1  }
.LBB2_4:
0x55: {  	p0 =	sne.s32 s3, $0x27C0;
	v2 =	vld [tilespmem:s4+$0x3000];
	_ =	sdelay $0x2  }
0x56: {  	[tilespmem:s1+$0x4400] =	vst v0  }
0x57: {  	v0 =	vld.idx.msk [tilespmem:v1+s2+$0x0], $0xffff  }
0x58: {  	v1 =	vmul.u32 $0x3, v2;
	_ =	sdelay $0x4  }
0x59: {  	[tilespmem:s1+$0x4E00] =	vst v0;
	s1 =	smov.u32 s4  }
0x5a: {  	v0 =	vld.idx.msk [tilespmem:v1+s2+$0x0], $0xffff;
	_ =	sdelay $0x1  }
0x5b: {  	v2 =	vadd.s32 $0x1, v1;
	_ =	sdelay $0x2  }
.Ltmp1:
0x5c: {  	(pc) =	sbr.rel @p0 .LBB2_4-.Ltmp1, $3  }
0x5d: {  	[tilespmem:s1+$0x3A00] =	vst v0  }
0x5e: {  	v0 =	vld.idx.msk [tilespmem:v2+s2+$0x0], $0xffff;
	_ =	sdelay $0x1  }
0x5f: {  	s4 =	sshra.s32 s3, $0x2;
	s3 =	sadd.s32 $0x40, s3;
	v1 =	vadd.s32 $0x2, v1  }
0x60: {  	v2 =	vld [tilespmem:s4+$0x3000];
	_ =	sdelay $0x3  }
0x61: {  	[tilespmem:s1+$0x4400] =	vst v0  }
0x62: {  	v0 =	vld.idx.msk [tilespmem:v1+s2+$0x0], $0xffff;
	v1 =	vmul.u32 $0x3, v2;
	_ =	sdelay $0x4  }
0x63: {  	[tilespmem:s1+$0x4E00] =	vst v0  }
0x64: {  	v0 =	vld.idx.msk [tilespmem:v1+s2+$0x0], $0xffff  }
0x65: {  	v2 =	vadd.s32 $0x1, v1;
	_ =	sdelay $0x3  }
0x66: {  	[tilespmem:s4+$0x3A00] =	vst v0  }
0x67: {  	v0 =	vld.idx.msk [tilespmem:v2+s2+$0x0], $0xffff  }
0x68: {  	v1 =	vadd.s32 $0x2, v1;
	_ =	sdelay $0x3  }
0x69: {  	[tilespmem:s4+$0x4400] =	vst v0  }
0x6a: {  	v0 =	vld.idx.msk [tilespmem:v1+s2+$0x0], $0xffff;
	_ =	sdelay $0x4  }
0x6b: {  	[tilespmem:s4+$0x4E00] =	vst v0  }
0x6c: {  	[hbm4b:s10+s24] =	stream.strided.scatter [tilespmem:s29], [sflag:$0x1], $0xA00, s25, s24, $0x38;
	[tilespmem:$0x5800] =	vst v63  }
0x6d: {  	_ =	swait.ge [sflag:s26], $0xA00  }
0x6e: {  	[sflag:s26] =	ssyncset.done $0x0  }
0x6f: {  	[sflag:s26] =	ssyncadd.s32 $0xFFFFF600  }
0x70: {  	[hbm4b:s11+s24] =	stream.strided.scatter [tilespmem:s30], [sflag:$0x1], $0xA00, s25, s24, $0x38;
	[tilespmem:$0x5800] =	vst v63  }
0x71: {  	_ =	swait.ge [sflag:s26], $0xA00  }
0x72: {  	[sflag:s26] =	ssyncset.done $0x0  }
0x73: {  	[sflag:s26] =	ssyncadd.s32 $0xFFFFF600  }
0x74: {  	[hbm4b:s12+s24] =	stream.strided.scatter [tilespmem:s31], [sflag:$0x1], $0xA00, s25, s24, $0x38;
	[tilespmem:$0x5800] =	vst v63  }
0x75: {  	_ =	swait.ge [sflag:s26], $0xA00  }
0x76: {  	[sflag:s26] =	ssyncset.done $0x0  }
0x77: {  	s4 =	simm.s32 $0x0;
	[sflag:s26] =	ssyncadd.s32 $0xFFFFF600  }
0x78: {  	[tilespmem:s4], [sflag:$0x1] =	stream.strided.gather [hbm4b:s13+s24], $0x3000, s25, s24, $0x38;
	[tilespmem:$0x5800] =	vst v63  }
0x79: {  	_ =	swait.ge [sflag:s26], $0x3000  }
0x7a: {  	[sflag:s26] =	ssyncset.done $0x0  }
0x7b: {  	[sflag:s26] =	ssyncadd.s32 $0xFFFFD000  }
0x7c: {  	[tilespmem:s28], [sflag:$0x1] =	stream.strided.gather [hbm4b:s14+s24], $0xA00, s25, s24, $0x38;
	[tilespmem:$0x5800] =	vst v63  }
0x7d: {  	_ =	swait.ge [sflag:s26], $0xA00  }
0x7e: {  	[sflag:s26] =	ssyncset.done $0x0  }
0x7f: {  	s1 =	simm.s32 $0x0;
	[sflag:s26] =	ssyncadd.s32 $0xFFFFF600  }
0x80: {  	v0 =	vld [tilespmem:s1+$0x3000];
	_ =	sdelay $0x4  }
0x81: {  	v1 =	vmul.u32 $0x3, v0;
	_ =	sdelay $0x5  }
0x82: {  	v0 =	vld.idx.msk [tilespmem:v1+s2+$0x0], $0xffff  }
0x83: {  	v2 =	vadd.s32 $0x1, v1;
	_ =	sdelay $0x3  }
0x84: {  	[tilespmem:s1+$0x3A00] =	vst v0  }
0x85: {  	v0 =	vld.idx.msk [tilespmem:v2+s2+$0x0], $0xffff  }
0x86: {  	s3 =	simm.s32 $0x80;
	s4 =	simm.s32 $0x10;
	v1 =	vadd.s32 $0x2, v1  }
.LBB2_6:
0x87: {  	p0 =	sne.s32 s3, $0x27C0;
	v2 =	vld [tilespmem:s4+$0x3000];
	_ =	sdelay $0x2  }
0x88: {  	[tilespmem:s1+$0x4400] =	vst v0  }
0x89: {  	v0 =	vld.idx.msk [tilespmem:v1+s2+$0x0], $0xffff  }
0x8a: {  	v1 =	vmul.u32 $0x3, v2;
	_ =	sdelay $0x4  }
0x8b: {  	[tilespmem:s1+$0x4E00] =	vst v0;
	s1 =	smov.u32 s4  }
0x8c: {  	v0 =	vld.idx.msk [tilespmem:v1+s2+$0x0], $0xffff;
	_ =	sdelay $0x1  }
0x8d: {  	v2 =	vadd.s32 $0x1, v1;
	_ =	sdelay $0x2  }
.Ltmp2:
0x8e: {  	(pc) =	sbr.rel @p0 .LBB2_6-.Ltmp2, $3  }
0x8f: {  	[tilespmem:s1+$0x3A00] =	vst v0  }
0x90: {  	v0 =	vld.idx.msk [tilespmem:v2+s2+$0x0], $0xffff;
	_ =	sdelay $0x1  }
0x91: {  	s4 =	sshra.s32 s3, $0x2;
	s3 =	sadd.s32 $0x40, s3;
	v1 =	vadd.s32 $0x2, v1  }
0x92: {  	v2 =	vld [tilespmem:s4+$0x3000];
	_ =	sdelay $0x3  }
0x93: {  	[tilespmem:s1+$0x4400] =	vst v0  }
0x94: {  	v0 =	vld.idx.msk [tilespmem:v1+s2+$0x0], $0xffff;
	v1 =	vmul.u32 $0x3, v2;
	_ =	sdelay $0x4  }
0x95: {  	[tilespmem:s1+$0x4E00] =	vst v0  }
0x96: {  	v0 =	vld.idx.msk [tilespmem:v1+s2+$0x0], $0xffff  }
0x97: {  	v2 =	vadd.s32 $0x1, v1;
	_ =	sdelay $0x3  }
0x98: {  	[tilespmem:s4+$0x3A00] =	vst v0  }
0x99: {  	v0 =	vld.idx.msk [tilespmem:v2+s2+$0x0], $0xffff  }
0x9a: {  	v1 =	vadd.s32 $0x2, v1;
	_ =	sdelay $0x3  }
0x9b: {  	[tilespmem:s4+$0x4400] =	vst v0  }
0x9c: {  	v0 =	vld.idx.msk [tilespmem:v1+s2+$0x0], $0xffff;
	_ =	sdelay $0x4  }
0x9d: {  	[tilespmem:s4+$0x4E00] =	vst v0  }
0x9e: {  	[hbm4b:s15+s24] =	stream.strided.scatter [tilespmem:s29], [sflag:$0x1], $0xA00, s25, s24, $0x38;
	[tilespmem:$0x5800] =	vst v63  }
0x9f: {  	_ =	swait.ge [sflag:s26], $0xA00  }
0xa0: {  	[sflag:s26] =	ssyncset.done $0x0  }
0xa1: {  	[sflag:s26] =	ssyncadd.s32 $0xFFFFF600  }
0xa2: {  	[hbm4b:s16+s24] =	stream.strided.scatter [tilespmem:s30], [sflag:$0x1], $0xA00, s25, s24, $0x38;
	[tilespmem:$0x5800] =	vst v63  }
0xa3: {  	_ =	swait.ge [sflag:s26], $0xA00  }
0xa4: {  	[sflag:s26] =	ssyncset.done $0x0  }
0xa5: {  	[sflag:s26] =	ssyncadd.s32 $0xFFFFF600  }
0xa6: {  	[hbm4b:s17+s24] =	stream.strided.scatter [tilespmem:s31], [sflag:$0x1], $0xA00, s25, s24, $0x38;
	[tilespmem:$0x5800] =	vst v63  }
0xa7: {  	_ =	swait.ge [sflag:s26], $0xA00  }
0xa8: {  	[sflag:s26] =	ssyncset.done $0x0  }
0xa9: {  	s4 =	simm.s32 $0x0;
	[sflag:s26] =	ssyncadd.s32 $0xFFFFF600  }
0xaa: {  	[tilespmem:s4], [sflag:$0x1] =	stream.strided.gather [hbm4b:s18+s24], $0x3000, s25, s24, $0x38;
	[tilespmem:$0x5800] =	vst v63  }
0xab: {  	_ =	swait.ge [sflag:s26], $0x3000  }
0xac: {  	[sflag:s26] =	ssyncset.done $0x0  }
0xad: {  	[sflag:s26] =	ssyncadd.s32 $0xFFFFD000  }
0xae: {  	[tilespmem:s28], [sflag:$0x1] =	stream.strided.gather [hbm4b:s19+s24], $0xA00, s25, s24, $0x38;
	[tilespmem:$0x5800] =	vst v63  }
0xaf: {  	_ =	swait.ge [sflag:s26], $0xA00  }
0xb0: {  	[sflag:s26] =	ssyncset.done $0x0  }
0xb1: {  	s1 =	simm.s32 $0x0;
	[sflag:s26] =	ssyncadd.s32 $0xFFFFF600  }
0xb2: {  	v0 =	vld [tilespmem:s1+$0x3000];
	_ =	sdelay $0x4  }
0xb3: {  	v1 =	vmul.u32 $0x3, v0;
	_ =	sdelay $0x5  }
0xb4: {  	v0 =	vld.idx.msk [tilespmem:v1+s2+$0x0], $0xffff  }
0xb5: {  	v2 =	vadd.s32 $0x1, v1;
	_ =	sdelay $0x3  }
0xb6: {  	[tilespmem:s1+$0x3A00] =	vst v0  }
0xb7: {  	v0 =	vld.idx.msk [tilespmem:v2+s2+$0x0], $0xffff  }
0xb8: {  	s3 =	simm.s32 $0x80;
	s4 =	simm.s32 $0x10;
	v1 =	vadd.s32 $0x2, v1  }
.LBB2_8:
0xb9: {  	p0 =	sne.s32 s3, $0x27C0;
	v2 =	vld [tilespmem:s4+$0x3000];
	_ =	sdelay $0x2  }
0xba: {  	[tilespmem:s1+$0x4400] =	vst v0  }
0xbb: {  	v0 =	vld.idx.msk [tilespmem:v1+s2+$0x0], $0xffff  }
0xbc: {  	v1 =	vmul.u32 $0x3, v2;
	_ =	sdelay $0x4  }
0xbd: {  	[tilespmem:s1+$0x4E00] =	vst v0;
	s1 =	smov.u32 s4  }
0xbe: {  	v0 =	vld.idx.msk [tilespmem:v1+s2+$0x0], $0xffff;
	_ =	sdelay $0x1  }
0xbf: {  	v2 =	vadd.s32 $0x1, v1;
	_ =	sdelay $0x2  }
.Ltmp3:
0xc0: {  	(pc) =	sbr.rel @p0 .LBB2_8-.Ltmp3, $3  }
0xc1: {  	[tilespmem:s1+$0x3A00] =	vst v0  }
0xc2: {  	v0 =	vld.idx.msk [tilespmem:v2+s2+$0x0], $0xffff;
	_ =	sdelay $0x1  }
0xc3: {  	s4 =	sshra.s32 s3, $0x2;
	s3 =	sadd.s32 $0x40, s3;
	v1 =	vadd.s32 $0x2, v1  }
0xc4: {  	v2 =	vld [tilespmem:s4+$0x3000];
	_ =	sdelay $0x3  }
0xc5: {  	[tilespmem:s1+$0x4400] =	vst v0  }
0xc6: {  	v0 =	vld.idx.msk [tilespmem:v1+s2+$0x0], $0xffff;
	v63 =	vmul.u32 $0x3, v2;
	_ =	sdelay $0x4  }
0xc7: {  	[tilespmem:s1+$0x4E00] =	vst v0  }
0xc8: {  	v0 =	vld.idx.msk [tilespmem:v63+s2+$0x0], $0xffff  }
0xc9: {  	v2 =	vadd.s32 $0x1, v63;
	_ =	sdelay $0x3  }
0xca: {  	[tilespmem:s4+$0x3A00] =	vst v0  }
0xcb: {  	v0 =	vld.idx.msk [tilespmem:v2+s2+$0x0], $0xffff  }
0xcc: {  	v1 =	vadd.s32 $0x2, v63;
	_ =	sdelay $0x3  }
0xcd: {  	[tilespmem:s4+$0x4400] =	vst v0  }
0xce: {  	v0 =	vld.idx.msk [tilespmem:v1+s2+$0x0], $0xffff;
	_ =	sdelay $0x4  }
0xcf: {  	[tilespmem:s4+$0x4E00] =	vst v0  }
0xd0: {  	[hbm4b:s20+s24] =	stream.strided.scatter [tilespmem:s29], [sflag:$0x1], $0xA00, s25, s24, $0x38;
	[tilespmem:$0x5800] =	vst v63  }
0xd1: {  	_ =	swait.ge [sflag:s26], $0xA00  }
0xd2: {  	[sflag:s26] =	ssyncset.done $0x0  }
0xd3: {  	[sflag:s26] =	ssyncadd.s32 $0xFFFFF600  }
0xd4: {  	[hbm4b:s21+s24] =	stream.strided.scatter [tilespmem:s30], [sflag:$0x1], $0xA00, s25, s24, $0x38;
	[tilespmem:$0x5800] =	vst v63  }
0xd5: {  	s0 =	sadd.s32 $0x1, s0;
	_ =	swait.ge [sflag:s26], $0xA00  }
0xd6: {  	p0 =	sne.s32 s0, s23;
	[sflag:s26] =	ssyncset.done $0x0  }
.Ltmp4:
0xd7: {  	[sflag:s26] =	ssyncadd.s32 $0xFFFFF600;
	(pc) =	sbr.rel @p0 .LBB2_1-.Ltmp4, $4  }
0xd8: {  	[hbm4b:s22+s24] =	stream.strided.scatter [tilespmem:s31], [sflag:$0x1], $0xA00, s25, s24, $0x38;
	[tilespmem:$0x5800] =	vst v63  }
0xd9: {  	_ =	swait.ge [sflag:s26], $0xA00  }
0xda: {  	[sflag:s26] =	ssyncset.done $0x0  }
0xdb: {  	[sflag:s26] =	ssyncadd.s32 $0xFFFFF600  }
0xdc: {  	_ =	sfence.sel $0x180000  }
0xdd: {  	[bflag:$0x0] =	sbarrier.arrive $0xFFFF  }
0xde: {  	_ =	strace $0x90000047  }
0xdf: {  	s0 =	stileid.u32;
	[bflag:$0x2] =	sbarrier.arrive $0xFFFF  }
0xe0: {  	p0 =	sne.s32 s0, $0x0;
	s0 =	rddreg [dreg:$0x2]  }
0xe1: {  	s0 =	sadd.s32 @!p0 $0x100000, s0  }
0xe2: {  	[sflag:s0] =	ssyncadd.tile.s32 @!p0 $0x1;
	_ =	shalt  }
.Lfunc_end2:
_tile_overlayer_lowered:
.L_overlay_start_2:
0xe3: {  	(tag) =	ssettag $0x2  }
0xe4: {  	s0 =	rddreg [dreg:$0x0];
	s2 =	stileid.u32  }
0xe5: {  	s1 =	rddreg [dreg:$0x1];
	p0 =	sne.s32 s2, $0x0  }
0xe6: {  	s3 =	rddreg [dreg:$0x2];
	[bflag:$0x3] =	sbarrier.arrive $0xFFFF;
	s2 =	simm.s32 @!p0 $0x1C01  }
0xe7: {  	[timem:s3], [sflag:s2] =	dma.local @!p0 [hbm:s0], s1  }
0xe8: {  	s0 =	simm.s32 @!p0 $0x1  }
0xe9: {  	_ =	swait.ge @!p0 [sflag:s0], s1  }
0xea: {  	s1 =	ssub.s32 @!p0 $0x0, s1;
	[sflag:s0] =	ssyncset.done @!p0 $0x0  }
0xeb: {  	[sflag:s0] =	ssyncadd.s32 @!p0 s1  }
0xec: {  	[bflag:$0x3] =	sbarrier.arrive $0xFFFF  }
0xed: {  	_ =	shalt  }

</sc_bundles>
